<compile_context>
chip_gen: v7x
topology: tpu7x:2x2x1
jax: 0.10.2.dev20260603
libtpu: 0.0.44.dev20260713+nightly
codegen_flags: <defaults>
</compile_context>

<pallas_src>
import functools

import jax
import jax.numpy as jnp
from jax import lax
from jax.experimental import pallas as pl
from jax.experimental.pallas import tpu as pltpu
from jax.experimental.pallas import tpu_sc as plsc

BATCH = 4096
HIST = 200
DIM = 64
NW = 32
ROWS_W = BATCH // NW
PER_W = ROWS_W * HIST
CHUNK = 128
NCHUNK = PER_W // CHUNK
NBUF = 5
NGROUP = NCHUNK // NBUF

_mesh = plsc.VectorSubcoreMesh(core_axis_name="c", subcore_axis_name="s")


def _body(table_hbm, idx_hbm, out_hbm, idx_v,
          b0, b1, b2, b3, b4,
          g0, g1, g2, g3, g4, s0, s1, s2, s3, s4):
    bufs = (b0, b1, b2, b3, b4)
    gsem = (g0, g1, g2, g3, g4)
    ssem = (s0, s1, s2, s3, s4)
    wid = lax.axis_index("s") * 2 + lax.axis_index("c")

    pltpu.sync_copy(idx_hbm.at[pl.ds(wid * PER_W, PER_W)], idx_v)

    def gather_start(j, b):
        pltpu.async_copy(
            table_hbm.at[idx_v.at[pl.ds(j * CHUNK, CHUNK)]], bufs[b], gsem[b])

    def gather_wait(j, b):
        pltpu.make_async_copy(
            table_hbm.at[idx_v.at[pl.ds(j * CHUNK, CHUNK)]], bufs[b],
            gsem[b]).wait()

    def out_dst(j):
        return out_hbm.at[pl.ds(wid * PER_W + j * CHUNK, CHUNK)]

    def store_start(j, b):
        pltpu.async_copy(bufs[b], out_dst(j), ssem[b])

    def store_wait(j, b):
        pltpu.make_async_copy(bufs[b], out_dst(j), ssem[b]).wait()

    for b in range(NBUF):
        gather_start(b, b)

    def group(g, carry):
        for b in range(NBUF):
            j = g * NBUF + b
            gather_wait(j, b)
            store_start(j, b)
            store_wait(j, b)
            gather_start(j + NBUF, b)
        return carry

    lax.fori_loop(0, NGROUP - 1, group, 0)

    for b in range(NBUF):
        j = (NGROUP - 1) * NBUF + b
        gather_wait(j, b)
        store_start(j, b)
    for b in range(NBUF):
        j = (NGROUP - 1) * NBUF + b
        store_wait(j, b)


_call = functools.partial(
    pl.kernel,
    mesh=_mesh,
    out_type=jax.ShapeDtypeStruct((BATCH * HIST, 2 * DIM), jnp.float32),
    scratch_types=(
        [pltpu.VMEM((PER_W,), jnp.int32)]
        + [pltpu.VMEM((CHUNK, 2 * DIM), jnp.float32)] * NBUF
        + [pltpu.SemaphoreType.DMA] * (2 * NBUF)
    ),
)(_body)


VOCAB = 1000000
NWIN = VOCAB // 128
TAIL0 = NWIN * 128
WPW = NWIN // NW + 1


def _bodyA(tblT_hbm, tail_hbm, out_hbm, s0, s1, d0, d1, g0, g1, p0, p1):
    sbufs = (s0, s1)
    dbufs = (d0, d1)
    gsem = (g0, g1)
    ssem = (p0, p1)
    wid = lax.axis_index("s") * 2 + lax.axis_index("c")

    @pl.when(wid == NW - 1)
    def _():
        pltpu.sync_copy(tail_hbm, out_hbm.at[pl.ds(TAIL0, VOCAB - TAIL0)])

    lane = lax.iota(jnp.int32, 16)
    skew = [(lane + j) & 15 for j in range(16)]
    dvecs = [lane + db * 16 for db in range(4)]

    def wof(k):
        return wid + NW * k

    def gather_start(k, slot):
        @pl.when(wof(k) < NWIN)
        def _():
            pltpu.async_copy(tblT_hbm.at[:, pl.ds(wof(k) * 128, 128)],
                             sbufs[slot], gsem[slot])

    def gather_wait(k, slot):
        @pl.when(wof(k) < NWIN)
        def _():
            pltpu.make_async_copy(tblT_hbm.at[:, pl.ds(wof(k) * 128, 128)],
                                  sbufs[slot], gsem[slot]).wait()

    def store_start(k, slot):
        @pl.when(wof(k) < NWIN)
        def _():
            pltpu.async_copy(dbufs[slot],
                             out_hbm.at[pl.ds(wof(k) * 128, 128)], ssem[slot])

    def store_wait(k, slot):
        @pl.when((k >= 0) & (wof(k) < NWIN))
        def _():
            pltpu.make_async_copy(dbufs[slot],
                                  out_hbm.at[pl.ds(wof(k) * 128, 128)],
                                  ssem[slot]).wait()

    gather_start(0, 0)
    gather_start(1, 1)

    def iteration(k, slot):
        gather_wait(k, slot)
        store_wait(k - 2, slot)

        @pl.when(wof(k) < NWIN)
        def _():
            @plsc.parallel_loop(0, 8, 1, unroll=1)
            def _(tb):
                t0 = tb * 16
                tvecs = [t0 + skew[j] for j in range(16)]
                for db in range(4):
                    vs = [plsc.load_gather(sbufs[slot], [dvecs[db], tvecs[j]])
                          for j in range(16)]
                    for j in range(16):
                        plsc.store_scatter(
                            dbufs[slot], [tvecs[j], dvecs[db]], vs[j])
        store_start(k, slot)
        gather_start(k + 2, slot)

    def group(g2, carry):
        iteration(2 * g2, 0)
        iteration(2 * g2 + 1, 1)
        return carry

    lax.fori_loop(0, (WPW + 1) // 2, group, 0)
    store_wait(2 * ((WPW + 1) // 2) - 2, 0)
    store_wait(2 * ((WPW + 1) // 2) - 1, 1)


_callA = functools.partial(
    pl.kernel,
    mesh=_mesh,
    compiler_params=pltpu.CompilerParams(
        needs_layout_passes=False, disable_bounds_checks=True),
    out_type=jax.ShapeDtypeStruct((VOCAB, 2 * DIM), jnp.float32),
    scratch_types=(
        [pltpu.VMEM((DIM, 128), jnp.float32)] * 2
        + [pltpu.VMEM((128, 2 * DIM), jnp.float32)] * 2
        + [pltpu.SemaphoreType.DMA] * 4
    ),
)(_bodyA)


def kernel(token_ids, embedding):
    tail128 = jnp.pad(embedding[TAIL0:], ((0, 0), (0, DIM)))
    table128 = _callA(embedding.T, tail128)
    out5 = _call(table128, token_ids.reshape(-1).astype(jnp.int32))
    return out5.reshape(BATCH, HIST, 2 * DIM)[:, :, :DIM]

# --- scband reference (transcript-rebuilt; emitter-appended) ---
"""Pipeline reference for scband-embedding-18992345383124 (READ-ONLY COPY).

The authoritative reference and input builder live on the scoring server;
editing this copy changes nothing except your own understanding.
"""

import jax, jax.numpy as jnp
import numpy as np

NUM_EMBEDDINGS = 1000000
EMBEDDING_DIM = 64
BATCH = 4096
HIST_LEN = 200


def setup_inputs(seed: int = 0) -> dict:
    key = jax.random.key(seed)
    k_idx, k_emb = jax.random.split(key)
    token_ids = jax.random.randint(k_idx, (BATCH, HIST_LEN), 0, NUM_EMBEDDINGS, dtype=jnp.int64 if jax.config.jax_enable_x64 else jnp.int32)
    # trunc_normal init, std=1, a=-3, b=3 (matches nn.init.trunc_normal_)
    embedding = jax.random.truncated_normal(k_emb, -3.0, 3.0, (NUM_EMBEDDINGS, EMBEDDING_DIM), dtype=jnp.float32)
    return {"token_ids": token_ids, "embedding": embedding}


def reference(token_ids, embedding):
    # faithful to: return self.embedding[token_ids]
    return jnp.take(embedding, token_ids, axis=0)

if __name__ == "__main__":
    import jax
    _d = setup_inputs()
    print(jax.jit(kernel)(*tuple(_d.values())))

</pallas_src>

<mosaic_0001>
#map = affine_map<(d0, d1) -> (0, 0)>
module attributes {stable_mosaic.version = 14 : i64} {
  func.func @_bodyA(%arg0: i32, %arg1: i32, %arg2: memref<64x1000000xf32, #tpu.memory_space<hbm>>, %arg3: memref<64x128xf32, #tpu.memory_space<hbm>>, %arg4: memref<1000000x128xf32, #tpu.memory_space<hbm>>, %arg5: memref<64x128xf32, #tpu.memory_space<vmem>>, %arg6: memref<64x128xf32, #tpu.memory_space<vmem>>, %arg7: memref<128x128xf32, #tpu.memory_space<vmem>>, %arg8: memref<128x128xf32, #tpu.memory_space<vmem>>, %arg9: memref<!tpu.dma_semaphore, #tpu.memory_space<semaphore_mem>>, %arg10: memref<!tpu.dma_semaphore, #tpu.memory_space<semaphore_mem>>, %arg11: memref<!tpu.dma_semaphore, #tpu.memory_space<semaphore_mem>>, %arg12: memref<!tpu.dma_semaphore, #tpu.memory_space<semaphore_mem>>) attributes {dimension_semantics = [#tpu.dimension_semantics<core_parallel>, #tpu.dimension_semantics<subcore_parallel>], iteration_bounds = array<i64: 2, 16>, scalar_prefetch = 0 : i64, scratch_operands = 8 : i64, tpu.core_type = #tpu.core_type<sc_vector_subcore>, window_params = [{transform_indices = #map}, {transform_indices = #map}, {transform_indices = #map}]} {
    %mul3A = arith.constant 2 : i32
    %mul3A_0 = arith.muli %arg1, %mul3A : i32
    %add3A = arith.addi %mul3A_0, %arg0 : i32
    %eq3A = arith.constant 31 : i32
    %eq3A_1 = arith.cmpi eq, %add3A, %eq3A : i32
    %convert_element_type3A = arith.extui %eq3A_1 : i1 to i32
    %cond3A = arith.constant 0 : i32
    %cond3A_2 = arith.cmpi ne, %convert_element_type3A, %cond3A : i32
    scf.if %cond3A_2 {
      "tpu.region"() ({
        %run_scoped3A = tpu.sem_alloc : memref<!tpu.dma_semaphore, #tpu.memory_space<semaphore_mem>>
        %dma_start3A = arith.constant 999936 : i32
        %dma_start3A_146 = arith.constant 0 : i32
        %dma_start3A_147 = tpu.memref_slice %arg4[%dma_start3A, %dma_start3A_146] : memref<1000000x128xf32, #tpu.memory_space<hbm>> -> memref<64x128xf32, #tpu.memory_space<hbm>>
        tpu.enqueue_dma source(%arg3 : memref<64x128xf32, #tpu.memory_space<hbm>>) target(%dma_start3A_147 : memref<64x128xf32, #tpu.memory_space<hbm>>) target_semaphore(%run_scoped3A : memref<!tpu.dma_semaphore, #tpu.memory_space<semaphore_mem>>)
        %dma_wait3A = arith.constant 999936 : i32
        %dma_wait3A_148 = arith.constant 0 : i32
        %dma_wait3A_149 = tpu.memref_slice %arg4[%dma_wait3A, %dma_wait3A_148] : memref<1000000x128xf32, #tpu.memory_space<hbm>> -> memref<64x128xf32, #tpu.memory_space<hbm>>
        tpu.wait_dma2 semaphore(%run_scoped3A : memref<!tpu.dma_semaphore, #tpu.memory_space<semaphore_mem>>) src(%arg3 : memref<64x128xf32, #tpu.memory_space<hbm>>) dst(%dma_wait3A_149 : memref<64x128xf32, #tpu.memory_space<hbm>>)
        tpu.yield
      }) : () -> ()
    } else {
    }
    %iota3A = tpu.iota {dimensions = array<i32: 0>} : vector<16xi32>
    %add3A_3 = arith.constant 0 : i32
    %add3A_4 = vector.broadcast %add3A_3 : i32 to vector<16xi32>
    %add3A_5 = arith.addi %iota3A, %add3A_4 : vector<16xi32>
    %and3A = arith.constant 15 : i32
    %and3A_6 = vector.broadcast %and3A : i32 to vector<16xi32>
    %and3A_7 = arith.andi %add3A_5, %and3A_6 : vector<16xi32>
    %add3A_8 = arith.constant 1 : i32
    %add3A_9 = vector.broadcast %add3A_8 : i32 to vector<16xi32>
    %add3A_10 = arith.addi %iota3A, %add3A_9 : vector<16xi32>
    %and3A_11 = arith.constant 15 : i32
    %and3A_12 = vector.broadcast %and3A_11 : i32 to vector<16xi32>
    %and3A_13 = arith.andi %add3A_10, %and3A_12 : vector<16xi32>
    %add3A_14 = arith.constant 2 : i32
    %add3A_15 = vector.broadcast %add3A_14 : i32 to vector<16xi32>
    %add3A_16 = arith.addi %iota3A, %add3A_15 : vector<16xi32>
    %and3A_17 = arith.constant 15 : i32
    %and3A_18 = vector.broadcast %and3A_17 : i32 to vector<16xi32>
    %and3A_19 = arith.andi %add3A_16, %and3A_18 : vector<16xi32>
    %add3A_20 = arith.constant 3 : i32
    %add3A_21 = vector.broadcast %add3A_20 : i32 to vector<16xi32>
    %add3A_22 = arith.addi %iota3A, %add3A_21 : vector<16xi32>
    %and3A_23 = arith.constant 15 : i32
    %and3A_24 = vector.broadcast %and3A_23 : i32 to vector<16xi32>
    %and3A_25 = arith.andi %add3A_22, %and3A_24 : vector<16xi32>
    %add3A_26 = arith.constant 4 : i32
    %add3A_27 = vector.broadcast %add3A_26 : i32 to vector<16xi32>
    %add3A_28 = arith.addi %iota3A, %add3A_27 : vector<16xi32>
    %and3A_29 = arith.constant 15 : i32
    %and3A_30 = vector.broadcast %and3A_29 : i32 to vector<16xi32>
    %and3A_31 = arith.andi %add3A_28, %and3A_30 : vector<16xi32>
    %add3A_32 = arith.constant 5 : i32
    %add3A_33 = vector.broadcast %add3A_32 : i32 to vector<16xi32>
    %add3A_34 = arith.addi %iota3A, %add3A_33 : vector<16xi32>
    %and3A_35 = arith.constant 15 : i32
    %and3A_36 = vector.broadcast %and3A_35 : i32 to vector<16xi32>
    %and3A_37 = arith.andi %add3A_34, %and3A_36 : vector<16xi32>
    %add3A_38 = arith.constant 6 : i32
    %add3A_39 = vector.broadcast %add3A_38 : i32 to vector<16xi32>
    %add3A_40 = arith.addi %iota3A, %add3A_39 : vector<16xi32>
    %and3A_41 = arith.constant 15 : i32
    %and3A_42 = vector.broadcast %and3A_41 : i32 to vector<16xi32>
    %and3A_43 = arith.andi %add3A_40, %and3A_42 : vector<16xi32>
    %add3A_44 = arith.constant 7 : i32
    %add3A_45 = vector.broadcast %add3A_44 : i32 to vector<16xi32>
    %add3A_46 = arith.addi %iota3A, %add3A_45 : vector<16xi32>
    %and3A_47 = arith.constant 15 : i32
    %and3A_48 = vector.broadcast %and3A_47 : i32 to vector<16xi32>
    %and3A_49 = arith.andi %add3A_46, %and3A_48 : vector<16xi32>
    %add3A_50 = arith.constant 8 : i32
    %add3A_51 = vector.broadcast %add3A_50 : i32 to vector<16xi32>
    %add3A_52 = arith.addi %iota3A, %add3A_51 : vector<16xi32>
    %and3A_53 = arith.constant 15 : i32
    %and3A_54 = vector.broadcast %and3A_53 : i32 to vector<16xi32>
    %and3A_55 = arith.andi %add3A_52, %and3A_54 : vector<16xi32>
    %add3A_56 = arith.constant 9 : i32
    %add3A_57 = vector.broadcast %add3A_56 : i32 to vector<16xi32>
    %add3A_58 = arith.addi %iota3A, %add3A_57 : vector<16xi32>
    %and3A_59 = arith.constant 15 : i32
    %and3A_60 = vector.broadcast %and3A_59 : i32 to vector<16xi32>
    %and3A_61 = arith.andi %add3A_58, %and3A_60 : vector<16xi32>
    %add3A_62 = arith.constant 10 : i32
    %add3A_63 = vector.broadcast %add3A_62 : i32 to vector<16xi32>
    %add3A_64 = arith.addi %iota3A, %add3A_63 : vector<16xi32>
    %and3A_65 = arith.constant 15 : i32
    %and3A_66 = vector.broadcast %and3A_65 : i32 to vector<16xi32>
    %and3A_67 = arith.andi %add3A_64, %and3A_66 : vector<16xi32>
    %add3A_68 = arith.constant 11 : i32
    %add3A_69 = vector.broadcast %add3A_68 : i32 to vector<16xi32>
    %add3A_70 = arith.addi %iota3A, %add3A_69 : vector<16xi32>
    %and3A_71 = arith.constant 15 : i32
    %and3A_72 = vector.broadcast %and3A_71 : i32 to vector<16xi32>
    %and3A_73 = arith.andi %add3A_70, %and3A_72 : vector<16xi32>
    %add3A_74 = arith.constant 12 : i32
    %add3A_75 = vector.broadcast %add3A_74 : i32 to vector<16xi32>
    %add3A_76 = arith.addi %iota3A, %add3A_75 : vector<16xi32>
    %and3A_77 = arith.constant 15 : i32
    %and3A_78 = vector.broadcast %and3A_77 : i32 to vector<16xi32>
    %and3A_79 = arith.andi %add3A_76, %and3A_78 : vector<16xi32>
    %add3A_80 = arith.constant 13 : i32
    %add3A_81 = vector.broadcast %add3A_80 : i32 to vector<16xi32>
    %add3A_82 = arith.addi %iota3A, %add3A_81 : vector<16xi32>
    %and3A_83 = arith.constant 15 : i32
    %and3A_84 = vector.broadcast %and3A_83 : i32 to vector<16xi32>
    %and3A_85 = arith.andi %add3A_82, %and3A_84 : vector<16xi32>
    %add3A_86 = arith.constant 14 : i32
    %add3A_87 = vector.broadcast %add3A_86 : i32 to vector<16xi32>
    %add3A_88 = arith.addi %iota3A, %add3A_87 : vector<16xi32>
    %and3A_89 = arith.constant 15 : i32
    %and3A_90 = vector.broadcast %and3A_89 : i32 to vector<16xi32>
    %and3A_91 = arith.andi %add3A_88, %and3A_90 : vector<16xi32>
    %add3A_92 = arith.constant 15 : i32
    %add3A_93 = vector.broadcast %add3A_92 : i32 to vector<16xi32>
    %add3A_94 = arith.addi %iota3A, %add3A_93 : vector<16xi32>
    %and3A_95 = arith.constant 15 : i32
    %and3A_96 = vector.broadcast %and3A_95 : i32 to vector<16xi32>
    %and3A_97 = arith.andi %add3A_94, %and3A_96 : vector<16xi32>
    %add3A_98 = arith.constant 0 : i32
    %add3A_99 = vector.broadcast %add3A_98 : i32 to vector<16xi32>
    %add3A_100 = arith.addi %iota3A, %add3A_99 : vector<16xi32>
    %add3A_101 = arith.constant 16 : i32
    %add3A_102 = vector.broadcast %add3A_101 : i32 to vector<16xi32>
    %add3A_103 = arith.addi %iota3A, %add3A_102 : vector<16xi32>
    %add3A_104 = arith.constant 32 : i32
    %add3A_105 = vector.broadcast %add3A_104 : i32 to vector<16xi32>
    %add3A_106 = arith.addi %iota3A, %add3A_105 : vector<16xi32>
    %add3A_107 = arith.constant 48 : i32
    %add3A_108 = vector.broadcast %add3A_107 : i32 to vector<16xi32>
    %add3A_109 = arith.addi %iota3A, %add3A_108 : vector<16xi32>
    %add3A_110 = arith.constant 0 : i32
    %add3A_111 = arith.addi %add3A, %add3A_110 : i32
    %lt3A = arith.constant 7812 : i32
    %lt3A_112 = arith.cmpi slt, %add3A_111, %lt3A : i32
    %convert_element_type3A_113 = arith.extui %lt3A_112 : i1 to i32
    %cond3A_114 = arith.constant 0 : i32
    %cond3A_115 = arith.cmpi ne, %convert_element_type3A_113, %cond3A_114 : i32
    scf.if %cond3A_115 {
      %add3A_146 = arith.constant 0 : i32
      %add3A_147 = arith.addi %add3A, %add3A_146 : i32
      %mul3A_148 = arith.constant 128 : i32
      %mul3A_149 = arith.muli %add3A_147, %mul3A_148 : i32
      %dma_start3A = arith.constant 0 : i32
      %dma_start3A_150 = tpu.memref_slice %arg2[%dma_start3A, %mul3A_149] : memref<64x1000000xf32, #tpu.memory_space<hbm>> -> memref<64x128xf32, #tpu.memory_space<hbm>>
      %dma_start3A_151 = arith.constant 0 : i32
      %dma_start3A_152 = tpu.memref_slice %arg2[%dma_start3A_151, %mul3A_149] : memref<64x1000000xf32, #tpu.memory_space<hbm>> -> memref<64x128xf32, #tpu.memory_space<hbm>>
      tpu.enqueue_dma source(%dma_start3A_152 : memref<64x128xf32, #tpu.memory_space<hbm>>) target(%arg5 : memref<64x128xf32, #tpu.memory_space<vmem>>) target_semaphore(%arg9 : memref<!tpu.dma_semaphore, #tpu.memory_space<semaphore_mem>>)
    } else {
    }
    %add3A_116 = arith.constant 32 : i32
    %add3A_117 = arith.addi %add3A, %add3A_116 : i32
    %lt3A_118 = arith.constant 7812 : i32
    %lt3A_119 = arith.cmpi slt, %add3A_117, %lt3A_118 : i32
    %convert_element_type3A_120 = arith.extui %lt3A_119 : i1 to i32
    %cond3A_121 = arith.constant 0 : i32
    %cond3A_122 = arith.cmpi ne, %convert_element_type3A_120, %cond3A_121 : i32
    scf.if %cond3A_122 {
      %add3A_146 = arith.constant 32 : i32
      %add3A_147 = arith.addi %add3A, %add3A_146 : i32
      %mul3A_148 = arith.constant 128 : i32
      %mul3A_149 = arith.muli %add3A_147, %mul3A_148 : i32
      %dma_start3A = arith.constant 0 : i32
      %dma_start3A_150 = tpu.memref_slice %arg2[%dma_start3A, %mul3A_149] : memref<64x1000000xf32, #tpu.memory_space<hbm>> -> memref<64x128xf32, #tpu.memory_space<hbm>>
      %dma_start3A_151 = arith.constant 0 : i32
      %dma_start3A_152 = tpu.memref_slice %arg2[%dma_start3A_151, %mul3A_149] : memref<64x1000000xf32, #tpu.memory_space<hbm>> -> memref<64x128xf32, #tpu.memory_space<hbm>>
      tpu.enqueue_dma source(%dma_start3A_152 : memref<64x128xf32, #tpu.memory_space<hbm>>) target(%arg6 : memref<64x128xf32, #tpu.memory_space<vmem>>) target_semaphore(%arg10 : memref<!tpu.dma_semaphore, #tpu.memory_space<semaphore_mem>>)
    } else {
    }
    %scan3A = arith.constant 0 : i32
    %scan3A_123 = arith.constant 0 : i32
    %scan3A_124 = arith.constant 123 : i32
    %scan3A_125 = arith.addi %scan3A_123, %scan3A_124 : i32
    %scan3A_126 = arith.constant 1 : i32
    scf.for %scan3A_146 = %scan3A_123 to %scan3A_125 step %scan3A_126  : i32 {
      %mul3A_147 = arith.constant 2 : i32
      %mul3A_148 = arith.muli %mul3A_147, %scan3A_146 : i32
      %mul3A_149 = arith.constant 32 : i32
      %mul3A_150 = arith.muli %mul3A_149, %mul3A_148 : i32
      %add3A_151 = arith.addi %add3A, %mul3A_150 : i32
      %lt3A_152 = arith.constant 7812 : i32
      %lt3A_153 = arith.cmpi slt, %add3A_151, %lt3A_152 : i32
      %convert_element_type3A_154 = arith.extui %lt3A_153 : i1 to i32
      %cond3A_155 = arith.constant 0 : i32
      %cond3A_156 = arith.cmpi ne, %convert_element_type3A_154, %cond3A_155 : i32
      scf.if %cond3A_156 {
        %mul3A_245 = arith.constant 32 : i32
        %mul3A_246 = arith.muli %mul3A_245, %mul3A_148 : i32
        %add3A_247 = arith.addi %add3A, %mul3A_246 : i32
        %mul3A_248 = arith.constant 128 : i32
        %mul3A_249 = arith.muli %add3A_247, %mul3A_248 : i32
        %dma_wait3A = arith.constant 0 : i32
        %dma_wait3A_250 = tpu.memref_slice %arg2[%dma_wait3A, %mul3A_249] : memref<64x1000000xf32, #tpu.memory_space<hbm>> -> memref<64x128xf32, #tpu.memory_space<hbm>>
        %dma_wait3A_251 = arith.constant 0 : i32
        %dma_wait3A_252 = tpu.memref_slice %arg2[%dma_wait3A_251, %mul3A_249] : memref<64x1000000xf32, #tpu.memory_space<hbm>> -> memref<64x128xf32, #tpu.memory_space<hbm>>
        tpu.wait_dma2 semaphore(%arg9 : memref<!tpu.dma_semaphore, #tpu.memory_space<semaphore_mem>>) src(%dma_wait3A_252 : memref<64x128xf32, #tpu.memory_space<hbm>>) dst(%arg5 : memref<64x128xf32, #tpu.memory_space<vmem>>)
      } else {
      }
      %sub3A = arith.constant 2 : i32
      %sub3A_157 = arith.subi %mul3A_148, %sub3A : i32
      %ge3A = arith.constant 0 : i32
      %ge3A_158 = arith.cmpi sge, %sub3A_157, %ge3A : i32
      %mul3A_159 = arith.constant 32 : i32
      %mul3A_160 = arith.muli %mul3A_159, %sub3A_157 : i32
      %add3A_161 = arith.addi %add3A, %mul3A_160 : i32
      %lt3A_162 = arith.constant 7812 : i32
      %lt3A_163 = arith.cmpi slt, %add3A_161, %lt3A_162 : i32
      %and3A_164 = arith.andi %ge3A_158, %lt3A_163 : i1
      %convert_element_type3A_165 = arith.extui %and3A_164 : i1 to i32
      %cond3A_166 = arith.constant 0 : i32
      %cond3A_167 = arith.cmpi ne, %convert_element_type3A_165, %cond3A_166 : i32
      scf.if %cond3A_167 {
        %mul3A_245 = arith.constant 32 : i32
        %mul3A_246 = arith.muli %mul3A_245, %sub3A_157 : i32
        %add3A_247 = arith.addi %add3A, %mul3A_246 : i32
        %mul3A_248 = arith.constant 128 : i32
        %mul3A_249 = arith.muli %add3A_247, %mul3A_248 : i32
        %dma_wait3A = arith.constant 0 : i32
        %dma_wait3A_250 = tpu.memref_slice %arg4[%mul3A_249, %dma_wait3A] : memref<1000000x128xf32, #tpu.memory_space<hbm>> -> memref<128x128xf32, #tpu.memory_space<hbm>>
        %dma_wait3A_251 = arith.constant 0 : i32
        %dma_wait3A_252 = tpu.memref_slice %arg4[%mul3A_249, %dma_wait3A_251] : memref<1000000x128xf32, #tpu.memory_space<hbm>> -> memref<128x128xf32, #tpu.memory_space<hbm>>
        tpu.wait_dma2 semaphore(%arg11 : memref<!tpu.dma_semaphore, #tpu.memory_space<semaphore_mem>>) src(%arg7 : memref<128x128xf32, #tpu.memory_space<vmem>>) dst(%dma_wait3A_252 : memref<128x128xf32, #tpu.memory_space<hbm>>)
      } else {
      }
      %mul3A_168 = arith.constant 32 : i32
      %mul3A_169 = arith.muli %mul3A_168, %mul3A_148 : i32
      %add3A_170 = arith.addi %add3A, %mul3A_169 : i32
      %lt3A_171 = arith.constant 7812 : i32
      %lt3A_172 = arith.cmpi slt, %add3A_170, %lt3A_171 : i32
      %convert_element_type3A_173 = arith.extui %lt3A_172 : i1 to i32
      %cond3A_174 = arith.constant 0 : i32
      %cond3A_175 = arith.cmpi ne, %convert_element_type3A_173, %cond3A_174 : i32
      scf.if %cond3A_175 {
        %parallel_loop3A = arith.constant 0 : i32
        %parallel_loop3A_245 = arith.constant 8 : i32
        %parallel_loop3A_246 = arith.constant 1 : i32
        scf.for %parallel_loop3A_247 = %parallel_loop3A to %parallel_loop3A_245 step %parallel_loop3A_246  : i32 {
          %parallel_loop3A_248 = arith.constant 16 : i32
          %parallel_loop3A_249 = arith.muli %parallel_loop3A_247, %parallel_loop3A_248 : i32
          %parallel_loop3A_250 = vector.broadcast %parallel_loop3A_249 : i32 to vector<16xi32>
          %parallel_loop3A_251 = arith.addi %parallel_loop3A_250, %and3A_7 : vector<16xi32>
          %parallel_loop3A_252 = vector.broadcast %parallel_loop3A_249 : i32 to vector<16xi32>
          %parallel_loop3A_253 = arith.addi %parallel_loop3A_252, %and3A_13 : vector<16xi32>
          %parallel_loop3A_254 = vector.broadcast %parallel_loop3A_249 : i32 to vector<16xi32>
          %parallel_loop3A_255 = arith.addi %parallel_loop3A_254, %and3A_19 : vector<16xi32>
          %parallel_loop3A_256 = vector.broadcast %parallel_loop3A_249 : i32 to vector<16xi32>
          %parallel_loop3A_257 = arith.addi %parallel_loop3A_256, %and3A_25 : vector<16xi32>
          %parallel_loop3A_258 = vector.broadcast %parallel_loop3A_249 : i32 to vector<16xi32>
          %parallel_loop3A_259 = arith.addi %parallel_loop3A_258, %and3A_31 : vector<16xi32>
          %parallel_loop3A_260 = vector.broadcast %parallel_loop3A_249 : i32 to vector<16xi32>
          %parallel_loop3A_261 = arith.addi %parallel_loop3A_260, %and3A_37 : vector<16xi32>
          %parallel_loop3A_262 = vector.broadcast %parallel_loop3A_249 : i32 to vector<16xi32>
          %parallel_loop3A_263 = arith.addi %parallel_loop3A_262, %and3A_43 : vector<16xi32>
          %parallel_loop3A_264 = vector.broadcast %parallel_loop3A_249 : i32 to vector<16xi32>
          %parallel_loop3A_265 = arith.addi %parallel_loop3A_264, %and3A_49 : vector<16xi32>
          %parallel_loop3A_266 = vector.broadcast %parallel_loop3A_249 : i32 to vector<16xi32>
          %parallel_loop3A_267 = arith.addi %parallel_loop3A_266, %and3A_55 : vector<16xi32>
          %parallel_loop3A_268 = vector.broadcast %parallel_loop3A_249 : i32 to vector<16xi32>
          %parallel_loop3A_269 = arith.addi %parallel_loop3A_268, %and3A_61 : vector<16xi32>
          %parallel_loop3A_270 = vector.broadcast %parallel_loop3A_249 : i32 to vector<16xi32>
          %parallel_loop3A_271 = arith.addi %parallel_loop3A_270, %and3A_67 : vector<16xi32>
          %parallel_loop3A_272 = vector.broadcast %parallel_loop3A_249 : i32 to vector<16xi32>
          %parallel_loop3A_273 = arith.addi %parallel_loop3A_272, %and3A_73 : vector<16xi32>
          %parallel_loop3A_274 = vector.broadcast %parallel_loop3A_249 : i32 to vector<16xi32>
          %parallel_loop3A_275 = arith.addi %parallel_loop3A_274, %and3A_79 : vector<16xi32>
          %parallel_loop3A_276 = vector.broadcast %parallel_loop3A_249 : i32 to vector<16xi32>
          %parallel_loop3A_277 = arith.addi %parallel_loop3A_276, %and3A_85 : vector<16xi32>
          %parallel_loop3A_278 = vector.broadcast %parallel_loop3A_249 : i32 to vector<16xi32>
          %parallel_loop3A_279 = arith.addi %parallel_loop3A_278, %and3A_91 : vector<16xi32>
          %parallel_loop3A_280 = vector.broadcast %parallel_loop3A_249 : i32 to vector<16xi32>
          %parallel_loop3A_281 = arith.addi %parallel_loop3A_280, %and3A_97 : vector<16xi32>
          %parallel_loop3A_282 = tpu.vector_load_idx %arg5[%add3A_100, %parallel_loop3A_251] : memref<64x128xf32, #tpu.memory_space<vmem>>[vector<16xi32>, vector<16xi32>], vector<16xf32>,
          %parallel_loop3A_283 = tpu.vector_load_idx %arg5[%add3A_100, %parallel_loop3A_253] : memref<64x128xf32, #tpu.memory_space<vmem>>[vector<16xi32>, vector<16xi32>], vector<16xf32>,
          %parallel_loop3A_284 = tpu.vector_load_idx %arg5[%add3A_100, %parallel_loop3A_255] : memref<64x128xf32, #tpu.memory_space<vmem>>[vector<16xi32>, vector<16xi32>], vector<16xf32>,
          %parallel_loop3A_285 = tpu.vector_load_idx %arg5[%add3A_100, %parallel_loop3A_257] : memref<64x128xf32, #tpu.memory_space<vmem>>[vector<16xi32>, vector<16xi32>], vector<16xf32>,
          %parallel_loop3A_286 = tpu.vector_load_idx %arg5[%add3A_100, %parallel_loop3A_259] : memref<64x128xf32, #tpu.memory_space<vmem>>[vector<16xi32>, vector<16xi32>], vector<16xf32>,
          %parallel_loop3A_287 = tpu.vector_load_idx %arg5[%add3A_100, %parallel_loop3A_261] : memref<64x128xf32, #tpu.memory_space<vmem>>[vector<16xi32>, vector<16xi32>], vector<16xf32>,
          %parallel_loop3A_288 = tpu.vector_load_idx %arg5[%add3A_100, %parallel_loop3A_263] : memref<64x128xf32, #tpu.memory_space<vmem>>[vector<16xi32>, vector<16xi32>], vector<16xf32>,
          %parallel_loop3A_289 = tpu.vector_load_idx %arg5[%add3A_100, %parallel_loop3A_265] : memref<64x128xf32, #tpu.memory_space<vmem>>[vector<16xi32>, vector<16xi32>], vector<16xf32>,
          %parallel_loop3A_290 = tpu.vector_load_idx %arg5[%add3A_100, %parallel_loop3A_267] : memref<64x128xf32, #tpu.memory_space<vmem>>[vector<16xi32>, vector<16xi32>], vector<16xf32>,
          %parallel_loop3A_291 = tpu.vector_load_idx %arg5[%add3A_100, %parallel_loop3A_269] : memref<64x128xf32, #tpu.memory_space<vmem>>[vector<16xi32>, vector<16xi32>], vector<16xf32>,
          %parallel_loop3A_292 = tpu.vector_load_idx %arg5[%add3A_100, %parallel_loop3A_271] : memref<64x128xf32, #tpu.memory_space<vmem>>[vector<16xi32>, vector<16xi32>], vector<16xf32>,
          %parallel_loop3A_293 = tpu.vector_load_idx %arg5[%add3A_100, %parallel_loop3A_273] : memref<64x128xf32, #tpu.memory_space<vmem>>[vector<16xi32>, vector<16xi32>], vector<16xf32>,
          %parallel_loop3A_294 = tpu.vector_load_idx %arg5[%add3A_100, %parallel_loop3A_275] : memref<64x128xf32, #tpu.memory_space<vmem>>[vector<16xi32>, vector<16xi32>], vector<16xf32>,
          %parallel_loop3A_295 = tpu.vector_load_idx %arg5[%add3A_100, %parallel_loop3A_277] : memref<64x128xf32, #tpu.memory_space<vmem>>[vector<16xi32>, vector<16xi32>], vector<16xf32>,
          %parallel_loop3A_296 = tpu.vector_load_idx %arg5[%add3A_100, %parallel_loop3A_279] : memref<64x128xf32, #tpu.memory_space<vmem>>[vector<16xi32>, vector<16xi32>], vector<16xf32>,
          %parallel_loop3A_297 = tpu.vector_load_idx %arg5[%add3A_100, %parallel_loop3A_281] : memref<64x128xf32, #tpu.memory_space<vmem>>[vector<16xi32>, vector<16xi32>], vector<16xf32>,
          tpu.vector_store_idx %arg7[%parallel_loop3A_251, %add3A_100], %parallel_loop3A_282 : memref<128x128xf32, #tpu.memory_space<vmem>>[vector<16xi32>, vector<16xi32>], vector<16xf32>,
          tpu.vector_store_idx %arg7[%parallel_loop3A_253, %add3A_100], %parallel_loop3A_283 : memref<128x128xf32, #tpu.memory_space<vmem>>[vector<16xi32>, vector<16xi32>], vector<16xf32>,
          tpu.vector_store_idx %arg7[%parallel_loop3A_255, %add3A_100], %parallel_loop3A_284 : memref<128x128xf32, #tpu.memory_space<vmem>>[vector<16xi32>, vector<16xi32>], vector<16xf32>,
          tpu.vector_store_idx %arg7[%parallel_loop3A_257, %add3A_100], %parallel_loop3A_285 : memref<128x128xf32, #tpu.memory_space<vmem>>[vector<16xi32>, vector<16xi32>], vector<16xf32>,
          tpu.vector_store_idx %arg7[%parallel_loop3A_259, %add3A_100], %parallel_loop3A_286 : memref<128x128xf32, #tpu.memory_space<vmem>>[vector<16xi32>, vector<16xi32>], vector<16xf32>,
          tpu.vector_store_idx %arg7[%parallel_loop3A_261, %add3A_100], %parallel_loop3A_287 : memref<128x128xf32, #tpu.memory_space<vmem>>[vector<16xi32>, vector<16xi32>], vector<16xf32>,
          tpu.vector_store_idx %arg7[%parallel_loop3A_263, %add3A_100], %parallel_loop3A_288 : memref<128x128xf32, #tpu.memory_space<vmem>>[vector<16xi32>, vector<16xi32>], vector<16xf32>,
          tpu.vector_store_idx %arg7[%parallel_loop3A_265, %add3A_100], %parallel_loop3A_289 : memref<128x128xf32, #tpu.memory_space<vmem>>[vector<16xi32>, vector<16xi32>], vector<16xf32>,
          tpu.vector_store_idx %arg7[%parallel_loop3A_267, %add3A_100], %parallel_loop3A_290 : memref<128x128xf32, #tpu.memory_space<vmem>>[vector<16xi32>, vector<16xi32>], vector<16xf32>,
          tpu.vector_store_idx %arg7[%parallel_loop3A_269, %add3A_100], %parallel_loop3A_291 : memref<128x128xf32, #tpu.memory_space<vmem>>[vector<16xi32>, vector<16xi32>], vector<16xf32>,
          tpu.vector_store_idx %arg7[%parallel_loop3A_271, %add3A_100], %parallel_loop3A_292 : memref<128x128xf32, #tpu.memory_space<vmem>>[vector<16xi32>, vector<16xi32>], vector<16xf32>,
          tpu.vector_store_idx %arg7[%parallel_loop3A_273, %add3A_100], %parallel_loop3A_293 : memref<128x128xf32, #tpu.memory_space<vmem>>[vector<16xi32>, vector<16xi32>], vector<16xf32>,
          tpu.vector_store_idx %arg7[%parallel_loop3A_275, %add3A_100], %parallel_loop3A_294 : memref<128x128xf32, #tpu.memory_space<vmem>>[vector<16xi32>, vector<16xi32>], vector<16xf32>,
          tpu.vector_store_idx %arg7[%parallel_loop3A_277, %add3A_100], %parallel_loop3A_295 : memref<128x128xf32, #tpu.memory_space<vmem>>[vector<16xi32>, vector<16xi32>], vector<16xf32>,
          tpu.vector_store_idx %arg7[%parallel_loop3A_279, %add3A_100], %parallel_loop3A_296 : memref<128x128xf32, #tpu.memory_space<vmem>>[vector<16xi32>, vector<16xi32>], vector<16xf32>,
          tpu.vector_store_idx %arg7[%parallel_loop3A_281, %add3A_100], %parallel_loop3A_297 : memref<128x128xf32, #tpu.memory_space<vmem>>[vector<16xi32>, vector<16xi32>], vector<16xf32>,
          %parallel_loop3A_298 = tpu.vector_load_idx %arg5[%add3A_103, %parallel_loop3A_251] : memref<64x128xf32, #tpu.memory_space<vmem>>[vector<16xi32>, vector<16xi32>], vector<16xf32>,
          %parallel_loop3A_299 = tpu.vector_load_idx %arg5[%add3A_103, %parallel_loop3A_253] : memref<64x128xf32, #tpu.memory_space<vmem>>[vector<16xi32>, vector<16xi32>], vector<16xf32>,
          %parallel_loop3A_300 = tpu.vector_load_idx %arg5[%add3A_103, %parallel_loop3A_255] : memref<64x128xf32, #tpu.memory_space<vmem>>[vector<16xi32>, vector<16xi32>], vector<16xf32>,
          %parallel_loop3A_301 = tpu.vector_load_idx %arg5[%add3A_103, %parallel_loop3A_257] : memref<64x128xf32, #tpu.memory_space<vmem>>[vector<16xi32>, vector<16xi32>], vector<16xf32>,
          %parallel_loop3A_302 = tpu.vector_load_idx %arg5[%add3A_103, %parallel_loop3A_259] : memref<64x128xf32, #tpu.memory_space<vmem>>[vector<16xi32>, vector<16xi32>], vector<16xf32>,
          %parallel_loop3A_303 = tpu.vector_load_idx %arg5[%add3A_103, %parallel_loop3A_261] : memref<64x128xf32, #tpu.memory_space<vmem>>[vector<16xi32>, vector<16xi32>], vector<16xf32>,
          %parallel_loop3A_304 = tpu.vector_load_idx %arg5[%add3A_103, %parallel_loop3A_263] : memref<64x128xf32, #tpu.memory_space<vmem>>[vector<16xi32>, vector<16xi32>], vector<16xf32>,
          %parallel_loop3A_305 = tpu.vector_load_idx %arg5[%add3A_103, %parallel_loop3A_265] : memref<64x128xf32, #tpu.memory_space<vmem>>[vector<16xi32>, vector<16xi32>], vector<16xf32>,
          %parallel_loop3A_306 = tpu.vector_load_idx %arg5[%add3A_103, %parallel_loop3A_267] : memref<64x128xf32, #tpu.memory_space<vmem>>[vector<16xi32>, vector<16xi32>], vector<16xf32>,
          %parallel_loop3A_307 = tpu.vector_load_idx %arg5[%add3A_103, %parallel_loop3A_269] : memref<64x128xf32, #tpu.memory_space<vmem>>[vector<16xi32>, vector<16xi32>], vector<16xf32>,
          %parallel_loop3A_308 = tpu.vector_load_idx %arg5[%add3A_103, %parallel_loop3A_271] : memref<64x128xf32, #tpu.memory_space<vmem>>[vector<16xi32>, vector<16xi32>], vector<16xf32>,
          %parallel_loop3A_309 = tpu.vector_load_idx %arg5[%add3A_103, %parallel_loop3A_273] : memref<64x128xf32, #tpu.memory_space<vmem>>[vector<16xi32>, vector<16xi32>], vector<16xf32>,
          %parallel_loop3A_310 = tpu.vector_load_idx %arg5[%add3A_103, %parallel_loop3A_275] : memref<64x128xf32, #tpu.memory_space<vmem>>[vector<16xi32>, vector<16xi32>], vector<16xf32>,
          %parallel_loop3A_311 = tpu.vector_load_idx %arg5[%add3A_103, %parallel_loop3A_277] : memref<64x128xf32, #tpu.memory_space<vmem>>[vector<16xi32>, vector<16xi32>], vector<16xf32>,
          %parallel_loop3A_312 = tpu.vector_load_idx %arg5[%add3A_103, %parallel_loop3A_279] : memref<64x128xf32, #tpu.memory_space<vmem>>[vector<16xi32>, vector<16xi32>], vector<16xf32>,
          %parallel_loop3A_313 = tpu.vector_load_idx %arg5[%add3A_103, %parallel_loop3A_281] : memref<64x128xf32, #tpu.memory_space<vmem>>[vector<16xi32>, vector<16xi32>], vector<16xf32>,
          tpu.vector_store_idx %arg7[%parallel_loop3A_251, %add3A_103], %parallel_loop3A_298 : memref<128x128xf32, #tpu.memory_space<vmem>>[vector<16xi32>, vector<16xi32>], vector<16xf32>,
          tpu.vector_store_idx %arg7[%parallel_loop3A_253, %add3A_103], %parallel_loop3A_299 : memref<128x128xf32, #tpu.memory_space<vmem>>[vector<16xi32>, vector<16xi32>], vector<16xf32>,
          tpu.vector_store_idx %arg7[%parallel_loop3A_255, %add3A_103], %parallel_loop3A_300 : memref<128x128xf32, #tpu.memory_space<vmem>>[vector<16xi32>, vector<16xi32>], vector<16xf32>,
          tpu.vector_store_idx %arg7[%parallel_loop3A_257, %add3A_103], %parallel_loop3A_301 : memref<128x128xf32, #tpu.memory_space<vmem>>[vector<16xi32>, vector<16xi32>], vector<16xf32>,
          tpu.vector_store_idx %arg7[%parallel_loop3A_259, %add3A_103], %parallel_loop3A_302 : memref<128x128xf32, #tpu.memory_space<vmem>>[vector<16xi32>, vector<16xi32>], vector<16xf32>,
          tpu.vector_store_idx %arg7[%parallel_loop3A_261, %add3A_103], %parallel_loop3A_303 : memref<128x128xf32, #tpu.memory_space<vmem>>[vector<16xi32>, vector<16xi32>], vector<16xf32>,
          tpu.vector_store_idx %arg7[%parallel_loop3A_263, %add3A_103], %parallel_loop3A_304 : memref<128x128xf32, #tpu.memory_space<vmem>>[vector<16xi32>, vector<16xi32>], vector<16xf32>,
          tpu.vector_store_idx %arg7[%parallel_loop3A_265, %add3A_103], %parallel_loop3A_305 : memref<128x128xf32, #tpu.memory_space<vmem>>[vector<16xi32>, vector<16xi32>], vector<16xf32>,
          tpu.vector_store_idx %arg7[%parallel_loop3A_267, %add3A_103], %parallel_loop3A_306 : memref<128x128xf32, #tpu.memory_space<vmem>>[vector<16xi32>, vector<16xi32>], vector<16xf32>,
          tpu.vector_store_idx %arg7[%parallel_loop3A_269, %add3A_103], %parallel_loop3A_307 : memref<128x128xf32, #tpu.memory_space<vmem>>[vector<16xi32>, vector<16xi32>], vector<16xf32>,
          tpu.vector_store_idx %arg7[%parallel_loop3A_271, %add3A_103], %parallel_loop3A_308 : memref<128x128xf32, #tpu.memory_space<vmem>>[vector<16xi32>, vector<16xi32>], vector<16xf32>,
          tpu.vector_store_idx %arg7[%parallel_loop3A_273, %add3A_103], %parallel_loop3A_309 : memref<128x128xf32, #tpu.memory_space<vmem>>[vector<16xi32>, vector<16xi32>], vector<16xf32>,
          tpu.vector_store_idx %arg7[%parallel_loop3A_275, %add3A_103], %parallel_loop3A_310 : memref<128x128xf32, #tpu.memory_space<vmem>>[vector<16xi32>, vector<16xi32>], vector<16xf32>,
          tpu.vector_store_idx %arg7[%parallel_loop3A_277, %add3A_103], %parallel_loop3A_311 : memref<128x128xf32, #tpu.memory_space<vmem>>[vector<16xi32>, vector<16xi32>], vector<16xf32>,
          tpu.vector_store_idx %arg7[%parallel_loop3A_279, %add3A_103], %parallel_loop3A_312 : memref<128x128xf32, #tpu.memory_space<vmem>>[vector<16xi32>, vector<16xi32>], vector<16xf32>,
          tpu.vector_store_idx %arg7[%parallel_loop3A_281, %add3A_103], %parallel_loop3A_313 : memref<128x128xf32, #tpu.memory_space<vmem>>[vector<16xi32>, vector<16xi32>], vector<16xf32>,
          %parallel_loop3A_314 = tpu.vector_load_idx %arg5[%add3A_106, %parallel_loop3A_251] : memref<64x128xf32, #tpu.memory_space<vmem>>[vector<16xi32>, vector<16xi32>], vector<16xf32>,
          %parallel_loop3A_315 = tpu.vector_load_idx %arg5[%add3A_106, %parallel_loop3A_253] : memref<64x128xf32, #tpu.memory_space<vmem>>[vector<16xi32>, vector<16xi32>], vector<16xf32>,
          %parallel_loop3A_316 = tpu.vector_load_idx %arg5[%add3A_106, %parallel_loop3A_255] : memref<64x128xf32, #tpu.memory_space<vmem>>[vector<16xi32>, vector<16xi32>], vector<16xf32>,
          %parallel_loop3A_317 = tpu.vector_load_idx %arg5[%add3A_106, %parallel_loop3A_257] : memref<64x128xf32, #tpu.memory_space<vmem>>[vector<16xi32>, vector<16xi32>], vector<16xf32>,
          %parallel_loop3A_318 = tpu.vector_load_idx %arg5[%add3A_106, %parallel_loop3A_259] : memref<64x128xf32, #tpu.memory_space<vmem>>[vector<16xi32>, vector<16xi32>], vector<16xf32>,
          %parallel_loop3A_319 = tpu.vector_load_idx %arg5[%add3A_106, %parallel_loop3A_261] : memref<64x128xf32, #tpu.memory_space<vmem>>[vector<16xi32>, vector<16xi32>], vector<16xf32>,
          %parallel_loop3A_320 = tpu.vector_load_idx %arg5[%add3A_106, %parallel_loop3A_263] : memref<64x128xf32, #tpu.memory_space<vmem>>[vector<16xi32>, vector<16xi32>], vector<16xf32>,
          %parallel_loop3A_321 = tpu.vector_load_idx %arg5[%add3A_106, %parallel_loop3A_265] : memref<64x128xf32, #tpu.memory_space<vmem>>[vector<16xi32>, vector<16xi32>], vector<16xf32>,
          %parallel_loop3A_322 = tpu.vector_load_idx %arg5[%add3A_106, %parallel_loop3A_267] : memref<64x128xf32, #tpu.memory_space<vmem>>[vector<16xi32>, vector<16xi32>], vector<16xf32>,
          %parallel_loop3A_323 = tpu.vector_load_idx %arg5[%add3A_106, %parallel_loop3A_269] : memref<64x128xf32, #tpu.memory_space<vmem>>[vector<16xi32>, vector<16xi32>], vector<16xf32>,
          %parallel_loop3A_324 = tpu.vector_load_idx %arg5[%add3A_106, %parallel_loop3A_271] : memref<64x128xf32, #tpu.memory_space<vmem>>[vector<16xi32>, vector<16xi32>], vector<16xf32>,
          %parallel_loop3A_325 = tpu.vector_load_idx %arg5[%add3A_106, %parallel_loop3A_273] : memref<64x128xf32, #tpu.memory_space<vmem>>[vector<16xi32>, vector<16xi32>], vector<16xf32>,
          %parallel_loop3A_326 = tpu.vector_load_idx %arg5[%add3A_106, %parallel_loop3A_275] : memref<64x128xf32, #tpu.memory_space<vmem>>[vector<16xi32>, vector<16xi32>], vector<16xf32>,
          %parallel_loop3A_327 = tpu.vector_load_idx %arg5[%add3A_106, %parallel_loop3A_277] : memref<64x128xf32, #tpu.memory_space<vmem>>[vector<16xi32>, vector<16xi32>], vector<16xf32>,
          %parallel_loop3A_328 = tpu.vector_load_idx %arg5[%add3A_106, %parallel_loop3A_279] : memref<64x128xf32, #tpu.memory_space<vmem>>[vector<16xi32>, vector<16xi32>], vector<16xf32>,
          %parallel_loop3A_329 = tpu.vector_load_idx %arg5[%add3A_106, %parallel_loop3A_281] : memref<64x128xf32, #tpu.memory_space<vmem>>[vector<16xi32>, vector<16xi32>], vector<16xf32>,
          tpu.vector_store_idx %arg7[%parallel_loop3A_251, %add3A_106], %parallel_loop3A_314 : memref<128x128xf32, #tpu.memory_space<vmem>>[vector<16xi32>, vector<16xi32>], vector<16xf32>,
          tpu.vector_store_idx %arg7[%parallel_loop3A_253, %add3A_106], %parallel_loop3A_315 : memref<128x128xf32, #tpu.memory_space<vmem>>[vector<16xi32>, vector<16xi32>], vector<16xf32>,
          tpu.vector_store_idx %arg7[%parallel_loop3A_255, %add3A_106], %parallel_loop3A_316 : memref<128x128xf32, #tpu.memory_space<vmem>>[vector<16xi32>, vector<16xi32>], vector<16xf32>,
          tpu.vector_store_idx %arg7[%parallel_loop3A_257, %add3A_106], %parallel_loop3A_317 : memref<128x128xf32, #tpu.memory_space<vmem>>[vector<16xi32>, vector<16xi32>], vector<16xf32>,
          tpu.vector_store_idx %arg7[%parallel_loop3A_259, %add3A_106], %parallel_loop3A_318 : memref<128x128xf32, #tpu.memory_space<vmem>>[vector<16xi32>, vector<16xi32>], vector<16xf32>,
          tpu.vector_store_idx %arg7[%parallel_loop3A_261, %add3A_106], %parallel_loop3A_319 : memref<128x128xf32, #tpu.memory_space<vmem>>[vector<16xi32>, vector<16xi32>], vector<16xf32>,
          tpu.vector_store_idx %arg7[%parallel_loop3A_263, %add3A_106], %parallel_loop3A_320 : memref<128x128xf32, #tpu.memory_space<vmem>>[vector<16xi32>, vector<16xi32>], vector<16xf32>,
          tpu.vector_store_idx %arg7[%parallel_loop3A_265, %add3A_106], %parallel_loop3A_321 : memref<128x128xf32, #tpu.memory_space<vmem>>[vector<16xi32>, vector<16xi32>], vector<16xf32>,
          tpu.vector_store_idx %arg7[%parallel_loop3A_267, %add3A_106], %parallel_loop3A_322 : memref<128x128xf32, #tpu.memory_space<vmem>>[vector<16xi32>, vector<16xi32>], vector<16xf32>,
          tpu.vector_store_idx %arg7[%parallel_loop3A_269, %add3A_106], %parallel_loop3A_323 : memref<128x128xf32, #tpu.memory_space<vmem>>[vector<16xi32>, vector<16xi32>], vector<16xf32>,
          tpu.vector_store_idx %arg7[%parallel_loop3A_271, %add3A_106], %parallel_loop3A_324 : memref<128x128xf32, #tpu.memory_space<vmem>>[vector<16xi32>, vector<16xi32>], vector<16xf32>,
          tpu.vector_store_idx %arg7[%parallel_loop3A_273, %add3A_106], %parallel_loop3A_325 : memref<128x128xf32, #tpu.memory_space<vmem>>[vector<16xi32>, vector<16xi32>], vector<16xf32>,
          tpu.vector_store_idx %arg7[%parallel_loop3A_275, %add3A_106], %parallel_loop3A_326 : memref<128x128xf32, #tpu.memory_space<vmem>>[vector<16xi32>, vector<16xi32>], vector<16xf32>,
          tpu.vector_store_idx %arg7[%parallel_loop3A_277, %add3A_106], %parallel_loop3A_327 : memref<128x128xf32, #tpu.memory_space<vmem>>[vector<16xi32>, vector<16xi32>], vector<16xf32>,
          tpu.vector_store_idx %arg7[%parallel_loop3A_279, %add3A_106], %parallel_loop3A_328 : memref<128x128xf32, #tpu.memory_space<vmem>>[vector<16xi32>, vector<16xi32>], vector<16xf32>,
          tpu.vector_store_idx %arg7[%parallel_loop3A_281, %add3A_106], %parallel_loop3A_329 : memref<128x128xf32, #tpu.memory_space<vmem>>[vector<16xi32>, vector<16xi32>], vector<16xf32>,
          %parallel_loop3A_330 = tpu.vector_load_idx %arg5[%add3A_109, %parallel_loop3A_251] : memref<64x128xf32, #tpu.memory_space<vmem>>[vector<16xi32>, vector<16xi32>], vector<16xf32>,
          %parallel_loop3A_331 = tpu.vector_load_idx %arg5[%add3A_109, %parallel_loop3A_253] : memref<64x128xf32, #tpu.memory_space<vmem>>[vector<16xi32>, vector<16xi32>], vector<16xf32>,
          %parallel_loop3A_332 = tpu.vector_load_idx %arg5[%add3A_109, %parallel_loop3A_255] : memref<64x128xf32, #tpu.memory_space<vmem>>[vector<16xi32>, vector<16xi32>], vector<16xf32>,
          %parallel_loop3A_333 = tpu.vector_load_idx %arg5[%add3A_109, %parallel_loop3A_257] : memref<64x128xf32, #tpu.memory_space<vmem>>[vector<16xi32>, vector<16xi32>], vector<16xf32>,
          %parallel_loop3A_334 = tpu.vector_load_idx %arg5[%add3A_109, %parallel_loop3A_259] : memref<64x128xf32, #tpu.memory_space<vmem>>[vector<16xi32>, vector<16xi32>], vector<16xf32>,
          %parallel_loop3A_335 = tpu.vector_load_idx %arg5[%add3A_109, %parallel_loop3A_261] : memref<64x128xf32, #tpu.memory_space<vmem>>[vector<16xi32>, vector<16xi32>], vector<16xf32>,
          %parallel_loop3A_336 = tpu.vector_load_idx %arg5[%add3A_109, %parallel_loop3A_263] : memref<64x128xf32, #tpu.memory_space<vmem>>[vector<16xi32>, vector<16xi32>], vector<16xf32>,
          %parallel_loop3A_337 = tpu.vector_load_idx %arg5[%add3A_109, %parallel_loop3A_265] : memref<64x128xf32, #tpu.memory_space<vmem>>[vector<16xi32>, vector<16xi32>], vector<16xf32>,
          %parallel_loop3A_338 = tpu.vector_load_idx %arg5[%add3A_109, %parallel_loop3A_267] : memref<64x128xf32, #tpu.memory_space<vmem>>[vector<16xi32>, vector<16xi32>], vector<16xf32>,
          %parallel_loop3A_339 = tpu.vector_load_idx %arg5[%add3A_109, %parallel_loop3A_269] : memref<64x128xf32, #tpu.memory_space<vmem>>[vector<16xi32>, vector<16xi32>], vector<16xf32>,
          %parallel_loop3A_340 = tpu.vector_load_idx %arg5[%add3A_109, %parallel_loop3A_271] : memref<64x128xf32, #tpu.memory_space<vmem>>[vector<16xi32>, vector<16xi32>], vector<16xf32>,
          %parallel_loop3A_341 = tpu.vector_load_idx %arg5[%add3A_109, %parallel_loop3A_273] : memref<64x128xf32, #tpu.memory_space<vmem>>[vector<16xi32>, vector<16xi32>], vector<16xf32>,
          %parallel_loop3A_342 = tpu.vector_load_idx %arg5[%add3A_109, %parallel_loop3A_275] : memref<64x128xf32, #tpu.memory_space<vmem>>[vector<16xi32>, vector<16xi32>], vector<16xf32>,
          %parallel_loop3A_343 = tpu.vector_load_idx %arg5[%add3A_109, %parallel_loop3A_277] : memref<64x128xf32, #tpu.memory_space<vmem>>[vector<16xi32>, vector<16xi32>], vector<16xf32>,
          %parallel_loop3A_344 = tpu.vector_load_idx %arg5[%add3A_109, %parallel_loop3A_279] : memref<64x128xf32, #tpu.memory_space<vmem>>[vector<16xi32>, vector<16xi32>], vector<16xf32>,
          %parallel_loop3A_345 = tpu.vector_load_idx %arg5[%add3A_109, %parallel_loop3A_281] : memref<64x128xf32, #tpu.memory_space<vmem>>[vector<16xi32>, vector<16xi32>], vector<16xf32>,
          tpu.vector_store_idx %arg7[%parallel_loop3A_251, %add3A_109], %parallel_loop3A_330 : memref<128x128xf32, #tpu.memory_space<vmem>>[vector<16xi32>, vector<16xi32>], vector<16xf32>,
          tpu.vector_store_idx %arg7[%parallel_loop3A_253, %add3A_109], %parallel_loop3A_331 : memref<128x128xf32, #tpu.memory_space<vmem>>[vector<16xi32>, vector<16xi32>], vector<16xf32>,
          tpu.vector_store_idx %arg7[%parallel_loop3A_255, %add3A_109], %parallel_loop3A_332 : memref<128x128xf32, #tpu.memory_space<vmem>>[vector<16xi32>, vector<16xi32>], vector<16xf32>,
          tpu.vector_store_idx %arg7[%parallel_loop3A_257, %add3A_109], %parallel_loop3A_333 : memref<128x128xf32, #tpu.memory_space<vmem>>[vector<16xi32>, vector<16xi32>], vector<16xf32>,
          tpu.vector_store_idx %arg7[%parallel_loop3A_259, %add3A_109], %parallel_loop3A_334 : memref<128x128xf32, #tpu.memory_space<vmem>>[vector<16xi32>, vector<16xi32>], vector<16xf32>,
          tpu.vector_store_idx %arg7[%parallel_loop3A_261, %add3A_109], %parallel_loop3A_335 : memref<128x128xf32, #tpu.memory_space<vmem>>[vector<16xi32>, vector<16xi32>], vector<16xf32>,
          tpu.vector_store_idx %arg7[%parallel_loop3A_263, %add3A_109], %parallel_loop3A_336 : memref<128x128xf32, #tpu.memory_space<vmem>>[vector<16xi32>, vector<16xi32>], vector<16xf32>,
          tpu.vector_store_idx %arg7[%parallel_loop3A_265, %add3A_109], %parallel_loop3A_337 : memref<128x128xf32, #tpu.memory_space<vmem>>[vector<16xi32>, vector<16xi32>], vector<16xf32>,
          tpu.vector_store_idx %arg7[%parallel_loop3A_267, %add3A_109], %parallel_loop3A_338 : memref<128x128xf32, #tpu.memory_space<vmem>>[vector<16xi32>, vector<16xi32>], vector<16xf32>,
          tpu.vector_store_idx %arg7[%parallel_loop3A_269, %add3A_109], %parallel_loop3A_339 : memref<128x128xf32, #tpu.memory_space<vmem>>[vector<16xi32>, vector<16xi32>], vector<16xf32>,
          tpu.vector_store_idx %arg7[%parallel_loop3A_271, %add3A_109], %parallel_loop3A_340 : memref<128x128xf32, #tpu.memory_space<vmem>>[vector<16xi32>, vector<16xi32>], vector<16xf32>,
          tpu.vector_store_idx %arg7[%parallel_loop3A_273, %add3A_109], %parallel_loop3A_341 : memref<128x128xf32, #tpu.memory_space<vmem>>[vector<16xi32>, vector<16xi32>], vector<16xf32>,
          tpu.vector_store_idx %arg7[%parallel_loop3A_275, %add3A_109], %parallel_loop3A_342 : memref<128x128xf32, #tpu.memory_space<vmem>>[vector<16xi32>, vector<16xi32>], vector<16xf32>,
          tpu.vector_store_idx %arg7[%parallel_loop3A_277, %add3A_109], %parallel_loop3A_343 : memref<128x128xf32, #tpu.memory_space<vmem>>[vector<16xi32>, vector<16xi32>], vector<16xf32>,
          tpu.vector_store_idx %arg7[%parallel_loop3A_279, %add3A_109], %parallel_loop3A_344 : memref<128x128xf32, #tpu.memory_space<vmem>>[vector<16xi32>, vector<16xi32>], vector<16xf32>,
          tpu.vector_store_idx %arg7[%parallel_loop3A_281, %add3A_109], %parallel_loop3A_345 : memref<128x128xf32, #tpu.memory_space<vmem>>[vector<16xi32>, vector<16xi32>], vector<16xf32>,
        } {sc.loop_unroll_factor = 1 : i64, sc.parallel_access}
      } else {
      }
      %mul3A_176 = arith.constant 32 : i32
      %mul3A_177 = arith.muli %mul3A_176, %mul3A_148 : i32
      %add3A_178 = arith.addi %add3A, %mul3A_177 : i32
      %lt3A_179 = arith.constant 7812 : i32
      %lt3A_180 = arith.cmpi slt, %add3A_178, %lt3A_179 : i32
      %convert_element_type3A_181 = arith.extui %lt3A_180 : i1 to i32
      %cond3A_182 = arith.constant 0 : i32
      %cond3A_183 = arith.cmpi ne, %convert_element_type3A_181, %cond3A_182 : i32
      scf.if %cond3A_183 {
        %mul3A_245 = arith.constant 32 : i32
        %mul3A_246 = arith.muli %mul3A_245, %mul3A_148 : i32
        %add3A_247 = arith.addi %add3A, %mul3A_246 : i32
        %mul3A_248 = arith.constant 128 : i32
        %mul3A_249 = arith.muli %add3A_247, %mul3A_248 : i32
        %dma_start3A = arith.constant 0 : i32
        %dma_start3A_250 = tpu.memref_slice %arg4[%mul3A_249, %dma_start3A] : memref<1000000x128xf32, #tpu.memory_space<hbm>> -> memref<128x128xf32, #tpu.memory_space<hbm>>
        %dma_start3A_251 = arith.constant 0 : i32
        %dma_start3A_252 = tpu.memref_slice %arg4[%mul3A_249, %dma_start3A_251] : memref<1000000x128xf32, #tpu.memory_space<hbm>> -> memref<128x128xf32, #tpu.memory_space<hbm>>
        tpu.enqueue_dma source(%arg7 : memref<128x128xf32, #tpu.memory_space<vmem>>) target(%dma_start3A_252 : memref<128x128xf32, #tpu.memory_space<hbm>>) target_semaphore(%arg11 : memref<!tpu.dma_semaphore, #tpu.memory_space<semaphore_mem>>)
      } else {
      }
      %add3A_184 = arith.constant 2 : i32
      %add3A_185 = arith.addi %mul3A_148, %add3A_184 : i32
      %mul3A_186 = arith.constant 32 : i32
      %mul3A_187 = arith.muli %mul3A_186, %add3A_185 : i32
      %add3A_188 = arith.addi %add3A, %mul3A_187 : i32
      %lt3A_189 = arith.constant 7812 : i32
      %lt3A_190 = arith.cmpi slt, %add3A_188, %lt3A_189 : i32
      %convert_element_type3A_191 = arith.extui %lt3A_190 : i1 to i32
      %cond3A_192 = arith.constant 0 : i32
      %cond3A_193 = arith.cmpi ne, %convert_element_type3A_191, %cond3A_192 : i32
      scf.if %cond3A_193 {
        %mul3A_245 = arith.constant 32 : i32
        %mul3A_246 = arith.muli %mul3A_245, %add3A_185 : i32
        %add3A_247 = arith.addi %add3A, %mul3A_246 : i32
        %mul3A_248 = arith.constant 128 : i32
        %mul3A_249 = arith.muli %add3A_247, %mul3A_248 : i32
        %dma_start3A = arith.constant 0 : i32
        %dma_start3A_250 = tpu.memref_slice %arg2[%dma_start3A, %mul3A_249] : memref<64x1000000xf32, #tpu.memory_space<hbm>> -> memref<64x128xf32, #tpu.memory_space<hbm>>
        %dma_start3A_251 = arith.constant 0 : i32
        %dma_start3A_252 = tpu.memref_slice %arg2[%dma_start3A_251, %mul3A_249] : memref<64x1000000xf32, #tpu.memory_space<hbm>> -> memref<64x128xf32, #tpu.memory_space<hbm>>
        tpu.enqueue_dma source(%dma_start3A_252 : memref<64x128xf32, #tpu.memory_space<hbm>>) target(%arg5 : memref<64x128xf32, #tpu.memory_space<vmem>>) target_semaphore(%arg9 : memref<!tpu.dma_semaphore, #tpu.memory_space<semaphore_mem>>)
      } else {
      }
      %mul3A_194 = arith.constant 2 : i32
      %mul3A_195 = arith.muli %mul3A_194, %scan3A_146 : i32
      %add3A_196 = arith.constant 1 : i32
      %add3A_197 = arith.addi %mul3A_195, %add3A_196 : i32
      %mul3A_198 = arith.constant 32 : i32
      %mul3A_199 = arith.muli %mul3A_198, %add3A_197 : i32
      %add3A_200 = arith.addi %add3A, %mul3A_199 : i32
      %lt3A_201 = arith.constant 7812 : i32
      %lt3A_202 = arith.cmpi slt, %add3A_200, %lt3A_201 : i32
      %convert_element_type3A_203 = arith.extui %lt3A_202 : i1 to i32
      %cond3A_204 = arith.constant 0 : i32
      %cond3A_205 = arith.cmpi ne, %convert_element_type3A_203, %cond3A_204 : i32
      scf.if %cond3A_205 {
        %mul3A_245 = arith.constant 32 : i32
        %mul3A_246 = arith.muli %mul3A_245, %add3A_197 : i32
        %add3A_247 = arith.addi %add3A, %mul3A_246 : i32
        %mul3A_248 = arith.constant 128 : i32
        %mul3A_249 = arith.muli %add3A_247, %mul3A_248 : i32
        %dma_wait3A = arith.constant 0 : i32
        %dma_wait3A_250 = tpu.memref_slice %arg2[%dma_wait3A, %mul3A_249] : memref<64x1000000xf32, #tpu.memory_space<hbm>> -> memref<64x128xf32, #tpu.memory_space<hbm>>
        %dma_wait3A_251 = arith.constant 0 : i32
        %dma_wait3A_252 = tpu.memref_slice %arg2[%dma_wait3A_251, %mul3A_249] : memref<64x1000000xf32, #tpu.memory_space<hbm>> -> memref<64x128xf32, #tpu.memory_space<hbm>>
        tpu.wait_dma2 semaphore(%arg10 : memref<!tpu.dma_semaphore, #tpu.memory_space<semaphore_mem>>) src(%dma_wait3A_252 : memref<64x128xf32, #tpu.memory_space<hbm>>) dst(%arg6 : memref<64x128xf32, #tpu.memory_space<vmem>>)
      } else {
      }
      %sub3A_206 = arith.constant 2 : i32
      %sub3A_207 = arith.subi %add3A_197, %sub3A_206 : i32
      %ge3A_208 = arith.constant 0 : i32
      %ge3A_209 = arith.cmpi sge, %sub3A_207, %ge3A_208 : i32
      %mul3A_210 = arith.constant 32 : i32
      %mul3A_211 = arith.muli %mul3A_210, %sub3A_207 : i32
      %add3A_212 = arith.addi %add3A, %mul3A_211 : i32
      %lt3A_213 = arith.constant 7812 : i32
      %lt3A_214 = arith.cmpi slt, %add3A_212, %lt3A_213 : i32
      %and3A_215 = arith.andi %ge3A_209, %lt3A_214 : i1
      %convert_element_type3A_216 = arith.extui %and3A_215 : i1 to i32
      %cond3A_217 = arith.constant 0 : i32
      %cond3A_218 = arith.cmpi ne, %convert_element_type3A_216, %cond3A_217 : i32
      scf.if %cond3A_218 {
        %mul3A_245 = arith.constant 32 : i32
        %mul3A_246 = arith.muli %mul3A_245, %sub3A_207 : i32
        %add3A_247 = arith.addi %add3A, %mul3A_246 : i32
        %mul3A_248 = arith.constant 128 : i32
        %mul3A_249 = arith.muli %add3A_247, %mul3A_248 : i32
        %dma_wait3A = arith.constant 0 : i32
        %dma_wait3A_250 = tpu.memref_slice %arg4[%mul3A_249, %dma_wait3A] : memref<1000000x128xf32, #tpu.memory_space<hbm>> -> memref<128x128xf32, #tpu.memory_space<hbm>>
        %dma_wait3A_251 = arith.constant 0 : i32
        %dma_wait3A_252 = tpu.memref_slice %arg4[%mul3A_249, %dma_wait3A_251] : memref<1000000x128xf32, #tpu.memory_space<hbm>> -> memref<128x128xf32, #tpu.memory_space<hbm>>
        tpu.wait_dma2 semaphore(%arg12 : memref<!tpu.dma_semaphore, #tpu.memory_space<semaphore_mem>>) src(%arg8 : memref<128x128xf32, #tpu.memory_space<vmem>>) dst(%dma_wait3A_252 : memref<128x128xf32, #tpu.memory_space<hbm>>)
      } else {
      }
      %mul3A_219 = arith.constant 32 : i32
      %mul3A_220 = arith.muli %mul3A_219, %add3A_197 : i32
      %add3A_221 = arith.addi %add3A, %mul3A_220 : i32
      %lt3A_222 = arith.constant 7812 : i32
      %lt3A_223 = arith.cmpi slt, %add3A_221, %lt3A_222 : i32
      %convert_element_type3A_224 = arith.extui %lt3A_223 : i1 to i32
      %cond3A_225 = arith.constant 0 : i32
      %cond3A_226 = arith.cmpi ne, %convert_element_type3A_224, %cond3A_225 : i32
      scf.if %cond3A_226 {
        %parallel_loop3A = arith.constant 0 : i32
        %parallel_loop3A_245 = arith.constant 8 : i32
        %parallel_loop3A_246 = arith.constant 1 : i32
        scf.for %parallel_loop3A_247 = %parallel_loop3A to %parallel_loop3A_245 step %parallel_loop3A_246  : i32 {
          %parallel_loop3A_248 = arith.constant 16 : i32
          %parallel_loop3A_249 = arith.muli %parallel_loop3A_247, %parallel_loop3A_248 : i32
          %parallel_loop3A_250 = vector.broadcast %parallel_loop3A_249 : i32 to vector<16xi32>
          %parallel_loop3A_251 = arith.addi %parallel_loop3A_250, %and3A_7 : vector<16xi32>
          %parallel_loop3A_252 = vector.broadcast %parallel_loop3A_249 : i32 to vector<16xi32>
          %parallel_loop3A_253 = arith.addi %parallel_loop3A_252, %and3A_13 : vector<16xi32>
          %parallel_loop3A_254 = vector.broadcast %parallel_loop3A_249 : i32 to vector<16xi32>
          %parallel_loop3A_255 = arith.addi %parallel_loop3A_254, %and3A_19 : vector<16xi32>
          %parallel_loop3A_256 = vector.broadcast %parallel_loop3A_249 : i32 to vector<16xi32>
          %parallel_loop3A_257 = arith.addi %parallel_loop3A_256, %and3A_25 : vector<16xi32>
          %parallel_loop3A_258 = vector.broadcast %parallel_loop3A_249 : i32 to vector<16xi32>
          %parallel_loop3A_259 = arith.addi %parallel_loop3A_258, %and3A_31 : vector<16xi32>
          %parallel_loop3A_260 = vector.broadcast %parallel_loop3A_249 : i32 to vector<16xi32>
          %parallel_loop3A_261 = arith.addi %parallel_loop3A_260, %and3A_37 : vector<16xi32>
          %parallel_loop3A_262 = vector.broadcast %parallel_loop3A_249 : i32 to vector<16xi32>
          %parallel_loop3A_263 = arith.addi %parallel_loop3A_262, %and3A_43 : vector<16xi32>
          %parallel_loop3A_264 = vector.broadcast %parallel_loop3A_249 : i32 to vector<16xi32>
          %parallel_loop3A_265 = arith.addi %parallel_loop3A_264, %and3A_49 : vector<16xi32>
          %parallel_loop3A_266 = vector.broadcast %parallel_loop3A_249 : i32 to vector<16xi32>
          %parallel_loop3A_267 = arith.addi %parallel_loop3A_266, %and3A_55 : vector<16xi32>
          %parallel_loop3A_268 = vector.broadcast %parallel_loop3A_249 : i32 to vector<16xi32>
          %parallel_loop3A_269 = arith.addi %parallel_loop3A_268, %and3A_61 : vector<16xi32>
          %parallel_loop3A_270 = vector.broadcast %parallel_loop3A_249 : i32 to vector<16xi32>
          %parallel_loop3A_271 = arith.addi %parallel_loop3A_270, %and3A_67 : vector<16xi32>
          %parallel_loop3A_272 = vector.broadcast %parallel_loop3A_249 : i32 to vector<16xi32>
          %parallel_loop3A_273 = arith.addi %parallel_loop3A_272, %and3A_73 : vector<16xi32>
          %parallel_loop3A_274 = vector.broadcast %parallel_loop3A_249 : i32 to vector<16xi32>
          %parallel_loop3A_275 = arith.addi %parallel_loop3A_274, %and3A_79 : vector<16xi32>
          %parallel_loop3A_276 = vector.broadcast %parallel_loop3A_249 : i32 to vector<16xi32>
          %parallel_loop3A_277 = arith.addi %parallel_loop3A_276, %and3A_85 : vector<16xi32>
          %parallel_loop3A_278 = vector.broadcast %parallel_loop3A_249 : i32 to vector<16xi32>
          %parallel_loop3A_279 = arith.addi %parallel_loop3A_278, %and3A_91 : vector<16xi32>
          %parallel_loop3A_280 = vector.broadcast %parallel_loop3A_249 : i32 to vector<16xi32>
          %parallel_loop3A_281 = arith.addi %parallel_loop3A_280, %and3A_97 : vector<16xi32>
          %parallel_loop3A_282 = tpu.vector_load_idx %arg6[%add3A_100, %parallel_loop3A_251] : memref<64x128xf32, #tpu.memory_space<vmem>>[vector<16xi32>, vector<16xi32>], vector<16xf32>,
          %parallel_loop3A_283 = tpu.vector_load_idx %arg6[%add3A_100, %parallel_loop3A_253] : memref<64x128xf32, #tpu.memory_space<vmem>>[vector<16xi32>, vector<16xi32>], vector<16xf32>,
          %parallel_loop3A_284 = tpu.vector_load_idx %arg6[%add3A_100, %parallel_loop3A_255] : memref<64x128xf32, #tpu.memory_space<vmem>>[vector<16xi32>, vector<16xi32>], vector<16xf32>,
          %parallel_loop3A_285 = tpu.vector_load_idx %arg6[%add3A_100, %parallel_loop3A_257] : memref<64x128xf32, #tpu.memory_space<vmem>>[vector<16xi32>, vector<16xi32>], vector<16xf32>,
          %parallel_loop3A_286 = tpu.vector_load_idx %arg6[%add3A_100, %parallel_loop3A_259] : memref<64x128xf32, #tpu.memory_space<vmem>>[vector<16xi32>, vector<16xi32>], vector<16xf32>,
          %parallel_loop3A_287 = tpu.vector_load_idx %arg6[%add3A_100, %parallel_loop3A_261] : memref<64x128xf32, #tpu.memory_space<vmem>>[vector<16xi32>, vector<16xi32>], vector<16xf32>,
          %parallel_loop3A_288 = tpu.vector_load_idx %arg6[%add3A_100, %parallel_loop3A_263] : memref<64x128xf32, #tpu.memory_space<vmem>>[vector<16xi32>, vector<16xi32>], vector<16xf32>,
          %parallel_loop3A_289 = tpu.vector_load_idx %arg6[%add3A_100, %parallel_loop3A_265] : memref<64x128xf32, #tpu.memory_space<vmem>>[vector<16xi32>, vector<16xi32>], vector<16xf32>,
          %parallel_loop3A_290 = tpu.vector_load_idx %arg6[%add3A_100, %parallel_loop3A_267] : memref<64x128xf32, #tpu.memory_space<vmem>>[vector<16xi32>, vector<16xi32>], vector<16xf32>,
          %parallel_loop3A_291 = tpu.vector_load_idx %arg6[%add3A_100, %parallel_loop3A_269] : memref<64x128xf32, #tpu.memory_space<vmem>>[vector<16xi32>, vector<16xi32>], vector<16xf32>,
          %parallel_loop3A_292 = tpu.vector_load_idx %arg6[%add3A_100, %parallel_loop3A_271] : memref<64x128xf32, #tpu.memory_space<vmem>>[vector<16xi32>, vector<16xi32>], vector<16xf32>,
          %parallel_loop3A_293 = tpu.vector_load_idx %arg6[%add3A_100, %parallel_loop3A_273] : memref<64x128xf32, #tpu.memory_space<vmem>>[vector<16xi32>, vector<16xi32>], vector<16xf32>,
          %parallel_loop3A_294 = tpu.vector_load_idx %arg6[%add3A_100, %parallel_loop3A_275] : memref<64x128xf32, #tpu.memory_space<vmem>>[vector<16xi32>, vector<16xi32>], vector<16xf32>,
          %parallel_loop3A_295 = tpu.vector_load_idx %arg6[%add3A_100, %parallel_loop3A_277] : memref<64x128xf32, #tpu.memory_space<vmem>>[vector<16xi32>, vector<16xi32>], vector<16xf32>,
          %parallel_loop3A_296 = tpu.vector_load_idx %arg6[%add3A_100, %parallel_loop3A_279] : memref<64x128xf32, #tpu.memory_space<vmem>>[vector<16xi32>, vector<16xi32>], vector<16xf32>,
          %parallel_loop3A_297 = tpu.vector_load_idx %arg6[%add3A_100, %parallel_loop3A_281] : memref<64x128xf32, #tpu.memory_space<vmem>>[vector<16xi32>, vector<16xi32>], vector<16xf32>,
          tpu.vector_store_idx %arg8[%parallel_loop3A_251, %add3A_100], %parallel_loop3A_282 : memref<128x128xf32, #tpu.memory_space<vmem>>[vector<16xi32>, vector<16xi32>], vector<16xf32>,
          tpu.vector_store_idx %arg8[%parallel_loop3A_253, %add3A_100], %parallel_loop3A_283 : memref<128x128xf32, #tpu.memory_space<vmem>>[vector<16xi32>, vector<16xi32>], vector<16xf32>,
          tpu.vector_store_idx %arg8[%parallel_loop3A_255, %add3A_100], %parallel_loop3A_284 : memref<128x128xf32, #tpu.memory_space<vmem>>[vector<16xi32>, vector<16xi32>], vector<16xf32>,
          tpu.vector_store_idx %arg8[%parallel_loop3A_257, %add3A_100], %parallel_loop3A_285 : memref<128x128xf32, #tpu.memory_space<vmem>>[vector<16xi32>, vector<16xi32>], vector<16xf32>,
          tpu.vector_store_idx %arg8[%parallel_loop3A_259, %add3A_100], %parallel_loop3A_286 : memref<128x128xf32, #tpu.memory_space<vmem>>[vector<16xi32>, vector<16xi32>], vector<16xf32>,
          tpu.vector_store_idx %arg8[%parallel_loop3A_261, %add3A_100], %parallel_loop3A_287 : memref<128x128xf32, #tpu.memory_space<vmem>>[vector<16xi32>, vector<16xi32>], vector<16xf32>,
          tpu.vector_store_idx %arg8[%parallel_loop3A_263, %add3A_100], %parallel_loop3A_288 : memref<128x128xf32, #tpu.memory_space<vmem>>[vector<16xi32>, vector<16xi32>], vector<16xf32>,
          tpu.vector_store_idx %arg8[%parallel_loop3A_265, %add3A_100], %parallel_loop3A_289 : memref<128x128xf32, #tpu.memory_space<vmem>>[vector<16xi32>, vector<16xi32>], vector<16xf32>,
          tpu.vector_store_idx %arg8[%parallel_loop3A_267, %add3A_100], %parallel_loop3A_290 : memref<128x128xf32, #tpu.memory_space<vmem>>[vector<16xi32>, vector<16xi32>], vector<16xf32>,
          tpu.vector_store_idx %arg8[%parallel_loop3A_269, %add3A_100], %parallel_loop3A_291 : memref<128x128xf32, #tpu.memory_space<vmem>>[vector<16xi32>, vector<16xi32>], vector<16xf32>,
          tpu.vector_store_idx %arg8[%parallel_loop3A_271, %add3A_100], %parallel_loop3A_292 : memref<128x128xf32, #tpu.memory_space<vmem>>[vector<16xi32>, vector<16xi32>], vector<16xf32>,
          tpu.vector_store_idx %arg8[%parallel_loop3A_273, %add3A_100], %parallel_loop3A_293 : memref<128x128xf32, #tpu.memory_space<vmem>>[vector<16xi32>, vector<16xi32>], vector<16xf32>,
          tpu.vector_store_idx %arg8[%parallel_loop3A_275, %add3A_100], %parallel_loop3A_294 : memref<128x128xf32, #tpu.memory_space<vmem>>[vector<16xi32>, vector<16xi32>], vector<16xf32>,
          tpu.vector_store_idx %arg8[%parallel_loop3A_277, %add3A_100], %parallel_loop3A_295 : memref<128x128xf32, #tpu.memory_space<vmem>>[vector<16xi32>, vector<16xi32>], vector<16xf32>,
          tpu.vector_store_idx %arg8[%parallel_loop3A_279, %add3A_100], %parallel_loop3A_296 : memref<128x128xf32, #tpu.memory_space<vmem>>[vector<16xi32>, vector<16xi32>], vector<16xf32>,
          tpu.vector_store_idx %arg8[%parallel_loop3A_281, %add3A_100], %parallel_loop3A_297 : memref<128x128xf32, #tpu.memory_space<vmem>>[vector<16xi32>, vector<16xi32>], vector<16xf32>,
          %parallel_loop3A_298 = tpu.vector_load_idx %arg6[%add3A_103, %parallel_loop3A_251] : memref<64x128xf32, #tpu.memory_space<vmem>>[vector<16xi32>, vector<16xi32>], vector<16xf32>,
          %parallel_loop3A_299 = tpu.vector_load_idx %arg6[%add3A_103, %parallel_loop3A_253] : memref<64x128xf32, #tpu.memory_space<vmem>>[vector<16xi32>, vector<16xi32>], vector<16xf32>,
          %parallel_loop3A_300 = tpu.vector_load_idx %arg6[%add3A_103, %parallel_loop3A_255] : memref<64x128xf32, #tpu.memory_space<vmem>>[vector<16xi32>, vector<16xi32>], vector<16xf32>,
          %parallel_loop3A_301 = tpu.vector_load_idx %arg6[%add3A_103, %parallel_loop3A_257] : memref<64x128xf32, #tpu.memory_space<vmem>>[vector<16xi32>, vector<16xi32>], vector<16xf32>,
          %parallel_loop3A_302 = tpu.vector_load_idx %arg6[%add3A_103, %parallel_loop3A_259] : memref<64x128xf32, #tpu.memory_space<vmem>>[vector<16xi32>, vector<16xi32>], vector<16xf32>,
          %parallel_loop3A_303 = tpu.vector_load_idx %arg6[%add3A_103, %parallel_loop3A_261] : memref<64x128xf32, #tpu.memory_space<vmem>>[vector<16xi32>, vector<16xi32>], vector<16xf32>,
          %parallel_loop3A_304 = tpu.vector_load_idx %arg6[%add3A_103, %parallel_loop3A_263] : memref<64x128xf32, #tpu.memory_space<vmem>>[vector<16xi32>, vector<16xi32>], vector<16xf32>,
          %parallel_loop3A_305 = tpu.vector_load_idx %arg6[%add3A_103, %parallel_loop3A_265] : memref<64x128xf32, #tpu.memory_space<vmem>>[vector<16xi32>, vector<16xi32>], vector<16xf32>,
          %parallel_loop3A_306 = tpu.vector_load_idx %arg6[%add3A_103, %parallel_loop3A_267] : memref<64x128xf32, #tpu.memory_space<vmem>>[vector<16xi32>, vector<16xi32>], vector<16xf32>,
          %parallel_loop3A_307 = tpu.vector_load_idx %arg6[%add3A_103, %parallel_loop3A_269] : memref<64x128xf32, #tpu.memory_space<vmem>>[vector<16xi32>, vector<16xi32>], vector<16xf32>,
          %parallel_loop3A_308 = tpu.vector_load_idx %arg6[%add3A_103, %parallel_loop3A_271] : memref<64x128xf32, #tpu.memory_space<vmem>>[vector<16xi32>, vector<16xi32>], vector<16xf32>,
          %parallel_loop3A_309 = tpu.vector_load_idx %arg6[%add3A_103, %parallel_loop3A_273] : memref<64x128xf32, #tpu.memory_space<vmem>>[vector<16xi32>, vector<16xi32>], vector<16xf32>,
          %parallel_loop3A_310 = tpu.vector_load_idx %arg6[%add3A_103, %parallel_loop3A_275] : memref<64x128xf32, #tpu.memory_space<vmem>>[vector<16xi32>, vector<16xi32>], vector<16xf32>,
          %parallel_loop3A_311 = tpu.vector_load_idx %arg6[%add3A_103, %parallel_loop3A_277] : memref<64x128xf32, #tpu.memory_space<vmem>>[vector<16xi32>, vector<16xi32>], vector<16xf32>,
          %parallel_loop3A_312 = tpu.vector_load_idx %arg6[%add3A_103, %parallel_loop3A_279] : memref<64x128xf32, #tpu.memory_space<vmem>>[vector<16xi32>, vector<16xi32>], vector<16xf32>,
          %parallel_loop3A_313 = tpu.vector_load_idx %arg6[%add3A_103, %parallel_loop3A_281] : memref<64x128xf32, #tpu.memory_space<vmem>>[vector<16xi32>, vector<16xi32>], vector<16xf32>,
          tpu.vector_store_idx %arg8[%parallel_loop3A_251, %add3A_103], %parallel_loop3A_298 : memref<128x128xf32, #tpu.memory_space<vmem>>[vector<16xi32>, vector<16xi32>], vector<16xf32>,
          tpu.vector_store_idx %arg8[%parallel_loop3A_253, %add3A_103], %parallel_loop3A_299 : memref<128x128xf32, #tpu.memory_space<vmem>>[vector<16xi32>, vector<16xi32>], vector<16xf32>,
          tpu.vector_store_idx %arg8[%parallel_loop3A_255, %add3A_103], %parallel_loop3A_300 : memref<128x128xf32, #tpu.memory_space<vmem>>[vector<16xi32>, vector<16xi32>], vector<16xf32>,
          tpu.vector_store_idx %arg8[%parallel_loop3A_257, %add3A_103], %parallel_loop3A_301 : memref<128x128xf32, #tpu.memory_space<vmem>>[vector<16xi32>, vector<16xi32>], vector<16xf32>,
          tpu.vector_store_idx %arg8[%parallel_loop3A_259, %add3A_103], %parallel_loop3A_302 : memref<128x128xf32, #tpu.memory_space<vmem>>[vector<16xi32>, vector<16xi32>], vector<16xf32>,
          tpu.vector_store_idx %arg8[%parallel_loop3A_261, %add3A_103], %parallel_loop3A_303 : memref<128x128xf32, #tpu.memory_space<vmem>>[vector<16xi32>, vector<16xi32>], vector<16xf32>,
          tpu.vector_store_idx %arg8[%parallel_loop3A_263, %add3A_103], %parallel_loop3A_304 : memref<128x128xf32, #tpu.memory_space<vmem>>[vector<16xi32>, vector<16xi32>], vector<16xf32>,
          tpu.vector_store_idx %arg8[%parallel_loop3A_265, %add3A_103], %parallel_loop3A_305 : memref<128x128xf32, #tpu.memory_space<vmem>>[vector<16xi32>, vector<16xi32>], vector<16xf32>,
          tpu.vector_store_idx %arg8[%parallel_loop3A_267, %add3A_103], %parallel_loop3A_306 : memref<128x128xf32, #tpu.memory_space<vmem>>[vector<16xi32>, vector<16xi32>], vector<16xf32>,
          tpu.vector_store_idx %arg8[%parallel_loop3A_269, %add3A_103], %parallel_loop3A_307 : memref<128x128xf32, #tpu.memory_space<vmem>>[vector<16xi32>, vector<16xi32>], vector<16xf32>,
          tpu.vector_store_idx %arg8[%parallel_loop3A_271, %add3A_103], %parallel_loop3A_308 : memref<128x128xf32, #tpu.memory_space<vmem>>[vector<16xi32>, vector<16xi32>], vector<16xf32>,
          tpu.vector_store_idx %arg8[%parallel_loop3A_273, %add3A_103], %parallel_loop3A_309 : memref<128x128xf32, #tpu.memory_space<vmem>>[vector<16xi32>, vector<16xi32>], vector<16xf32>,
          tpu.vector_store_idx %arg8[%parallel_loop3A_275, %add3A_103], %parallel_loop3A_310 : memref<128x128xf32, #tpu.memory_space<vmem>>[vector<16xi32>, vector<16xi32>], vector<16xf32>,
          tpu.vector_store_idx %arg8[%parallel_loop3A_277, %add3A_103], %parallel_loop3A_311 : memref<128x128xf32, #tpu.memory_space<vmem>>[vector<16xi32>, vector<16xi32>], vector<16xf32>,
          tpu.vector_store_idx %arg8[%parallel_loop3A_279, %add3A_103], %parallel_loop3A_312 : memref<128x128xf32, #tpu.memory_space<vmem>>[vector<16xi32>, vector<16xi32>], vector<16xf32>,
          tpu.vector_store_idx %arg8[%parallel_loop3A_281, %add3A_103], %parallel_loop3A_313 : memref<128x128xf32, #tpu.memory_space<vmem>>[vector<16xi32>, vector<16xi32>], vector<16xf32>,
          %parallel_loop3A_314 = tpu.vector_load_idx %arg6[%add3A_106, %parallel_loop3A_251] : memref<64x128xf32, #tpu.memory_space<vmem>>[vector<16xi32>, vector<16xi32>], vector<16xf32>,
          %parallel_loop3A_315 = tpu.vector_load_idx %arg6[%add3A_106, %parallel_loop3A_253] : memref<64x128xf32, #tpu.memory_space<vmem>>[vector<16xi32>, vector<16xi32>], vector<16xf32>,
          %parallel_loop3A_316 = tpu.vector_load_idx %arg6[%add3A_106, %parallel_loop3A_255] : memref<64x128xf32, #tpu.memory_space<vmem>>[vector<16xi32>, vector<16xi32>], vector<16xf32>,
          %parallel_loop3A_317 = tpu.vector_load_idx %arg6[%add3A_106, %parallel_loop3A_257] : memref<64x128xf32, #tpu.memory_space<vmem>>[vector<16xi32>, vector<16xi32>], vector<16xf32>,
          %parallel_loop3A_318 = tpu.vector_load_idx %arg6[%add3A_106, %parallel_loop3A_259] : memref<64x128xf32, #tpu.memory_space<vmem>>[vector<16xi32>, vector<16xi32>], vector<16xf32>,
          %parallel_loop3A_319 = tpu.vector_load_idx %arg6[%add3A_106, %parallel_loop3A_261] : memref<64x128xf32, #tpu.memory_space<vmem>>[vector<16xi32>, vector<16xi32>], vector<16xf32>,
          %parallel_loop3A_320 = tpu.vector_load_idx %arg6[%add3A_106, %parallel_loop3A_263] : memref<64x128xf32, #tpu.memory_space<vmem>>[vector<16xi32>, vector<16xi32>], vector<16xf32>,
          %parallel_loop3A_321 = tpu.vector_load_idx %arg6[%add3A_106, %parallel_loop3A_265] : memref<64x128xf32, #tpu.memory_space<vmem>>[vector<16xi32>, vector<16xi32>], vector<16xf32>,
          %parallel_loop3A_322 = tpu.vector_load_idx %arg6[%add3A_106, %parallel_loop3A_267] : memref<64x128xf32, #tpu.memory_space<vmem>>[vector<16xi32>, vector<16xi32>], vector<16xf32>,
          %parallel_loop3A_323 = tpu.vector_load_idx %arg6[%add3A_106, %parallel_loop3A_269] : memref<64x128xf32, #tpu.memory_space<vmem>>[vector<16xi32>, vector<16xi32>], vector<16xf32>,
          %parallel_loop3A_324 = tpu.vector_load_idx %arg6[%add3A_106, %parallel_loop3A_271] : memref<64x128xf32, #tpu.memory_space<vmem>>[vector<16xi32>, vector<16xi32>], vector<16xf32>,
          %parallel_loop3A_325 = tpu.vector_load_idx %arg6[%add3A_106, %parallel_loop3A_273] : memref<64x128xf32, #tpu.memory_space<vmem>>[vector<16xi32>, vector<16xi32>], vector<16xf32>,
          %parallel_loop3A_326 = tpu.vector_load_idx %arg6[%add3A_106, %parallel_loop3A_275] : memref<64x128xf32, #tpu.memory_space<vmem>>[vector<16xi32>, vector<16xi32>], vector<16xf32>,
          %parallel_loop3A_327 = tpu.vector_load_idx %arg6[%add3A_106, %parallel_loop3A_277] : memref<64x128xf32, #tpu.memory_space<vmem>>[vector<16xi32>, vector<16xi32>], vector<16xf32>,
          %parallel_loop3A_328 = tpu.vector_load_idx %arg6[%add3A_106, %parallel_loop3A_279] : memref<64x128xf32, #tpu.memory_space<vmem>>[vector<16xi32>, vector<16xi32>], vector<16xf32>,
          %parallel_loop3A_329 = tpu.vector_load_idx %arg6[%add3A_106, %parallel_loop3A_281] : memref<64x128xf32, #tpu.memory_space<vmem>>[vector<16xi32>, vector<16xi32>], vector<16xf32>,
          tpu.vector_store_idx %arg8[%parallel_loop3A_251, %add3A_106], %parallel_loop3A_314 : memref<128x128xf32, #tpu.memory_space<vmem>>[vector<16xi32>, vector<16xi32>], vector<16xf32>,
          tpu.vector_store_idx %arg8[%parallel_loop3A_253, %add3A_106], %parallel_loop3A_315 : memref<128x128xf32, #tpu.memory_space<vmem>>[vector<16xi32>, vector<16xi32>], vector<16xf32>,
          tpu.vector_store_idx %arg8[%parallel_loop3A_255, %add3A_106], %parallel_loop3A_316 : memref<128x128xf32, #tpu.memory_space<vmem>>[vector<16xi32>, vector<16xi32>], vector<16xf32>,
          tpu.vector_store_idx %arg8[%parallel_loop3A_257, %add3A_106], %parallel_loop3A_317 : memref<128x128xf32, #tpu.memory_space<vmem>>[vector<16xi32>, vector<16xi32>], vector<16xf32>,
          tpu.vector_store_idx %arg8[%parallel_loop3A_259, %add3A_106], %parallel_loop3A_318 : memref<128x128xf32, #tpu.memory_space<vmem>>[vector<16xi32>, vector<16xi32>], vector<16xf32>,
          tpu.vector_store_idx %arg8[%parallel_loop3A_261, %add3A_106], %parallel_loop3A_319 : memref<128x128xf32, #tpu.memory_space<vmem>>[vector<16xi32>, vector<16xi32>], vector<16xf32>,
          tpu.vector_store_idx %arg8[%parallel_loop3A_263, %add3A_106], %parallel_loop3A_320 : memref<128x128xf32, #tpu.memory_space<vmem>>[vector<16xi32>, vector<16xi32>], vector<16xf32>,
          tpu.vector_store_idx %arg8[%parallel_loop3A_265, %add3A_106], %parallel_loop3A_321 : memref<128x128xf32, #tpu.memory_space<vmem>>[vector<16xi32>, vector<16xi32>], vector<16xf32>,
          tpu.vector_store_idx %arg8[%parallel_loop3A_267, %add3A_106], %parallel_loop3A_322 : memref<128x128xf32, #tpu.memory_space<vmem>>[vector<16xi32>, vector<16xi32>], vector<16xf32>,
          tpu.vector_store_idx %arg8[%parallel_loop3A_269, %add3A_106], %parallel_loop3A_323 : memref<128x128xf32, #tpu.memory_space<vmem>>[vector<16xi32>, vector<16xi32>], vector<16xf32>,
          tpu.vector_store_idx %arg8[%parallel_loop3A_271, %add3A_106], %parallel_loop3A_324 : memref<128x128xf32, #tpu.memory_space<vmem>>[vector<16xi32>, vector<16xi32>], vector<16xf32>,
          tpu.vector_store_idx %arg8[%parallel_loop3A_273, %add3A_106], %parallel_loop3A_325 : memref<128x128xf32, #tpu.memory_space<vmem>>[vector<16xi32>, vector<16xi32>], vector<16xf32>,
          tpu.vector_store_idx %arg8[%parallel_loop3A_275, %add3A_106], %parallel_loop3A_326 : memref<128x128xf32, #tpu.memory_space<vmem>>[vector<16xi32>, vector<16xi32>], vector<16xf32>,
          tpu.vector_store_idx %arg8[%parallel_loop3A_277, %add3A_106], %parallel_loop3A_327 : memref<128x128xf32, #tpu.memory_space<vmem>>[vector<16xi32>, vector<16xi32>], vector<16xf32>,
          tpu.vector_store_idx %arg8[%parallel_loop3A_279, %add3A_106], %parallel_loop3A_328 : memref<128x128xf32, #tpu.memory_space<vmem>>[vector<16xi32>, vector<16xi32>], vector<16xf32>,
          tpu.vector_store_idx %arg8[%parallel_loop3A_281, %add3A_106], %parallel_loop3A_329 : memref<128x128xf32, #tpu.memory_space<vmem>>[vector<16xi32>, vector<16xi32>], vector<16xf32>,
          %parallel_loop3A_330 = tpu.vector_load_idx %arg6[%add3A_109, %parallel_loop3A_251] : memref<64x128xf32, #tpu.memory_space<vmem>>[vector<16xi32>, vector<16xi32>], vector<16xf32>,
          %parallel_loop3A_331 = tpu.vector_load_idx %arg6[%add3A_109, %parallel_loop3A_253] : memref<64x128xf32, #tpu.memory_space<vmem>>[vector<16xi32>, vector<16xi32>], vector<16xf32>,
          %parallel_loop3A_332 = tpu.vector_load_idx %arg6[%add3A_109, %parallel_loop3A_255] : memref<64x128xf32, #tpu.memory_space<vmem>>[vector<16xi32>, vector<16xi32>], vector<16xf32>,
          %parallel_loop3A_333 = tpu.vector_load_idx %arg6[%add3A_109, %parallel_loop3A_257] : memref<64x128xf32, #tpu.memory_space<vmem>>[vector<16xi32>, vector<16xi32>], vector<16xf32>,
          %parallel_loop3A_334 = tpu.vector_load_idx %arg6[%add3A_109, %parallel_loop3A_259] : memref<64x128xf32, #tpu.memory_space<vmem>>[vector<16xi32>, vector<16xi32>], vector<16xf32>,
          %parallel_loop3A_335 = tpu.vector_load_idx %arg6[%add3A_109, %parallel_loop3A_261] : memref<64x128xf32, #tpu.memory_space<vmem>>[vector<16xi32>, vector<16xi32>], vector<16xf32>,
          %parallel_loop3A_336 = tpu.vector_load_idx %arg6[%add3A_109, %parallel_loop3A_263] : memref<64x128xf32, #tpu.memory_space<vmem>>[vector<16xi32>, vector<16xi32>], vector<16xf32>,
          %parallel_loop3A_337 = tpu.vector_load_idx %arg6[%add3A_109, %parallel_loop3A_265] : memref<64x128xf32, #tpu.memory_space<vmem>>[vector<16xi32>, vector<16xi32>], vector<16xf32>,
          %parallel_loop3A_338 = tpu.vector_load_idx %arg6[%add3A_109, %parallel_loop3A_267] : memref<64x128xf32, #tpu.memory_space<vmem>>[vector<16xi32>, vector<16xi32>], vector<16xf32>,
          %parallel_loop3A_339 = tpu.vector_load_idx %arg6[%add3A_109, %parallel_loop3A_269] : memref<64x128xf32, #tpu.memory_space<vmem>>[vector<16xi32>, vector<16xi32>], vector<16xf32>,
          %parallel_loop3A_340 = tpu.vector_load_idx %arg6[%add3A_109, %parallel_loop3A_271] : memref<64x128xf32, #tpu.memory_space<vmem>>[vector<16xi32>, vector<16xi32>], vector<16xf32>,
          %parallel_loop3A_341 = tpu.vector_load_idx %arg6[%add3A_109, %parallel_loop3A_273] : memref<64x128xf32, #tpu.memory_space<vmem>>[vector<16xi32>, vector<16xi32>], vector<16xf32>,
          %parallel_loop3A_342 = tpu.vector_load_idx %arg6[%add3A_109, %parallel_loop3A_275] : memref<64x128xf32, #tpu.memory_space<vmem>>[vector<16xi32>, vector<16xi32>], vector<16xf32>,
          %parallel_loop3A_343 = tpu.vector_load_idx %arg6[%add3A_109, %parallel_loop3A_277] : memref<64x128xf32, #tpu.memory_space<vmem>>[vector<16xi32>, vector<16xi32>], vector<16xf32>,
          %parallel_loop3A_344 = tpu.vector_load_idx %arg6[%add3A_109, %parallel_loop3A_279] : memref<64x128xf32, #tpu.memory_space<vmem>>[vector<16xi32>, vector<16xi32>], vector<16xf32>,
          %parallel_loop3A_345 = tpu.vector_load_idx %arg6[%add3A_109, %parallel_loop3A_281] : memref<64x128xf32, #tpu.memory_space<vmem>>[vector<16xi32>, vector<16xi32>], vector<16xf32>,
          tpu.vector_store_idx %arg8[%parallel_loop3A_251, %add3A_109], %parallel_loop3A_330 : memref<128x128xf32, #tpu.memory_space<vmem>>[vector<16xi32>, vector<16xi32>], vector<16xf32>,
          tpu.vector_store_idx %arg8[%parallel_loop3A_253, %add3A_109], %parallel_loop3A_331 : memref<128x128xf32, #tpu.memory_space<vmem>>[vector<16xi32>, vector<16xi32>], vector<16xf32>,
          tpu.vector_store_idx %arg8[%parallel_loop3A_255, %add3A_109], %parallel_loop3A_332 : memref<128x128xf32, #tpu.memory_space<vmem>>[vector<16xi32>, vector<16xi32>], vector<16xf32>,
          tpu.vector_store_idx %arg8[%parallel_loop3A_257, %add3A_109], %parallel_loop3A_333 : memref<128x128xf32, #tpu.memory_space<vmem>>[vector<16xi32>, vector<16xi32>], vector<16xf32>,
          tpu.vector_store_idx %arg8[%parallel_loop3A_259, %add3A_109], %parallel_loop3A_334 : memref<128x128xf32, #tpu.memory_space<vmem>>[vector<16xi32>, vector<16xi32>], vector<16xf32>,
          tpu.vector_store_idx %arg8[%parallel_loop3A_261, %add3A_109], %parallel_loop3A_335 : memref<128x128xf32, #tpu.memory_space<vmem>>[vector<16xi32>, vector<16xi32>], vector<16xf32>,
          tpu.vector_store_idx %arg8[%parallel_loop3A_263, %add3A_109], %parallel_loop3A_336 : memref<128x128xf32, #tpu.memory_space<vmem>>[vector<16xi32>, vector<16xi32>], vector<16xf32>,
          tpu.vector_store_idx %arg8[%parallel_loop3A_265, %add3A_109], %parallel_loop3A_337 : memref<128x128xf32, #tpu.memory_space<vmem>>[vector<16xi32>, vector<16xi32>], vector<16xf32>,
          tpu.vector_store_idx %arg8[%parallel_loop3A_267, %add3A_109], %parallel_loop3A_338 : memref<128x128xf32, #tpu.memory_space<vmem>>[vector<16xi32>, vector<16xi32>], vector<16xf32>,
          tpu.vector_store_idx %arg8[%parallel_loop3A_269, %add3A_109], %parallel_loop3A_339 : memref<128x128xf32, #tpu.memory_space<vmem>>[vector<16xi32>, vector<16xi32>], vector<16xf32>,
          tpu.vector_store_idx %arg8[%parallel_loop3A_271, %add3A_109], %parallel_loop3A_340 : memref<128x128xf32, #tpu.memory_space<vmem>>[vector<16xi32>, vector<16xi32>], vector<16xf32>,
          tpu.vector_store_idx %arg8[%parallel_loop3A_273, %add3A_109], %parallel_loop3A_341 : memref<128x128xf32, #tpu.memory_space<vmem>>[vector<16xi32>, vector<16xi32>], vector<16xf32>,
          tpu.vector_store_idx %arg8[%parallel_loop3A_275, %add3A_109], %parallel_loop3A_342 : memref<128x128xf32, #tpu.memory_space<vmem>>[vector<16xi32>, vector<16xi32>], vector<16xf32>,
          tpu.vector_store_idx %arg8[%parallel_loop3A_277, %add3A_109], %parallel_loop3A_343 : memref<128x128xf32, #tpu.memory_space<vmem>>[vector<16xi32>, vector<16xi32>], vector<16xf32>,
          tpu.vector_store_idx %arg8[%parallel_loop3A_279, %add3A_109], %parallel_loop3A_344 : memref<128x128xf32, #tpu.memory_space<vmem>>[vector<16xi32>, vector<16xi32>], vector<16xf32>,
          tpu.vector_store_idx %arg8[%parallel_loop3A_281, %add3A_109], %parallel_loop3A_345 : memref<128x128xf32, #tpu.memory_space<vmem>>[vector<16xi32>, vector<16xi32>], vector<16xf32>,
        } {sc.loop_unroll_factor = 1 : i64, sc.parallel_access}
      } else {
      }
      %mul3A_227 = arith.constant 32 : i32
      %mul3A_228 = arith.muli %mul3A_227, %add3A_197 : i32
      %add3A_229 = arith.addi %add3A, %mul3A_228 : i32
      %lt3A_230 = arith.constant 7812 : i32
      %lt3A_231 = arith.cmpi slt, %add3A_229, %lt3A_230 : i32
      %convert_element_type3A_232 = arith.extui %lt3A_231 : i1 to i32
      %cond3A_233 = arith.constant 0 : i32
      %cond3A_234 = arith.cmpi ne, %convert_element_type3A_232, %cond3A_233 : i32
      scf.if %cond3A_234 {
        %mul3A_245 = arith.constant 32 : i32
        %mul3A_246 = arith.muli %mul3A_245, %add3A_197 : i32
        %add3A_247 = arith.addi %add3A, %mul3A_246 : i32
        %mul3A_248 = arith.constant 128 : i32
        %mul3A_249 = arith.muli %add3A_247, %mul3A_248 : i32
        %dma_start3A = arith.constant 0 : i32
        %dma_start3A_250 = tpu.memref_slice %arg4[%mul3A_249, %dma_start3A] : memref<1000000x128xf32, #tpu.memory_space<hbm>> -> memref<128x128xf32, #tpu.memory_space<hbm>>
        %dma_start3A_251 = arith.constant 0 : i32
        %dma_start3A_252 = tpu.memref_slice %arg4[%mul3A_249, %dma_start3A_251] : memref<1000000x128xf32, #tpu.memory_space<hbm>> -> memref<128x128xf32, #tpu.memory_space<hbm>>
        tpu.enqueue_dma source(%arg8 : memref<128x128xf32, #tpu.memory_space<vmem>>) target(%dma_start3A_252 : memref<128x128xf32, #tpu.memory_space<hbm>>) target_semaphore(%arg12 : memref<!tpu.dma_semaphore, #tpu.memory_space<semaphore_mem>>)
      } else {
      }
      %add3A_235 = arith.constant 2 : i32
      %add3A_236 = arith.addi %add3A_197, %add3A_235 : i32
      %mul3A_237 = arith.constant 32 : i32
      %mul3A_238 = arith.muli %mul3A_237, %add3A_236 : i32
      %add3A_239 = arith.addi %add3A, %mul3A_238 : i32
      %lt3A_240 = arith.constant 7812 : i32
      %lt3A_241 = arith.cmpi slt, %add3A_239, %lt3A_240 : i32
      %convert_element_type3A_242 = arith.extui %lt3A_241 : i1 to i32
      %cond3A_243 = arith.constant 0 : i32
      %cond3A_244 = arith.cmpi ne, %convert_element_type3A_242, %cond3A_243 : i32
      scf.if %cond3A_244 {
        %mul3A_245 = arith.constant 32 : i32
        %mul3A_246 = arith.muli %mul3A_245, %add3A_236 : i32
        %add3A_247 = arith.addi %add3A, %mul3A_246 : i32
        %mul3A_248 = arith.constant 128 : i32
        %mul3A_249 = arith.muli %add3A_247, %mul3A_248 : i32
        %dma_start3A = arith.constant 0 : i32
        %dma_start3A_250 = tpu.memref_slice %arg2[%dma_start3A, %mul3A_249] : memref<64x1000000xf32, #tpu.memory_space<hbm>> -> memref<64x128xf32, #tpu.memory_space<hbm>>
        %dma_start3A_251 = arith.constant 0 : i32
        %dma_start3A_252 = tpu.memref_slice %arg2[%dma_start3A_251, %mul3A_249] : memref<64x1000000xf32, #tpu.memory_space<hbm>> -> memref<64x128xf32, #tpu.memory_space<hbm>>
        tpu.enqueue_dma source(%dma_start3A_252 : memref<64x128xf32, #tpu.memory_space<hbm>>) target(%arg6 : memref<64x128xf32, #tpu.memory_space<vmem>>) target_semaphore(%arg10 : memref<!tpu.dma_semaphore, #tpu.memory_space<semaphore_mem>>)
      } else {
      }
    }
    %scan3A_127 = arith.constant 123 : i32
    %add3A_128 = arith.constant 7808 : i32
    %add3A_129 = arith.addi %add3A, %add3A_128 : i32
    %lt3A_130 = arith.constant 7812 : i32
    %lt3A_131 = arith.cmpi slt, %add3A_129, %lt3A_130 : i32
    %and3A_132 = arith.constant true
    %and3A_133 = arith.andi %and3A_132, %lt3A_131 : i1
    %convert_element_type3A_134 = arith.extui %and3A_133 : i1 to i32
    %cond3A_135 = arith.constant 0 : i32
    %cond3A_136 = arith.cmpi ne, %convert_element_type3A_134, %cond3A_135 : i32
    scf.if %cond3A_136 {
      %add3A_146 = arith.constant 7808 : i32
      %add3A_147 = arith.addi %add3A, %add3A_146 : i32
      %mul3A_148 = arith.constant 128 : i32
      %mul3A_149 = arith.muli %add3A_147, %mul3A_148 : i32
      %dma_wait3A = arith.constant 0 : i32
      %dma_wait3A_150 = tpu.memref_slice %arg4[%mul3A_149, %dma_wait3A] : memref<1000000x128xf32, #tpu.memory_space<hbm>> -> memref<128x128xf32, #tpu.memory_space<hbm>>
      %dma_wait3A_151 = arith.constant 0 : i32
      %dma_wait3A_152 = tpu.memref_slice %arg4[%mul3A_149, %dma_wait3A_151] : memref<1000000x128xf32, #tpu.memory_space<hbm>> -> memref<128x128xf32, #tpu.memory_space<hbm>>
      tpu.wait_dma2 semaphore(%arg11 : memref<!tpu.dma_semaphore, #tpu.memory_space<semaphore_mem>>) src(%arg7 : memref<128x128xf32, #tpu.memory_space<vmem>>) dst(%dma_wait3A_152 : memref<128x128xf32, #tpu.memory_space<hbm>>)
    } else {
    }
    %add3A_137 = arith.constant 7840 : i32
    %add3A_138 = arith.addi %add3A, %add3A_137 : i32
    %lt3A_139 = arith.constant 7812 : i32
    %lt3A_140 = arith.cmpi slt, %add3A_138, %lt3A_139 : i32
    %and3A_141 = arith.constant true
    %and3A_142 = arith.andi %and3A_141, %lt3A_140 : i1
    %convert_element_type3A_143 = arith.extui %and3A_142 : i1 to i32
    %cond3A_144 = arith.constant 0 : i32
    %cond3A_145 = arith.cmpi ne, %convert_element_type3A_143, %cond3A_144 : i32
    scf.if %cond3A_145 {
      %add3A_146 = arith.constant 7840 : i32
      %add3A_147 = arith.addi %add3A, %add3A_146 : i32
      %mul3A_148 = arith.constant 128 : i32
      %mul3A_149 = arith.muli %add3A_147, %mul3A_148 : i32
      %dma_wait3A = arith.constant 0 : i32
      %dma_wait3A_150 = tpu.memref_slice %arg4[%mul3A_149, %dma_wait3A] : memref<1000000x128xf32, #tpu.memory_space<hbm>> -> memref<128x128xf32, #tpu.memory_space<hbm>>
      %dma_wait3A_151 = arith.constant 0 : i32
      %dma_wait3A_152 = tpu.memref_slice %arg4[%mul3A_149, %dma_wait3A_151] : memref<1000000x128xf32, #tpu.memory_space<hbm>> -> memref<128x128xf32, #tpu.memory_space<hbm>>
      tpu.wait_dma2 semaphore(%arg12 : memref<!tpu.dma_semaphore, #tpu.memory_space<semaphore_mem>>) src(%arg8 : memref<128x128xf32, #tpu.memory_space<vmem>>) dst(%dma_wait3A_152 : memref<128x128xf32, #tpu.memory_space<hbm>>)
    } else {
    }
    return
  }
}

#map = affine_map<(d0, d1) -> (0, 0)>
#map1 = affine_map<(d0, d1) -> (0)>
module attributes {stable_mosaic.version = 14 : i64} {
  func.func @_body(%arg0: i32, %arg1: i32, %arg2: memref<1000000x128xf32, #tpu.memory_space<hbm>>, %arg3: memref<819200xi32, #tpu.memory_space<hbm>>, %arg4: memref<819200x128xf32, #tpu.memory_space<hbm>>, %arg5: memref<25600xi32, #tpu.memory_space<vmem>>, %arg6: memref<128x128xf32, #tpu.memory_space<vmem>>, %arg7: memref<128x128xf32, #tpu.memory_space<vmem>>, %arg8: memref<128x128xf32, #tpu.memory_space<vmem>>, %arg9: memref<128x128xf32, #tpu.memory_space<vmem>>, %arg10: memref<128x128xf32, #tpu.memory_space<vmem>>, %arg11: memref<!tpu.dma_semaphore, #tpu.memory_space<semaphore_mem>>, %arg12: memref<!tpu.dma_semaphore, #tpu.memory_space<semaphore_mem>>, %arg13: memref<!tpu.dma_semaphore, #tpu.memory_space<semaphore_mem>>, %arg14: memref<!tpu.dma_semaphore, #tpu.memory_space<semaphore_mem>>, %arg15: memref<!tpu.dma_semaphore, #tpu.memory_space<semaphore_mem>>, %arg16: memref<!tpu.dma_semaphore, #tpu.memory_space<semaphore_mem>>, %arg17: memref<!tpu.dma_semaphore, #tpu.memory_space<semaphore_mem>>, %arg18: memref<!tpu.dma_semaphore, #tpu.memory_space<semaphore_mem>>, %arg19: memref<!tpu.dma_semaphore, #tpu.memory_space<semaphore_mem>>, %arg20: memref<!tpu.dma_semaphore, #tpu.memory_space<semaphore_mem>>) attributes {dimension_semantics = [#tpu.dimension_semantics<core_parallel>, #tpu.dimension_semantics<subcore_parallel>], iteration_bounds = array<i64: 2, 16>, scalar_prefetch = 0 : i64, scratch_operands = 16 : i64, tpu.core_type = #tpu.core_type<sc_vector_subcore>, window_params = [{transform_indices = #map}, {transform_indices = #map1}, {transform_indices = #map}]} {
    %mul3A = arith.constant 2 : i32
    %mul3A_0 = arith.muli %arg1, %mul3A : i32
    %add3A = arith.addi %mul3A_0, %arg0 : i32
    %mul3A_1 = arith.constant 25600 : i32
    %mul3A_2 = arith.muli %add3A, %mul3A_1 : i32
    "tpu.region"() ({
      %run_scoped3A = tpu.sem_alloc : memref<!tpu.dma_semaphore, #tpu.memory_space<semaphore_mem>>
      %dma_start3A_136 = tpu.memref_slice %arg3[%mul3A_2] : memref<819200xi32, #tpu.memory_space<hbm>> -> memref<25600xi32, #tpu.memory_space<hbm>>
      %dma_start3A_137 = tpu.memref_slice %arg3[%mul3A_2] : memref<819200xi32, #tpu.memory_space<hbm>> -> memref<25600xi32, #tpu.memory_space<hbm>>
      tpu.enqueue_dma source(%dma_start3A_137 : memref<25600xi32, #tpu.memory_space<hbm>>) target(%arg5 : memref<25600xi32, #tpu.memory_space<vmem>>) target_semaphore(%run_scoped3A : memref<!tpu.dma_semaphore, #tpu.memory_space<semaphore_mem>>)
      %dma_wait3A_138 = tpu.memref_slice %arg3[%mul3A_2] : memref<819200xi32, #tpu.memory_space<hbm>> -> memref<25600xi32, #tpu.memory_space<hbm>>
      %dma_wait3A_139 = tpu.memref_slice %arg3[%mul3A_2] : memref<819200xi32, #tpu.memory_space<hbm>> -> memref<25600xi32, #tpu.memory_space<hbm>>
      tpu.wait_dma2 semaphore(%run_scoped3A : memref<!tpu.dma_semaphore, #tpu.memory_space<semaphore_mem>>) src(%dma_wait3A_139 : memref<25600xi32, #tpu.memory_space<hbm>>) dst(%arg5 : memref<25600xi32, #tpu.memory_space<vmem>>)
      tpu.yield
    }) : () -> ()
    %dma_start3A = arith.constant 0 : i32
    %dma_start3A_3 = tpu.memref_slice %arg5[%dma_start3A] : memref<25600xi32, #tpu.memory_space<vmem>> -> memref<128xi32, #tpu.memory_space<vmem>>
    %dma_start3A_4 = arith.constant 0 : i32
    %dma_start3A_5 = arith.constant 0 : i32
    %dma_start3A_6 = tpu.memref_slice %arg2[%dma_start3A_4, %dma_start3A_5] : memref<1000000x128xf32, #tpu.memory_space<hbm>> -> memref<1000000x128xf32, #tpu.memory_space<hbm>>
    tpu.enqueue_indirect_dma source(%dma_start3A_6 : memref<1000000x128xf32, #tpu.memory_space<hbm>>) target(%arg6 : memref<128x128xf32, #tpu.memory_space<vmem>>) offsets(%dma_start3A_3 : memref<128xi32, #tpu.memory_space<vmem>>) semaphore(%arg11 : memref<!tpu.dma_semaphore, #tpu.memory_space<semaphore_mem>>)
    %dma_start3A_7 = arith.constant 128 : i32
    %dma_start3A_8 = tpu.memref_slice %arg5[%dma_start3A_7] : memref<25600xi32, #tpu.memory_space<vmem>> -> memref<128xi32, #tpu.memory_space<vmem>>
    %dma_start3A_9 = arith.constant 0 : i32
    %dma_start3A_10 = arith.constant 0 : i32
    %dma_start3A_11 = tpu.memref_slice %arg2[%dma_start3A_9, %dma_start3A_10] : memref<1000000x128xf32, #tpu.memory_space<hbm>> -> memref<1000000x128xf32, #tpu.memory_space<hbm>>
    tpu.enqueue_indirect_dma source(%dma_start3A_11 : memref<1000000x128xf32, #tpu.memory_space<hbm>>) target(%arg7 : memref<128x128xf32, #tpu.memory_space<vmem>>) offsets(%dma_start3A_8 : memref<128xi32, #tpu.memory_space<vmem>>) semaphore(%arg12 : memref<!tpu.dma_semaphore, #tpu.memory_space<semaphore_mem>>)
    %dma_start3A_12 = arith.constant 256 : i32
    %dma_start3A_13 = tpu.memref_slice %arg5[%dma_start3A_12] : memref<25600xi32, #tpu.memory_space<vmem>> -> memref<128xi32, #tpu.memory_space<vmem>>
    %dma_start3A_14 = arith.constant 0 : i32
    %dma_start3A_15 = arith.constant 0 : i32
    %dma_start3A_16 = tpu.memref_slice %arg2[%dma_start3A_14, %dma_start3A_15] : memref<1000000x128xf32, #tpu.memory_space<hbm>> -> memref<1000000x128xf32, #tpu.memory_space<hbm>>
    tpu.enqueue_indirect_dma source(%dma_start3A_16 : memref<1000000x128xf32, #tpu.memory_space<hbm>>) target(%arg8 : memref<128x128xf32, #tpu.memory_space<vmem>>) offsets(%dma_start3A_13 : memref<128xi32, #tpu.memory_space<vmem>>) semaphore(%arg13 : memref<!tpu.dma_semaphore, #tpu.memory_space<semaphore_mem>>)
    %dma_start3A_17 = arith.constant 384 : i32
    %dma_start3A_18 = tpu.memref_slice %arg5[%dma_start3A_17] : memref<25600xi32, #tpu.memory_space<vmem>> -> memref<128xi32, #tpu.memory_space<vmem>>
    %dma_start3A_19 = arith.constant 0 : i32
    %dma_start3A_20 = arith.constant 0 : i32
    %dma_start3A_21 = tpu.memref_slice %arg2[%dma_start3A_19, %dma_start3A_20] : memref<1000000x128xf32, #tpu.memory_space<hbm>> -> memref<1000000x128xf32, #tpu.memory_space<hbm>>
    tpu.enqueue_indirect_dma source(%dma_start3A_21 : memref<1000000x128xf32, #tpu.memory_space<hbm>>) target(%arg9 : memref<128x128xf32, #tpu.memory_space<vmem>>) offsets(%dma_start3A_18 : memref<128xi32, #tpu.memory_space<vmem>>) semaphore(%arg14 : memref<!tpu.dma_semaphore, #tpu.memory_space<semaphore_mem>>)
    %dma_start3A_22 = arith.constant 512 : i32
    %dma_start3A_23 = tpu.memref_slice %arg5[%dma_start3A_22] : memref<25600xi32, #tpu.memory_space<vmem>> -> memref<128xi32, #tpu.memory_space<vmem>>
    %dma_start3A_24 = arith.constant 0 : i32
    %dma_start3A_25 = arith.constant 0 : i32
    %dma_start3A_26 = tpu.memref_slice %arg2[%dma_start3A_24, %dma_start3A_25] : memref<1000000x128xf32, #tpu.memory_space<hbm>> -> memref<1000000x128xf32, #tpu.memory_space<hbm>>
    tpu.enqueue_indirect_dma source(%dma_start3A_26 : memref<1000000x128xf32, #tpu.memory_space<hbm>>) target(%arg10 : memref<128x128xf32, #tpu.memory_space<vmem>>) offsets(%dma_start3A_23 : memref<128xi32, #tpu.memory_space<vmem>>) semaphore(%arg15 : memref<!tpu.dma_semaphore, #tpu.memory_space<semaphore_mem>>)
    %scan3A = arith.constant 0 : i32
    %scan3A_27 = arith.constant 0 : i32
    %scan3A_28 = arith.constant 39 : i32
    %scan3A_29 = arith.addi %scan3A_27, %scan3A_28 : i32
    %scan3A_30 = arith.constant 1 : i32
    scf.for %scan3A_136 = %scan3A_27 to %scan3A_29 step %scan3A_30  : i32 {
      %mul3A_137 = arith.constant 5 : i32
      %mul3A_138 = arith.muli %scan3A_136, %mul3A_137 : i32
      %add3A_139 = arith.constant 0 : i32
      %add3A_140 = arith.addi %mul3A_138, %add3A_139 : i32
      %mul3A_141 = arith.constant 128 : i32
      %mul3A_142 = arith.muli %add3A_140, %mul3A_141 : i32
      %dma_wait3A_143 = tpu.memref_slice %arg5[%mul3A_142] : memref<25600xi32, #tpu.memory_space<vmem>> -> memref<128xi32, #tpu.memory_space<vmem>>
      %dma_wait3A_144 = arith.constant 0 : i32
      %dma_wait3A_145 = arith.constant 0 : i32
      %dma_wait3A_146 = tpu.memref_slice %arg2[%dma_wait3A_144, %dma_wait3A_145] : memref<1000000x128xf32, #tpu.memory_space<hbm>> -> memref<1000000x128xf32, #tpu.memory_space<hbm>>
      tpu.wait_indirect_dma semaphore(%arg11 : memref<!tpu.dma_semaphore, #tpu.memory_space<semaphore_mem>>) src(%dma_wait3A_146 : memref<1000000x128xf32, #tpu.memory_space<hbm>>) dst(%arg6 : memref<128x128xf32, #tpu.memory_space<vmem>>)
      %mul3A_147 = arith.constant 25600 : i32
      %mul3A_148 = arith.muli %add3A, %mul3A_147 : i32
      %mul3A_149 = arith.constant 128 : i32
      %mul3A_150 = arith.muli %add3A_140, %mul3A_149 : i32
      %add3A_151 = arith.addi %mul3A_148, %mul3A_150 : i32
      %dma_start3A_152 = arith.constant 0 : i32
      %dma_start3A_153 = tpu.memref_slice %arg4[%add3A_151, %dma_start3A_152] : memref<819200x128xf32, #tpu.memory_space<hbm>> -> memref<128x128xf32, #tpu.memory_space<hbm>>
      %dma_start3A_154 = arith.constant 0 : i32
      %dma_start3A_155 = tpu.memref_slice %arg4[%add3A_151, %dma_start3A_154] : memref<819200x128xf32, #tpu.memory_space<hbm>> -> memref<128x128xf32, #tpu.memory_space<hbm>>
      tpu.enqueue_dma source(%arg6 : memref<128x128xf32, #tpu.memory_space<vmem>>) target(%dma_start3A_155 : memref<128x128xf32, #tpu.memory_space<hbm>>) target_semaphore(%arg16 : memref<!tpu.dma_semaphore, #tpu.memory_space<semaphore_mem>>)
      %mul3A_156 = arith.constant 25600 : i32
      %mul3A_157 = arith.muli %add3A, %mul3A_156 : i32
      %mul3A_158 = arith.constant 128 : i32
      %mul3A_159 = arith.muli %add3A_140, %mul3A_158 : i32
      %add3A_160 = arith.addi %mul3A_157, %mul3A_159 : i32
      %dma_wait3A_161 = arith.constant 0 : i32
      %dma_wait3A_162 = tpu.memref_slice %arg4[%add3A_160, %dma_wait3A_161] : memref<819200x128xf32, #tpu.memory_space<hbm>> -> memref<128x128xf32, #tpu.memory_space<hbm>>
      %dma_wait3A_163 = arith.constant 0 : i32
      %dma_wait3A_164 = tpu.memref_slice %arg4[%add3A_160, %dma_wait3A_163] : memref<819200x128xf32, #tpu.memory_space<hbm>> -> memref<128x128xf32, #tpu.memory_space<hbm>>
      tpu.wait_dma2 semaphore(%arg16 : memref<!tpu.dma_semaphore, #tpu.memory_space<semaphore_mem>>) src(%arg6 : memref<128x128xf32, #tpu.memory_space<vmem>>) dst(%dma_wait3A_164 : memref<128x128xf32, #tpu.memory_space<hbm>>)
      %add3A_165 = arith.constant 5 : i32
      %add3A_166 = arith.addi %add3A_140, %add3A_165 : i32
      %mul3A_167 = arith.constant 128 : i32
      %mul3A_168 = arith.muli %add3A_166, %mul3A_167 : i32
      %dma_start3A_169 = tpu.memref_slice %arg5[%mul3A_168] : memref<25600xi32, #tpu.memory_space<vmem>> -> memref<128xi32, #tpu.memory_space<vmem>>
      %dma_start3A_170 = arith.constant 0 : i32
      %dma_start3A_171 = arith.constant 0 : i32
      %dma_start3A_172 = tpu.memref_slice %arg2[%dma_start3A_170, %dma_start3A_171] : memref<1000000x128xf32, #tpu.memory_space<hbm>> -> memref<1000000x128xf32, #tpu.memory_space<hbm>>
      tpu.enqueue_indirect_dma source(%dma_start3A_172 : memref<1000000x128xf32, #tpu.memory_space<hbm>>) target(%arg6 : memref<128x128xf32, #tpu.memory_space<vmem>>) offsets(%dma_start3A_169 : memref<128xi32, #tpu.memory_space<vmem>>) semaphore(%arg11 : memref<!tpu.dma_semaphore, #tpu.memory_space<semaphore_mem>>)
      %mul3A_173 = arith.constant 5 : i32
      %mul3A_174 = arith.muli %scan3A_136, %mul3A_173 : i32
      %add3A_175 = arith.constant 1 : i32
      %add3A_176 = arith.addi %mul3A_174, %add3A_175 : i32
      %mul3A_177 = arith.constant 128 : i32
      %mul3A_178 = arith.muli %add3A_176, %mul3A_177 : i32
      %dma_wait3A_179 = tpu.memref_slice %arg5[%mul3A_178] : memref<25600xi32, #tpu.memory_space<vmem>> -> memref<128xi32, #tpu.memory_space<vmem>>
      %dma_wait3A_180 = arith.constant 0 : i32
      %dma_wait3A_181 = arith.constant 0 : i32
      %dma_wait3A_182 = tpu.memref_slice %arg2[%dma_wait3A_180, %dma_wait3A_181] : memref<1000000x128xf32, #tpu.memory_space<hbm>> -> memref<1000000x128xf32, #tpu.memory_space<hbm>>
      tpu.wait_indirect_dma semaphore(%arg12 : memref<!tpu.dma_semaphore, #tpu.memory_space<semaphore_mem>>) src(%dma_wait3A_182 : memref<1000000x128xf32, #tpu.memory_space<hbm>>) dst(%arg7 : memref<128x128xf32, #tpu.memory_space<vmem>>)
      %mul3A_183 = arith.constant 25600 : i32
      %mul3A_184 = arith.muli %add3A, %mul3A_183 : i32
      %mul3A_185 = arith.constant 128 : i32
      %mul3A_186 = arith.muli %add3A_176, %mul3A_185 : i32
      %add3A_187 = arith.addi %mul3A_184, %mul3A_186 : i32
      %dma_start3A_188 = arith.constant 0 : i32
      %dma_start3A_189 = tpu.memref_slice %arg4[%add3A_187, %dma_start3A_188] : memref<819200x128xf32, #tpu.memory_space<hbm>> -> memref<128x128xf32, #tpu.memory_space<hbm>>
      %dma_start3A_190 = arith.constant 0 : i32
      %dma_start3A_191 = tpu.memref_slice %arg4[%add3A_187, %dma_start3A_190] : memref<819200x128xf32, #tpu.memory_space<hbm>> -> memref<128x128xf32, #tpu.memory_space<hbm>>
      tpu.enqueue_dma source(%arg7 : memref<128x128xf32, #tpu.memory_space<vmem>>) target(%dma_start3A_191 : memref<128x128xf32, #tpu.memory_space<hbm>>) target_semaphore(%arg17 : memref<!tpu.dma_semaphore, #tpu.memory_space<semaphore_mem>>)
      %mul3A_192 = arith.constant 25600 : i32
      %mul3A_193 = arith.muli %add3A, %mul3A_192 : i32
      %mul3A_194 = arith.constant 128 : i32
      %mul3A_195 = arith.muli %add3A_176, %mul3A_194 : i32
      %add3A_196 = arith.addi %mul3A_193, %mul3A_195 : i32
      %dma_wait3A_197 = arith.constant 0 : i32
      %dma_wait3A_198 = tpu.memref_slice %arg4[%add3A_196, %dma_wait3A_197] : memref<819200x128xf32, #tpu.memory_space<hbm>> -> memref<128x128xf32, #tpu.memory_space<hbm>>
      %dma_wait3A_199 = arith.constant 0 : i32
      %dma_wait3A_200 = tpu.memref_slice %arg4[%add3A_196, %dma_wait3A_199] : memref<819200x128xf32, #tpu.memory_space<hbm>> -> memref<128x128xf32, #tpu.memory_space<hbm>>
      tpu.wait_dma2 semaphore(%arg17 : memref<!tpu.dma_semaphore, #tpu.memory_space<semaphore_mem>>) src(%arg7 : memref<128x128xf32, #tpu.memory_space<vmem>>) dst(%dma_wait3A_200 : memref<128x128xf32, #tpu.memory_space<hbm>>)
      %add3A_201 = arith.constant 5 : i32
      %add3A_202 = arith.addi %add3A_176, %add3A_201 : i32
      %mul3A_203 = arith.constant 128 : i32
      %mul3A_204 = arith.muli %add3A_202, %mul3A_203 : i32
      %dma_start3A_205 = tpu.memref_slice %arg5[%mul3A_204] : memref<25600xi32, #tpu.memory_space<vmem>> -> memref<128xi32, #tpu.memory_space<vmem>>
      %dma_start3A_206 = arith.constant 0 : i32
      %dma_start3A_207 = arith.constant 0 : i32
      %dma_start3A_208 = tpu.memref_slice %arg2[%dma_start3A_206, %dma_start3A_207] : memref<1000000x128xf32, #tpu.memory_space<hbm>> -> memref<1000000x128xf32, #tpu.memory_space<hbm>>
      tpu.enqueue_indirect_dma source(%dma_start3A_208 : memref<1000000x128xf32, #tpu.memory_space<hbm>>) target(%arg7 : memref<128x128xf32, #tpu.memory_space<vmem>>) offsets(%dma_start3A_205 : memref<128xi32, #tpu.memory_space<vmem>>) semaphore(%arg12 : memref<!tpu.dma_semaphore, #tpu.memory_space<semaphore_mem>>)
      %mul3A_209 = arith.constant 5 : i32
      %mul3A_210 = arith.muli %scan3A_136, %mul3A_209 : i32
      %add3A_211 = arith.constant 2 : i32
      %add3A_212 = arith.addi %mul3A_210, %add3A_211 : i32
      %mul3A_213 = arith.constant 128 : i32
      %mul3A_214 = arith.muli %add3A_212, %mul3A_213 : i32
      %dma_wait3A_215 = tpu.memref_slice %arg5[%mul3A_214] : memref<25600xi32, #tpu.memory_space<vmem>> -> memref<128xi32, #tpu.memory_space<vmem>>
      %dma_wait3A_216 = arith.constant 0 : i32
      %dma_wait3A_217 = arith.constant 0 : i32
      %dma_wait3A_218 = tpu.memref_slice %arg2[%dma_wait3A_216, %dma_wait3A_217] : memref<1000000x128xf32, #tpu.memory_space<hbm>> -> memref<1000000x128xf32, #tpu.memory_space<hbm>>
      tpu.wait_indirect_dma semaphore(%arg13 : memref<!tpu.dma_semaphore, #tpu.memory_space<semaphore_mem>>) src(%dma_wait3A_218 : memref<1000000x128xf32, #tpu.memory_space<hbm>>) dst(%arg8 : memref<128x128xf32, #tpu.memory_space<vmem>>)
      %mul3A_219 = arith.constant 25600 : i32
      %mul3A_220 = arith.muli %add3A, %mul3A_219 : i32
      %mul3A_221 = arith.constant 128 : i32
      %mul3A_222 = arith.muli %add3A_212, %mul3A_221 : i32
      %add3A_223 = arith.addi %mul3A_220, %mul3A_222 : i32
      %dma_start3A_224 = arith.constant 0 : i32
      %dma_start3A_225 = tpu.memref_slice %arg4[%add3A_223, %dma_start3A_224] : memref<819200x128xf32, #tpu.memory_space<hbm>> -> memref<128x128xf32, #tpu.memory_space<hbm>>
      %dma_start3A_226 = arith.constant 0 : i32
      %dma_start3A_227 = tpu.memref_slice %arg4[%add3A_223, %dma_start3A_226] : memref<819200x128xf32, #tpu.memory_space<hbm>> -> memref<128x128xf32, #tpu.memory_space<hbm>>
      tpu.enqueue_dma source(%arg8 : memref<128x128xf32, #tpu.memory_space<vmem>>) target(%dma_start3A_227 : memref<128x128xf32, #tpu.memory_space<hbm>>) target_semaphore(%arg18 : memref<!tpu.dma_semaphore, #tpu.memory_space<semaphore_mem>>)
      %mul3A_228 = arith.constant 25600 : i32
      %mul3A_229 = arith.muli %add3A, %mul3A_228 : i32
      %mul3A_230 = arith.constant 128 : i32
      %mul3A_231 = arith.muli %add3A_212, %mul3A_230 : i32
      %add3A_232 = arith.addi %mul3A_229, %mul3A_231 : i32
      %dma_wait3A_233 = arith.constant 0 : i32
      %dma_wait3A_234 = tpu.memref_slice %arg4[%add3A_232, %dma_wait3A_233] : memref<819200x128xf32, #tpu.memory_space<hbm>> -> memref<128x128xf32, #tpu.memory_space<hbm>>
      %dma_wait3A_235 = arith.constant 0 : i32
      %dma_wait3A_236 = tpu.memref_slice %arg4[%add3A_232, %dma_wait3A_235] : memref<819200x128xf32, #tpu.memory_space<hbm>> -> memref<128x128xf32, #tpu.memory_space<hbm>>
      tpu.wait_dma2 semaphore(%arg18 : memref<!tpu.dma_semaphore, #tpu.memory_space<semaphore_mem>>) src(%arg8 : memref<128x128xf32, #tpu.memory_space<vmem>>) dst(%dma_wait3A_236 : memref<128x128xf32, #tpu.memory_space<hbm>>)
      %add3A_237 = arith.constant 5 : i32
      %add3A_238 = arith.addi %add3A_212, %add3A_237 : i32
      %mul3A_239 = arith.constant 128 : i32
      %mul3A_240 = arith.muli %add3A_238, %mul3A_239 : i32
      %dma_start3A_241 = tpu.memref_slice %arg5[%mul3A_240] : memref<25600xi32, #tpu.memory_space<vmem>> -> memref<128xi32, #tpu.memory_space<vmem>>
      %dma_start3A_242 = arith.constant 0 : i32
      %dma_start3A_243 = arith.constant 0 : i32
      %dma_start3A_244 = tpu.memref_slice %arg2[%dma_start3A_242, %dma_start3A_243] : memref<1000000x128xf32, #tpu.memory_space<hbm>> -> memref<1000000x128xf32, #tpu.memory_space<hbm>>
      tpu.enqueue_indirect_dma source(%dma_start3A_244 : memref<1000000x128xf32, #tpu.memory_space<hbm>>) target(%arg8 : memref<128x128xf32, #tpu.memory_space<vmem>>) offsets(%dma_start3A_241 : memref<128xi32, #tpu.memory_space<vmem>>) semaphore(%arg13 : memref<!tpu.dma_semaphore, #tpu.memory_space<semaphore_mem>>)
      %mul3A_245 = arith.constant 5 : i32
      %mul3A_246 = arith.muli %scan3A_136, %mul3A_245 : i32
      %add3A_247 = arith.constant 3 : i32
      %add3A_248 = arith.addi %mul3A_246, %add3A_247 : i32
      %mul3A_249 = arith.constant 128 : i32
      %mul3A_250 = arith.muli %add3A_248, %mul3A_249 : i32
      %dma_wait3A_251 = tpu.memref_slice %arg5[%mul3A_250] : memref<25600xi32, #tpu.memory_space<vmem>> -> memref<128xi32, #tpu.memory_space<vmem>>
      %dma_wait3A_252 = arith.constant 0 : i32
      %dma_wait3A_253 = arith.constant 0 : i32
      %dma_wait3A_254 = tpu.memref_slice %arg2[%dma_wait3A_252, %dma_wait3A_253] : memref<1000000x128xf32, #tpu.memory_space<hbm>> -> memref<1000000x128xf32, #tpu.memory_space<hbm>>
      tpu.wait_indirect_dma semaphore(%arg14 : memref<!tpu.dma_semaphore, #tpu.memory_space<semaphore_mem>>) src(%dma_wait3A_254 : memref<1000000x128xf32, #tpu.memory_space<hbm>>) dst(%arg9 : memref<128x128xf32, #tpu.memory_space<vmem>>)
      %mul3A_255 = arith.constant 25600 : i32
      %mul3A_256 = arith.muli %add3A, %mul3A_255 : i32
      %mul3A_257 = arith.constant 128 : i32
      %mul3A_258 = arith.muli %add3A_248, %mul3A_257 : i32
      %add3A_259 = arith.addi %mul3A_256, %mul3A_258 : i32
      %dma_start3A_260 = arith.constant 0 : i32
      %dma_start3A_261 = tpu.memref_slice %arg4[%add3A_259, %dma_start3A_260] : memref<819200x128xf32, #tpu.memory_space<hbm>> -> memref<128x128xf32, #tpu.memory_space<hbm>>
      %dma_start3A_262 = arith.constant 0 : i32
      %dma_start3A_263 = tpu.memref_slice %arg4[%add3A_259, %dma_start3A_262] : memref<819200x128xf32, #tpu.memory_space<hbm>> -> memref<128x128xf32, #tpu.memory_space<hbm>>
      tpu.enqueue_dma source(%arg9 : memref<128x128xf32, #tpu.memory_space<vmem>>) target(%dma_start3A_263 : memref<128x128xf32, #tpu.memory_space<hbm>>) target_semaphore(%arg19 : memref<!tpu.dma_semaphore, #tpu.memory_space<semaphore_mem>>)
      %mul3A_264 = arith.constant 25600 : i32
      %mul3A_265 = arith.muli %add3A, %mul3A_264 : i32
      %mul3A_266 = arith.constant 128 : i32
      %mul3A_267 = arith.muli %add3A_248, %mul3A_266 : i32
      %add3A_268 = arith.addi %mul3A_265, %mul3A_267 : i32
      %dma_wait3A_269 = arith.constant 0 : i32
      %dma_wait3A_270 = tpu.memref_slice %arg4[%add3A_268, %dma_wait3A_269] : memref<819200x128xf32, #tpu.memory_space<hbm>> -> memref<128x128xf32, #tpu.memory_space<hbm>>
      %dma_wait3A_271 = arith.constant 0 : i32
      %dma_wait3A_272 = tpu.memref_slice %arg4[%add3A_268, %dma_wait3A_271] : memref<819200x128xf32, #tpu.memory_space<hbm>> -> memref<128x128xf32, #tpu.memory_space<hbm>>
      tpu.wait_dma2 semaphore(%arg19 : memref<!tpu.dma_semaphore, #tpu.memory_space<semaphore_mem>>) src(%arg9 : memref<128x128xf32, #tpu.memory_space<vmem>>) dst(%dma_wait3A_272 : memref<128x128xf32, #tpu.memory_space<hbm>>)
      %add3A_273 = arith.constant 5 : i32
      %add3A_274 = arith.addi %add3A_248, %add3A_273 : i32
      %mul3A_275 = arith.constant 128 : i32
      %mul3A_276 = arith.muli %add3A_274, %mul3A_275 : i32
      %dma_start3A_277 = tpu.memref_slice %arg5[%mul3A_276] : memref<25600xi32, #tpu.memory_space<vmem>> -> memref<128xi32, #tpu.memory_space<vmem>>
      %dma_start3A_278 = arith.constant 0 : i32
      %dma_start3A_279 = arith.constant 0 : i32
      %dma_start3A_280 = tpu.memref_slice %arg2[%dma_start3A_278, %dma_start3A_279] : memref<1000000x128xf32, #tpu.memory_space<hbm>> -> memref<1000000x128xf32, #tpu.memory_space<hbm>>
      tpu.enqueue_indirect_dma source(%dma_start3A_280 : memref<1000000x128xf32, #tpu.memory_space<hbm>>) target(%arg9 : memref<128x128xf32, #tpu.memory_space<vmem>>) offsets(%dma_start3A_277 : memref<128xi32, #tpu.memory_space<vmem>>) semaphore(%arg14 : memref<!tpu.dma_semaphore, #tpu.memory_space<semaphore_mem>>)
      %mul3A_281 = arith.constant 5 : i32
      %mul3A_282 = arith.muli %scan3A_136, %mul3A_281 : i32
      %add3A_283 = arith.constant 4 : i32
      %add3A_284 = arith.addi %mul3A_282, %add3A_283 : i32
      %mul3A_285 = arith.constant 128 : i32
      %mul3A_286 = arith.muli %add3A_284, %mul3A_285 : i32
      %dma_wait3A_287 = tpu.memref_slice %arg5[%mul3A_286] : memref<25600xi32, #tpu.memory_space<vmem>> -> memref<128xi32, #tpu.memory_space<vmem>>
      %dma_wait3A_288 = arith.constant 0 : i32
      %dma_wait3A_289 = arith.constant 0 : i32
      %dma_wait3A_290 = tpu.memref_slice %arg2[%dma_wait3A_288, %dma_wait3A_289] : memref<1000000x128xf32, #tpu.memory_space<hbm>> -> memref<1000000x128xf32, #tpu.memory_space<hbm>>
      tpu.wait_indirect_dma semaphore(%arg15 : memref<!tpu.dma_semaphore, #tpu.memory_space<semaphore_mem>>) src(%dma_wait3A_290 : memref<1000000x128xf32, #tpu.memory_space<hbm>>) dst(%arg10 : memref<128x128xf32, #tpu.memory_space<vmem>>)
      %mul3A_291 = arith.constant 25600 : i32
      %mul3A_292 = arith.muli %add3A, %mul3A_291 : i32
      %mul3A_293 = arith.constant 128 : i32
      %mul3A_294 = arith.muli %add3A_284, %mul3A_293 : i32
      %add3A_295 = arith.addi %mul3A_292, %mul3A_294 : i32
      %dma_start3A_296 = arith.constant 0 : i32
      %dma_start3A_297 = tpu.memref_slice %arg4[%add3A_295, %dma_start3A_296] : memref<819200x128xf32, #tpu.memory_space<hbm>> -> memref<128x128xf32, #tpu.memory_space<hbm>>
      %dma_start3A_298 = arith.constant 0 : i32
      %dma_start3A_299 = tpu.memref_slice %arg4[%add3A_295, %dma_start3A_298] : memref<819200x128xf32, #tpu.memory_space<hbm>> -> memref<128x128xf32, #tpu.memory_space<hbm>>
      tpu.enqueue_dma source(%arg10 : memref<128x128xf32, #tpu.memory_space<vmem>>) target(%dma_start3A_299 : memref<128x128xf32, #tpu.memory_space<hbm>>) target_semaphore(%arg20 : memref<!tpu.dma_semaphore, #tpu.memory_space<semaphore_mem>>)
      %mul3A_300 = arith.constant 25600 : i32
      %mul3A_301 = arith.muli %add3A, %mul3A_300 : i32
      %mul3A_302 = arith.constant 128 : i32
      %mul3A_303 = arith.muli %add3A_284, %mul3A_302 : i32
      %add3A_304 = arith.addi %mul3A_301, %mul3A_303 : i32
      %dma_wait3A_305 = arith.constant 0 : i32
      %dma_wait3A_306 = tpu.memref_slice %arg4[%add3A_304, %dma_wait3A_305] : memref<819200x128xf32, #tpu.memory_space<hbm>> -> memref<128x128xf32, #tpu.memory_space<hbm>>
      %dma_wait3A_307 = arith.constant 0 : i32
      %dma_wait3A_308 = tpu.memref_slice %arg4[%add3A_304, %dma_wait3A_307] : memref<819200x128xf32, #tpu.memory_space<hbm>> -> memref<128x128xf32, #tpu.memory_space<hbm>>
      tpu.wait_dma2 semaphore(%arg20 : memref<!tpu.dma_semaphore, #tpu.memory_space<semaphore_mem>>) src(%arg10 : memref<128x128xf32, #tpu.memory_space<vmem>>) dst(%dma_wait3A_308 : memref<128x128xf32, #tpu.memory_space<hbm>>)
      %add3A_309 = arith.constant 5 : i32
      %add3A_310 = arith.addi %add3A_284, %add3A_309 : i32
      %mul3A_311 = arith.constant 128 : i32
      %mul3A_312 = arith.muli %add3A_310, %mul3A_311 : i32
      %dma_start3A_313 = tpu.memref_slice %arg5[%mul3A_312] : memref<25600xi32, #tpu.memory_space<vmem>> -> memref<128xi32, #tpu.memory_space<vmem>>
      %dma_start3A_314 = arith.constant 0 : i32
      %dma_start3A_315 = arith.constant 0 : i32
      %dma_start3A_316 = tpu.memref_slice %arg2[%dma_start3A_314, %dma_start3A_315] : memref<1000000x128xf32, #tpu.memory_space<hbm>> -> memref<1000000x128xf32, #tpu.memory_space<hbm>>
      tpu.enqueue_indirect_dma source(%dma_start3A_316 : memref<1000000x128xf32, #tpu.memory_space<hbm>>) target(%arg10 : memref<128x128xf32, #tpu.memory_space<vmem>>) offsets(%dma_start3A_313 : memref<128xi32, #tpu.memory_space<vmem>>) semaphore(%arg15 : memref<!tpu.dma_semaphore, #tpu.memory_space<semaphore_mem>>)
    }
    %scan3A_31 = arith.constant 39 : i32
    %dma_wait3A = arith.constant 24960 : i32
    %dma_wait3A_32 = tpu.memref_slice %arg5[%dma_wait3A] : memref<25600xi32, #tpu.memory_space<vmem>> -> memref<128xi32, #tpu.memory_space<vmem>>
    %dma_wait3A_33 = arith.constant 0 : i32
    %dma_wait3A_34 = arith.constant 0 : i32
    %dma_wait3A_35 = tpu.memref_slice %arg2[%dma_wait3A_33, %dma_wait3A_34] : memref<1000000x128xf32, #tpu.memory_space<hbm>> -> memref<1000000x128xf32, #tpu.memory_space<hbm>>
    tpu.wait_indirect_dma semaphore(%arg11 : memref<!tpu.dma_semaphore, #tpu.memory_space<semaphore_mem>>) src(%dma_wait3A_35 : memref<1000000x128xf32, #tpu.memory_space<hbm>>) dst(%arg6 : memref<128x128xf32, #tpu.memory_space<vmem>>)
    %mul3A_36 = arith.constant 25600 : i32
    %mul3A_37 = arith.muli %add3A, %mul3A_36 : i32
    %add3A_38 = arith.constant 24960 : i32
    %add3A_39 = arith.addi %mul3A_37, %add3A_38 : i32
    %dma_start3A_40 = arith.constant 0 : i32
    %dma_start3A_41 = tpu.memref_slice %arg4[%add3A_39, %dma_start3A_40] : memref<819200x128xf32, #tpu.memory_space<hbm>> -> memref<128x128xf32, #tpu.memory_space<hbm>>
    %dma_start3A_42 = arith.constant 0 : i32
    %dma_start3A_43 = tpu.memref_slice %arg4[%add3A_39, %dma_start3A_42] : memref<819200x128xf32, #tpu.memory_space<hbm>> -> memref<128x128xf32, #tpu.memory_space<hbm>>
    tpu.enqueue_dma source(%arg6 : memref<128x128xf32, #tpu.memory_space<vmem>>) target(%dma_start3A_43 : memref<128x128xf32, #tpu.memory_space<hbm>>) target_semaphore(%arg16 : memref<!tpu.dma_semaphore, #tpu.memory_space<semaphore_mem>>)
    %dma_wait3A_44 = arith.constant 25088 : i32
    %dma_wait3A_45 = tpu.memref_slice %arg5[%dma_wait3A_44] : memref<25600xi32, #tpu.memory_space<vmem>> -> memref<128xi32, #tpu.memory_space<vmem>>
    %dma_wait3A_46 = arith.constant 0 : i32
    %dma_wait3A_47 = arith.constant 0 : i32
    %dma_wait3A_48 = tpu.memref_slice %arg2[%dma_wait3A_46, %dma_wait3A_47] : memref<1000000x128xf32, #tpu.memory_space<hbm>> -> memref<1000000x128xf32, #tpu.memory_space<hbm>>
    tpu.wait_indirect_dma semaphore(%arg12 : memref<!tpu.dma_semaphore, #tpu.memory_space<semaphore_mem>>) src(%dma_wait3A_48 : memref<1000000x128xf32, #tpu.memory_space<hbm>>) dst(%arg7 : memref<128x128xf32, #tpu.memory_space<vmem>>)
    %mul3A_49 = arith.constant 25600 : i32
    %mul3A_50 = arith.muli %add3A, %mul3A_49 : i32
    %add3A_51 = arith.constant 25088 : i32
    %add3A_52 = arith.addi %mul3A_50, %add3A_51 : i32
    %dma_start3A_53 = arith.constant 0 : i32
    %dma_start3A_54 = tpu.memref_slice %arg4[%add3A_52, %dma_start3A_53] : memref<819200x128xf32, #tpu.memory_space<hbm>> -> memref<128x128xf32, #tpu.memory_space<hbm>>
    %dma_start3A_55 = arith.constant 0 : i32
    %dma_start3A_56 = tpu.memref_slice %arg4[%add3A_52, %dma_start3A_55] : memref<819200x128xf32, #tpu.memory_space<hbm>> -> memref<128x128xf32, #tpu.memory_space<hbm>>
    tpu.enqueue_dma source(%arg7 : memref<128x128xf32, #tpu.memory_space<vmem>>) target(%dma_start3A_56 : memref<128x128xf32, #tpu.memory_space<hbm>>) target_semaphore(%arg17 : memref<!tpu.dma_semaphore, #tpu.memory_space<semaphore_mem>>)
    %dma_wait3A_57 = arith.constant 25216 : i32
    %dma_wait3A_58 = tpu.memref_slice %arg5[%dma_wait3A_57] : memref<25600xi32, #tpu.memory_space<vmem>> -> memref<128xi32, #tpu.memory_space<vmem>>
    %dma_wait3A_59 = arith.constant 0 : i32
    %dma_wait3A_60 = arith.constant 0 : i32
    %dma_wait3A_61 = tpu.memref_slice %arg2[%dma_wait3A_59, %dma_wait3A_60] : memref<1000000x128xf32, #tpu.memory_space<hbm>> -> memref<1000000x128xf32, #tpu.memory_space<hbm>>
    tpu.wait_indirect_dma semaphore(%arg13 : memref<!tpu.dma_semaphore, #tpu.memory_space<semaphore_mem>>) src(%dma_wait3A_61 : memref<1000000x128xf32, #tpu.memory_space<hbm>>) dst(%arg8 : memref<128x128xf32, #tpu.memory_space<vmem>>)
    %mul3A_62 = arith.constant 25600 : i32
    %mul3A_63 = arith.muli %add3A, %mul3A_62 : i32
    %add3A_64 = arith.constant 25216 : i32
    %add3A_65 = arith.addi %mul3A_63, %add3A_64 : i32
    %dma_start3A_66 = arith.constant 0 : i32
    %dma_start3A_67 = tpu.memref_slice %arg4[%add3A_65, %dma_start3A_66] : memref<819200x128xf32, #tpu.memory_space<hbm>> -> memref<128x128xf32, #tpu.memory_space<hbm>>
    %dma_start3A_68 = arith.constant 0 : i32
    %dma_start3A_69 = tpu.memref_slice %arg4[%add3A_65, %dma_start3A_68] : memref<819200x128xf32, #tpu.memory_space<hbm>> -> memref<128x128xf32, #tpu.memory_space<hbm>>
    tpu.enqueue_dma source(%arg8 : memref<128x128xf32, #tpu.memory_space<vmem>>) target(%dma_start3A_69 : memref<128x128xf32, #tpu.memory_space<hbm>>) target_semaphore(%arg18 : memref<!tpu.dma_semaphore, #tpu.memory_space<semaphore_mem>>)
    %dma_wait3A_70 = arith.constant 25344 : i32
    %dma_wait3A_71 = tpu.memref_slice %arg5[%dma_wait3A_70] : memref<25600xi32, #tpu.memory_space<vmem>> -> memref<128xi32, #tpu.memory_space<vmem>>
    %dma_wait3A_72 = arith.constant 0 : i32
    %dma_wait3A_73 = arith.constant 0 : i32
    %dma_wait3A_74 = tpu.memref_slice %arg2[%dma_wait3A_72, %dma_wait3A_73] : memref<1000000x128xf32, #tpu.memory_space<hbm>> -> memref<1000000x128xf32, #tpu.memory_space<hbm>>
    tpu.wait_indirect_dma semaphore(%arg14 : memref<!tpu.dma_semaphore, #tpu.memory_space<semaphore_mem>>) src(%dma_wait3A_74 : memref<1000000x128xf32, #tpu.memory_space<hbm>>) dst(%arg9 : memref<128x128xf32, #tpu.memory_space<vmem>>)
    %mul3A_75 = arith.constant 25600 : i32
    %mul3A_76 = arith.muli %add3A, %mul3A_75 : i32
    %add3A_77 = arith.constant 25344 : i32
    %add3A_78 = arith.addi %mul3A_76, %add3A_77 : i32
    %dma_start3A_79 = arith.constant 0 : i32
    %dma_start3A_80 = tpu.memref_slice %arg4[%add3A_78, %dma_start3A_79] : memref<819200x128xf32, #tpu.memory_space<hbm>> -> memref<128x128xf32, #tpu.memory_space<hbm>>
    %dma_start3A_81 = arith.constant 0 : i32
    %dma_start3A_82 = tpu.memref_slice %arg4[%add3A_78, %dma_start3A_81] : memref<819200x128xf32, #tpu.memory_space<hbm>> -> memref<128x128xf32, #tpu.memory_space<hbm>>
    tpu.enqueue_dma source(%arg9 : memref<128x128xf32, #tpu.memory_space<vmem>>) target(%dma_start3A_82 : memref<128x128xf32, #tpu.memory_space<hbm>>) target_semaphore(%arg19 : memref<!tpu.dma_semaphore, #tpu.memory_space<semaphore_mem>>)
    %dma_wait3A_83 = arith.constant 25472 : i32
    %dma_wait3A_84 = tpu.memref_slice %arg5[%dma_wait3A_83] : memref<25600xi32, #tpu.memory_space<vmem>> -> memref<128xi32, #tpu.memory_space<vmem>>
    %dma_wait3A_85 = arith.constant 0 : i32
    %dma_wait3A_86 = arith.constant 0 : i32
    %dma_wait3A_87 = tpu.memref_slice %arg2[%dma_wait3A_85, %dma_wait3A_86] : memref<1000000x128xf32, #tpu.memory_space<hbm>> -> memref<1000000x128xf32, #tpu.memory_space<hbm>>
    tpu.wait_indirect_dma semaphore(%arg15 : memref<!tpu.dma_semaphore, #tpu.memory_space<semaphore_mem>>) src(%dma_wait3A_87 : memref<1000000x128xf32, #tpu.memory_space<hbm>>) dst(%arg10 : memref<128x128xf32, #tpu.memory_space<vmem>>)
    %mul3A_88 = arith.constant 25600 : i32
    %mul3A_89 = arith.muli %add3A, %mul3A_88 : i32
    %add3A_90 = arith.constant 25472 : i32
    %add3A_91 = arith.addi %mul3A_89, %add3A_90 : i32
    %dma_start3A_92 = arith.constant 0 : i32
    %dma_start3A_93 = tpu.memref_slice %arg4[%add3A_91, %dma_start3A_92] : memref<819200x128xf32, #tpu.memory_space<hbm>> -> memref<128x128xf32, #tpu.memory_space<hbm>>
    %dma_start3A_94 = arith.constant 0 : i32
    %dma_start3A_95 = tpu.memref_slice %arg4[%add3A_91, %dma_start3A_94] : memref<819200x128xf32, #tpu.memory_space<hbm>> -> memref<128x128xf32, #tpu.memory_space<hbm>>
    tpu.enqueue_dma source(%arg10 : memref<128x128xf32, #tpu.memory_space<vmem>>) target(%dma_start3A_95 : memref<128x128xf32, #tpu.memory_space<hbm>>) target_semaphore(%arg20 : memref<!tpu.dma_semaphore, #tpu.memory_space<semaphore_mem>>)
    %mul3A_96 = arith.constant 25600 : i32
    %mul3A_97 = arith.muli %add3A, %mul3A_96 : i32
    %add3A_98 = arith.constant 24960 : i32
    %add3A_99 = arith.addi %mul3A_97, %add3A_98 : i32
    %dma_wait3A_100 = arith.constant 0 : i32
    %dma_wait3A_101 = tpu.memref_slice %arg4[%add3A_99, %dma_wait3A_100] : memref<819200x128xf32, #tpu.memory_space<hbm>> -> memref<128x128xf32, #tpu.memory_space<hbm>>
    %dma_wait3A_102 = arith.constant 0 : i32
    %dma_wait3A_103 = tpu.memref_slice %arg4[%add3A_99, %dma_wait3A_102] : memref<819200x128xf32, #tpu.memory_space<hbm>> -> memref<128x128xf32, #tpu.memory_space<hbm>>
    tpu.wait_dma2 semaphore(%arg16 : memref<!tpu.dma_semaphore, #tpu.memory_space<semaphore_mem>>) src(%arg6 : memref<128x128xf32, #tpu.memory_space<vmem>>) dst(%dma_wait3A_103 : memref<128x128xf32, #tpu.memory_space<hbm>>)
    %mul3A_104 = arith.constant 25600 : i32
    %mul3A_105 = arith.muli %add3A, %mul3A_104 : i32
    %add3A_106 = arith.constant 25088 : i32
    %add3A_107 = arith.addi %mul3A_105, %add3A_106 : i32
    %dma_wait3A_108 = arith.constant 0 : i32
    %dma_wait3A_109 = tpu.memref_slice %arg4[%add3A_107, %dma_wait3A_108] : memref<819200x128xf32, #tpu.memory_space<hbm>> -> memref<128x128xf32, #tpu.memory_space<hbm>>
    %dma_wait3A_110 = arith.constant 0 : i32
    %dma_wait3A_111 = tpu.memref_slice %arg4[%add3A_107, %dma_wait3A_110] : memref<819200x128xf32, #tpu.memory_space<hbm>> -> memref<128x128xf32, #tpu.memory_space<hbm>>
    tpu.wait_dma2 semaphore(%arg17 : memref<!tpu.dma_semaphore, #tpu.memory_space<semaphore_mem>>) src(%arg7 : memref<128x128xf32, #tpu.memory_space<vmem>>) dst(%dma_wait3A_111 : memref<128x128xf32, #tpu.memory_space<hbm>>)
    %mul3A_112 = arith.constant 25600 : i32
    %mul3A_113 = arith.muli %add3A, %mul3A_112 : i32
    %add3A_114 = arith.constant 25216 : i32
    %add3A_115 = arith.addi %mul3A_113, %add3A_114 : i32
    %dma_wait3A_116 = arith.constant 0 : i32
    %dma_wait3A_117 = tpu.memref_slice %arg4[%add3A_115, %dma_wait3A_116] : memref<819200x128xf32, #tpu.memory_space<hbm>> -> memref<128x128xf32, #tpu.memory_space<hbm>>
    %dma_wait3A_118 = arith.constant 0 : i32
    %dma_wait3A_119 = tpu.memref_slice %arg4[%add3A_115, %dma_wait3A_118] : memref<819200x128xf32, #tpu.memory_space<hbm>> -> memref<128x128xf32, #tpu.memory_space<hbm>>
    tpu.wait_dma2 semaphore(%arg18 : memref<!tpu.dma_semaphore, #tpu.memory_space<semaphore_mem>>) src(%arg8 : memref<128x128xf32, #tpu.memory_space<vmem>>) dst(%dma_wait3A_119 : memref<128x128xf32, #tpu.memory_space<hbm>>)
    %mul3A_120 = arith.constant 25600 : i32
    %mul3A_121 = arith.muli %add3A, %mul3A_120 : i32
    %add3A_122 = arith.constant 25344 : i32
    %add3A_123 = arith.addi %mul3A_121, %add3A_122 : i32
    %dma_wait3A_124 = arith.constant 0 : i32
    %dma_wait3A_125 = tpu.memref_slice %arg4[%add3A_123, %dma_wait3A_124] : memref<819200x128xf32, #tpu.memory_space<hbm>> -> memref<128x128xf32, #tpu.memory_space<hbm>>
    %dma_wait3A_126 = arith.constant 0 : i32
    %dma_wait3A_127 = tpu.memref_slice %arg4[%add3A_123, %dma_wait3A_126] : memref<819200x128xf32, #tpu.memory_space<hbm>> -> memref<128x128xf32, #tpu.memory_space<hbm>>
    tpu.wait_dma2 semaphore(%arg19 : memref<!tpu.dma_semaphore, #tpu.memory_space<semaphore_mem>>) src(%arg9 : memref<128x128xf32, #tpu.memory_space<vmem>>) dst(%dma_wait3A_127 : memref<128x128xf32, #tpu.memory_space<hbm>>)
    %mul3A_128 = arith.constant 25600 : i32
    %mul3A_129 = arith.muli %add3A, %mul3A_128 : i32
    %add3A_130 = arith.constant 25472 : i32
    %add3A_131 = arith.addi %mul3A_129, %add3A_130 : i32
    %dma_wait3A_132 = arith.constant 0 : i32
    %dma_wait3A_133 = tpu.memref_slice %arg4[%add3A_131, %dma_wait3A_132] : memref<819200x128xf32, #tpu.memory_space<hbm>> -> memref<128x128xf32, #tpu.memory_space<hbm>>
    %dma_wait3A_134 = arith.constant 0 : i32
    %dma_wait3A_135 = tpu.memref_slice %arg4[%add3A_131, %dma_wait3A_134] : memref<819200x128xf32, #tpu.memory_space<hbm>> -> memref<128x128xf32, #tpu.memory_space<hbm>>
    tpu.wait_dma2 semaphore(%arg20 : memref<!tpu.dma_semaphore, #tpu.memory_space<semaphore_mem>>) src(%arg10 : memref<128x128xf32, #tpu.memory_space<vmem>>) dst(%dma_wait3A_135 : memref<128x128xf32, #tpu.memory_space<hbm>>)
    return
  }
}

</mosaic_0001>

<sc_bundles>
// kernel: kernel.4.cloned.1.call-start
scs
__scs_entry_jumppad:
0x0: {  	(pc) =	sbr.rel $0x88, $3  }
0x1: {  	(tag) =	ssettag $0x0;
	lr =	simm.s32 $0x1  }
0x2: {  	[smem:$0x3F9F] =	sst lr;
	_ =	strace $0xD0000000  }
0x3: {  	_ = 	snop  }
0x4: {  	_ = 	snop  }
0x5: {  	_ = 	snop  }
0x6: {  	_ = 	snop  }
0x7: {  	_ = 	snop  }
__scs_overlays_trampoline_lowered:
0x8: {  	[smem:$0x3FAE] =	sst s0  }
0x9: {  	[smem:$0x3FAF] =	sst s1  }
0xa: {  	[smem:$0x3FB0] =	sst s2  }
0xb: {  	[smem:$0x3FB1] =	sst s3  }
0xc: {  	[smem:$0x3FB2] =	sst s4  }
0xd: {  	[smem:$0x3FB3] =	sst s5  }
0xe: {  	[smem:$0x3FB4] =	sst s6  }
0xf: {  	[smem:$0x3FB5] =	sst s7  }
0x10: {  	[smem:$0x3FB6] =	sst s8  }
0x11: {  	[smem:$0x3FB7] =	sst s9;
	s0 =	simm.s32 @!p0 $0x0  }
0x12: {  	s1 =	sld [smem:$0x3F9D];
	s0 =	simm.s32 @p0 $0x1  }
0x13: {  	[smem:$0x3FB8] =	sst s0;
	s0 =	simm.s32 @!p1 $0x0  }
0x14: {  	s2 =	sld [smem:$0x3F9C];
	s0 =	simm.s32 @p1 $0x1  }
0x15: {  	[smem:$0x3FB9] =	sst s0;
	s0 =	simm.s32 @!p2 $0x0  }
0x16: {  	s3 =	sld [smem:$0x3FDB];
	s0 =	simm.s32 @p2 $0x1  }
0x17: {  	s4 =	simm.s32 $0x1BF5;
	[smem:$0x3FBB] =	sst s0  }
0x18: {  	s0 =	sld [smem:$0x3F9E];
	_ =	swait.ge [sflag:s4], $0x0  }
0x19: {  	s7 =	sld [smem:$0x3F9F]  }
0x1a: {  	s8 =	sadd.s32 $0xFFFFE003, lr  }
0x1b: {  	s9 =	sadd.s32 $0xFFFFFEF7, lr;
	s5 =	simm.s32 $0xFFFFFFFF;
	p2 =	slt.u32 s8, $0xFFFFF086  }
0x1c: {  	p1 =	slt.u32 s9, $0xF7A;
	s5 =	simm.s32 @!p2 $0x0  }
0x1d: {  	s5 =	simm.s32 @p1 $0x1;
	p0 =	seq.s32 s7, s2  }
0x1e: {  	s7 =	smul.u32 @!p0 $0xF7A, s2;
	p2 =	seq.s32 @!p0 s5, $0x0  }
0x1f: {  	s9 =	smul.u32 $0xF7A, s1;
	s8 =	simm.s32 @!p0 $0x1BF5;
	p2 =	por !p2, p0  }
0x20: {  	[sflag:s8] =	ssyncset.s32 @!p0 $0xFFFFF086;
	s6 =	sadd.s32 @!p0 s3, s7;
	s7 =	simm.s32 @!p0 $0x108  }
0x21: {  	s3 =	sadd.s32 s3, s9;
	s6 =	sadd.s32 @!p0 $0x88, s6;
	s7 =	simm.s32 @p2 $0x1082  }
0x22: {  	[simem:s7], [sflag:s8] =	dma.local @!p0 [hbm:s6], $0xF7A  }
0x23: {  	s9 =	sor.u32 $0xD0000000, s2;
	s6 =	simm.s32 $0x108;
	_ =	swait.ge @!p0 [sflag:s8], $0x0  }
0x24: {  	s3 =	sadd.s32 $0x88, s3;
	s6 =	simm.s32 @!p1 $0x1082;
	[sflag:s4] =	ssyncset.s32 $0xFFFFF086  }
0x25: {  	[simem:s6], [sflag:s4] =	dma.local [hbm:s3], $0xF7A  }
0x26: {  	[smem:$0x3F9F] =	sst s1;
	(tag) =	ssettag s2;
	_ =	strace s9  }
0x27: {  	s1 =	sld [smem:$0x3FAF]  }
0x28: {  	s2 =	sld [smem:$0x3FB0]  }
0x29: {  	s4 =	sld [smem:$0x3FB2]  }
0x2a: {  	p0 =	seq.s32 s5, $0x0;
	s5 =	sld [smem:$0x3FB3]  }
0x2b: {  	s6 =	sld [smem:$0x3FB4]  }
0x2c: {  	s7 =	sld [smem:$0x3FB5]  }
0x2d: {  	s3 =	simm.s32 $0x108;
	s8 =	sld [smem:$0x3FB6]  }
0x2e: {  	s3 =	simm.s32 @!p0 $0x1082;
	s9 =	sld [smem:$0x3FB7]  }
0x2f: {  	lr =	sadd.s32 s0, s3;
	s0 =	sld [smem:$0x3FAE]  }
0x30: {  	s3 =	sld [smem:$0x3FB1]  }
0x31: {  	[smem:$0x3FBA] =	sst s10  }
0x32: {  	s10 =	sld [smem:$0x3FB8];
	_ =	sdelay $0x3  }
0x33: {  	p0 =	seq.s32 s10, $0x1;
	s10 =	sld [smem:$0x3FBA];
	_ =	sdelay $0x3  }
0x34: {  	[smem:$0x3FBA] =	sst s10  }
0x35: {  	s10 =	sld [smem:$0x3FB9];
	_ =	sdelay $0x3  }
0x36: {  	p1 =	seq.s32 s10, $0x1;
	s10 =	sld [smem:$0x3FBA];
	_ =	sdelay $0x3  }
0x37: {  	[smem:$0x3FBA] =	sst s10  }
0x38: {  	s10 =	sld [smem:$0x3FBB]  }
0x39: {  	_ = 	snop;
	(pc) =	sbr.ind lr, $3  }
0x3a: {  	_ = 	snop  }
0x3b: {  	_ = 	snop  }
0x3c: {  	p2 =	seq.s32 s10, $0x1;
	s10 =	sld [smem:$0x3FBA]  }
0x3d: {  	_ =	shalt  }
0x3e: {  	_ =	shalt  }
0x3f: {  	_ =	shalt  }
0x40: {  	_ =	shalt  }
0x41: {  	_ =	shalt  }
0x42: {  	_ =	shalt  }
0x43: {  	_ =	shalt  }
0x44: {  	_ =	shalt  }
0x45: {  	_ =	shalt  }
0x46: {  	_ =	shalt  }
0x47: {  	_ =	shalt  }
0x48: {  	_ =	shalt  }
0x49: {  	_ =	shalt  }
0x4a: {  	_ =	shalt  }
0x4b: {  	_ =	shalt  }
0x4c: {  	_ =	shalt  }
0x4d: {  	_ =	shalt  }
0x4e: {  	_ =	shalt  }
0x4f: {  	_ =	shalt  }
0x50: {  	_ =	shalt  }
0x51: {  	_ =	shalt  }
0x52: {  	_ =	shalt  }
0x53: {  	_ =	shalt  }
0x54: {  	_ =	shalt  }
0x55: {  	_ =	shalt  }
0x56: {  	_ =	shalt  }
0x57: {  	_ =	shalt  }
0x58: {  	_ =	shalt  }
0x59: {  	_ =	shalt  }
0x5a: {  	_ =	shalt  }
0x5b: {  	_ =	shalt  }
0x5c: {  	_ =	shalt  }
0x5d: {  	_ =	shalt  }
0x5e: {  	_ =	shalt  }
0x5f: {  	_ =	shalt  }
0x60: {  	_ =	shalt  }
0x61: {  	_ =	shalt  }
0x62: {  	_ =	shalt  }
0x63: {  	_ =	shalt  }
0x64: {  	_ =	shalt  }
0x65: {  	_ =	shalt  }
0x66: {  	_ =	shalt  }
0x67: {  	_ =	shalt  }
0x68: {  	_ =	shalt  }
0x69: {  	_ =	shalt  }
0x6a: {  	_ =	shalt  }
0x6b: {  	_ =	shalt  }
0x6c: {  	_ =	shalt  }
0x6d: {  	_ =	shalt  }
0x6e: {  	_ =	shalt  }
0x6f: {  	_ =	shalt  }
0x70: {  	_ =	shalt  }
0x71: {  	_ =	shalt  }
0x72: {  	_ =	shalt  }
0x73: {  	_ =	shalt  }
0x74: {  	_ =	shalt  }
0x75: {  	_ =	shalt  }
0x76: {  	_ =	shalt  }
0x77: {  	_ =	shalt  }
0x78: {  	_ =	shalt  }
0x79: {  	_ =	shalt  }
0x7a: {  	_ =	shalt  }
0x7b: {  	_ =	shalt  }
0x7c: {  	_ =	shalt  }
0x7d: {  	_ =	shalt  }
0x7e: {  	_ =	shalt  }
0x7f: {  	_ =	shalt  }
0x80: {  	_ =	shalt  }
0x81: {  	_ =	shalt  }
0x82: {  	_ =	shalt  }
0x83: {  	_ =	shalt  }
0x84: {  	_ =	shalt  }
0x85: {  	_ =	shalt  }
0x86: {  	_ =	shalt  }
0x87: {  	_ =	shalt  }
.Lfunc_end0:
.L_simem_size_0:
called_computation.1_lowered:
.L_overlay_start_0:
0x88: {  	s2 =	sld [smem:$0x3FD9]  }
0x89: {  	s3 =	sld [smem:$0x3FFE];
	_ =	sdelay $0x1  }
0x8a: {  	s1 =	srdreg.scid  }
0x8b: {  	s0 =	sand.u32 $0x1, s1  }
0x8c: {  	s17 =	sshll.u32 s0, $0xA;
	s2 =	sadd.s32 s3, s2  }
0x8d: {  	s2 =	sadd.s32 s2, s17  }
0x8e: {  	[smem:$0x3FC6] =	sst s2  }
0x8f: {  	_ = 	snop  }
0x90: {  	s2 =	sld [smem:$0x3FC8];
	(tm) =	ssettm $0x1  }
0x91: {  	s18 =	sld [smem:$0x3FFB];
	_ =	sdelay $0x3  }
0x92: {  	_ =	strace s18  }
0x93: {  	s3 =	sld [smem:$0x3FFC];
	_ =	sdelay $0x3  }
0x94: {  	_ =	strace s3  }
0x95: {  	s3 =	sld [smem:$0x3FFD];
	_ =	sdelay $0x3  }
0x96: {  	_ =	strace s3  }
0x97: {  	_ =	strace $0x8FFFFFFF  }
0x98: {  	s19 =	sld [smem:$0x3FDB];
	_ =	sdelay $0x1  }
0x99: {  	s4 =	simm.s32 $_scs_section_size  }
0x9a: {  	s5 =	simm.s32 $_size__tile_overlayer_lowered;
	s6 =	simm.s32 $_tile_overlayer_lowered  }
0x9b: {  	s22 =	simm.s32 $0x1BFF;
	s21 =	sshll.u32 s6, $0x1;
	s3 =	sadd.s32 s4, s19  }
0x9c: {  	s7 =	simm.s32 $0x0;
	s20 =	sshll.u32 s5, $0x1;
	s5 =	sadd.s32 s21, s3  }
0x9d: {  	[timem:s7], [sflag:s22] =	dma.local [hbm:s5], s20  }
0x9e: {  	_ =	swait.ge [sflag:s22], s20  }
0x9f: {  	s4 =	ssub.s32 $0x0, s20;
	[sflag:s22] =	ssyncset.done $0x0  }
0xa0: {  	[sflag:s22] =	ssyncadd.s32 s4;
	_ =	sdelay $0x1  }
0xa1: {  	s23 =	simm.s32 $0x1B8B  }
0xa2: {  	_ =	swait.ge [sflag:s23], $0x1  }
0xa3: {  	[sflag:s23] =	ssyncset.done $0x0  }
0xa4: {  	s25 =	simm.s32 $0x1B8E;
	s24 =	sld [smem:$0x3FFE];
	[sflag:s23] =	ssyncadd.s32 $0xFFFFFFFF  }
0xa5: {  	s26 =	simm.s32 $execute0_lowered;
	[smem:$0x3FD2] =	sst s25  }
0xa6: {  	s5 =	sshll.u32 s26, $0x1;
	_ =	strace $0x80000046;
	[dreg:$0x1] =	wrdreg $0xFFFFFFFF  }
0xa7: {  	s28 =	simm.s32 $_size_execute0_lowered;
	s3 =	sadd.s32 s3, s5;
	[dreg:$0x0] =	wrdreg $0x0  }
0xa8: {  	s5 =	sshll.u32 s28, $0x1;
	[dreg:$0x2] =	wrdreg s3  }
0xa9: {  	[dreg:$0x3] =	wrdreg s5  }
0xaa: {  	[dreg:$0x4] =	wrdreg $0xC0  }
0xab: {  	_ =	task [dreg:s7], $0x5FFFF  }
0xac: {  	[dreg:$0x1] =	wrdreg $0xFFFFFFFF  }
0xad: {  	[dreg:$0x0] =	wrdreg $0x60  }
0xae: {  	[dreg:$0x2] =	wrdreg s2  }
0xaf: {  	[dreg:$0x3] =	wrdreg s24  }
0xb0: {  	[dreg:$0x4] =	wrdreg $0x9  }
0xb1: {  	_ =	task.clear_ibuf [dreg:s7], $0x5FFFF;
	_ =	strace $0x90000046  }
0xb2: {  	s29 =	simm.s32 $0x9;
	_ =	strace $0x80000048  }
0xb3: {  	_ =	swait.ge [sflag:s29], $0x1  }
0xb4: {  	[sflag:s29] =	ssyncadd.s32 $0xFFFFFFFF  }
0xb5: {  	_ =	strace $0x90000048  }
0xb6: {  	_ =	sfence  }
0xb7: {  	s30 =	sld [smem:$0x0];
	_ =	sdelay $0x2  }
0xb8: {  	s31 =	sshll.u32 s1, $0xD;
	s1 =	sshrl.u32 s1, $0x2  }
0xb9: {  	s3 =	sand.u32 $0x4000, s31;
	s1 =	sadd.s32 s1, s30  }
0xba: {  	s0 =	sor.u32 s3, s0;
	s1 =	sshll.u32 s1, $0x11  }
0xbb: {  	s0 =	sor.u32 s1, s0  }
0xbc: {  	s0 =	sadd.s32 $0x8F2B, s0  }
0xbd: {  	[sflag:s0] =	ssyncadd.remote.s32 $0x1  }
0xbe: {  	_ =	sfence.sel $0xFFFF  }
0xbf: {  	[dreg:$0x0] =	wrdreg $0xFFFFFFFF;
	(pc) =	sbr.abs _section_cstart, $3  }
0xc0: {  	[dreg:$0x1] =	wrdreg $0xFFFFFFFF  }
0xc1: {  	_ =	task.clear_ibuf [dreg:s7], $0x2FFFF;
	_ =	strace $0x9FFFFFFF  }
0xc2: {  	(tm) =	ssettm $0x7FFFFFFF  }
0xc3: {  	_ =	shalt  }
tec
execute0_lowered:
.L_overlay_start_1:
0x0: {  	(tag) =	ssettag $0x1  }
0x1: {  	vm13 =	vcmask $0x300;
	v0 =	vimm.s32 $0x780  }
0x2: {  	vm14 =	vcmask $0x704;
	vm12 =	vcmask $0xB08;
	vm11 =	vcmask $0xF0C  }
0x3: {  	vm10 =	vcmask $0x1310;
	vm9 =	vcmask $0x1714;
	vm8 =	vcmask $0x1B18  }
0x4: {  	vm7 =	vcmask $0x1F1C;
	vm6 =	vcmask $0x2320;
	v1 =	vimm.s32 $0x781  }
0x5: {  	v2 =	vimm.s32 $0x782;
	vm0 =	vcmask $0x2724;
	v0 =	vsel vm13, $0x1, v0  }
0x6: {  	vm1 =	vcmask $0x2B28;
	vm2 =	vcmask $0x2F2C;
	v0 =	vsel vm14, $0x82, v0  }
0x7: {  	vm3 =	vcmask $0x3330;
	vm4 =	vcmask $0x3734;
	v0 =	vsel vm12, $0x103, v0  }
0x8: {  	vm5 =	vcmask $0x3B38;
	v1 =	vsel vm13, $0x2, v1;
	v0 =	vsel vm11, $0x184, v0  }
0x9: {  	v2 =	vsel vm13, $0x3, v2;
	v1 =	vsel vm14, $0x83, v1;
	v0 =	vsel vm10, $0x205, v0  }
0xa: {  	v2 =	vsel vm14, $0x84, v2;
	v1 =	vsel vm12, $0x104, v1;
	v0 =	vsel vm9, $0x286, v0  }
0xb: {  	v2 =	vsel vm12, $0x105, v2;
	v1 =	vsel vm11, $0x185, v1;
	v0 =	vsel vm8, $0x307, v0  }
0xc: {  	v2 =	vsel vm11, $0x186, v2;
	v1 =	vsel vm10, $0x206, v1;
	v0 =	vsel vm7, $0x388, v0  }
0xd: {  	v2 =	vsel vm10, $0x207, v2;
	v1 =	vsel vm9, $0x287, v1;
	v0 =	vsel vm6, $0x409, v0  }
0xe: {  	v2 =	vsel vm9, $0x288, v2;
	v1 =	vsel vm8, $0x308, v1;
	v0 =	vsel vm0, $0x48A, v0  }
0xf: {  	v2 =	vsel vm8, $0x309, v2;
	v1 =	vsel vm7, $0x389, v1;
	v0 =	vsel vm1, $0x50B, v0  }
0x10: {  	v2 =	vsel vm7, $0x38A, v2;
	v1 =	vsel vm6, $0x40A, v1;
	v0 =	vsel vm2, $0x58C, v0  }
0x11: {  	v2 =	vsel vm6, $0x40B, v2;
	v1 =	vsel vm0, $0x48B, v1;
	v0 =	vsel vm3, $0x60D, v0  }
0x12: {  	v2 =	vsel vm0, $0x48C, v2;
	v1 =	vsel vm1, $0x50C, v1;
	v0 =	vsel vm4, $0x68E, v0  }
0x13: {  	v2 =	vsel vm1, $0x50D, v2;
	v56 =	vsel vm5, $0x70F, v0;
	v0 =	vsel vm2, $0x58D, v1  }
0x14: {  	v1 =	vsel vm2, $0x58E, v2;
	v2 =	vimm.s32 $0x783;
	v0 =	vsel vm3, $0x60E, v0  }
0x15: {  	v1 =	vsel vm3, $0x60F, v1;
	v2 =	vsel vm13, $0x4, v2;
	v0 =	vsel vm4, $0x68F, v0  }
0x16: {  	v1 =	vsel vm4, $0x680, v1;
	v57 =	vsel vm5, $0x700, v0;
	v0 =	vsel vm14, $0x85, v2  }
0x17: {  	v55 =	vsel vm5, $0x701, v1;
	v1 =	vimm.s32 $0x784;
	v0 =	vsel vm12, $0x106, v0  }
0x18: {  	v2 =	vimm.s32 $0x785;
	v1 =	vsel vm13, $0x5, v1;
	v0 =	vsel vm11, $0x187, v0  }
0x19: {  	v2 =	vsel vm13, $0x6, v2;
	v1 =	vsel vm14, $0x86, v1;
	v0 =	vsel vm10, $0x208, v0  }
0x1a: {  	v2 =	vsel vm14, $0x87, v2;
	v1 =	vsel vm12, $0x107, v1;
	v0 =	vsel vm9, $0x289, v0  }
0x1b: {  	v2 =	vsel vm12, $0x108, v2;
	v1 =	vsel vm11, $0x188, v1;
	v0 =	vsel vm8, $0x30A, v0  }
0x1c: {  	v2 =	vsel vm11, $0x189, v2;
	v1 =	vsel vm10, $0x209, v1;
	v0 =	vsel vm7, $0x38B, v0  }
0x1d: {  	v2 =	vsel vm10, $0x20A, v2;
	v1 =	vsel vm9, $0x28A, v1;
	v0 =	vsel vm6, $0x40C, v0  }
0x1e: {  	v2 =	vsel vm9, $0x28B, v2;
	v1 =	vsel vm8, $0x30B, v1;
	v0 =	vsel vm0, $0x48D, v0  }
0x1f: {  	v2 =	vsel vm8, $0x30C, v2;
	v1 =	vsel vm7, $0x38C, v1;
	v0 =	vsel vm1, $0x50E, v0  }
0x20: {  	v2 =	vsel vm7, $0x38D, v2;
	v1 =	vsel vm6, $0x40D, v1;
	v0 =	vsel vm2, $0x58F, v0  }
0x21: {  	v2 =	vsel vm6, $0x40E, v2;
	v1 =	vsel vm0, $0x48E, v1;
	v0 =	vsel vm3, $0x600, v0  }
0x22: {  	v2 =	vsel vm0, $0x48F, v2;
	v1 =	vsel vm1, $0x50F, v1;
	v0 =	vsel vm4, $0x681, v0  }
0x23: {  	v2 =	vsel vm1, $0x500, v2;
	v21 =	vsel vm5, $0x702, v0;
	v0 =	vsel vm2, $0x580, v1  }
0x24: {  	v1 =	vsel vm2, $0x581, v2;
	v2 =	vimm.s32 $0x786;
	v0 =	vsel vm3, $0x601, v0  }
0x25: {  	v1 =	vsel vm3, $0x602, v1;
	v2 =	vsel vm13, $0x7, v2;
	v0 =	vsel vm4, $0x682, v0  }
0x26: {  	v1 =	vsel vm4, $0x683, v1;
	v23 =	vsel vm5, $0x703, v0;
	v0 =	vsel vm14, $0x88, v2  }
0x27: {  	v24 =	vsel vm5, $0x704, v1;
	v1 =	vimm.s32 $0x787;
	v0 =	vsel vm12, $0x109, v0  }
0x28: {  	v2 =	vimm.s32 $0x788;
	v1 =	vsel vm13, $0x8, v1;
	v0 =	vsel vm11, $0x18A, v0  }
0x29: {  	v2 =	vsel vm13, $0x9, v2;
	v1 =	vsel vm14, $0x89, v1;
	v0 =	vsel vm10, $0x20B, v0  }
0x2a: {  	v2 =	vsel vm14, $0x8A, v2;
	v1 =	vsel vm12, $0x10A, v1;
	v0 =	vsel vm9, $0x28C, v0  }
0x2b: {  	v2 =	vsel vm12, $0x10B, v2;
	v1 =	vsel vm11, $0x18B, v1;
	v0 =	vsel vm8, $0x30D, v0  }
0x2c: {  	v2 =	vsel vm11, $0x18C, v2;
	v1 =	vsel vm10, $0x20C, v1;
	v0 =	vsel vm7, $0x38E, v0  }
0x2d: {  	v2 =	vsel vm10, $0x20D, v2;
	v1 =	vsel vm9, $0x28D, v1;
	v0 =	vsel vm6, $0x40F, v0  }
0x2e: {  	v2 =	vsel vm9, $0x28E, v2;
	v1 =	vsel vm8, $0x30E, v1;
	v0 =	vsel vm0, $0x480, v0  }
0x2f: {  	v2 =	vsel vm8, $0x30F, v2;
	v1 =	vsel vm7, $0x38F, v1;
	v0 =	vsel vm1, $0x501, v0  }
0x30: {  	v2 =	vsel vm7, $0x380, v2;
	v1 =	vsel vm6, $0x400, v1;
	v0 =	vsel vm2, $0x582, v0  }
0x31: {  	v2 =	vsel vm6, $0x401, v2;
	v1 =	vsel vm0, $0x481, v1;
	v0 =	vsel vm3, $0x603, v0  }
0x32: {  	v2 =	vsel vm0, $0x482, v2;
	v1 =	vsel vm1, $0x502, v1;
	v0 =	vsel vm4, $0x684, v0  }
0x33: {  	v2 =	vsel vm1, $0x503, v2;
	v28 =	vsel vm5, $0x705, v0;
	v0 =	vsel vm2, $0x583, v1  }
0x34: {  	v1 =	vsel vm2, $0x584, v2;
	v2 =	vimm.s32 $0x789;
	v0 =	vsel vm3, $0x604, v0  }
0x35: {  	v1 =	vsel vm3, $0x605, v1;
	v2 =	vsel vm13, $0xA, v2;
	v0 =	vsel vm4, $0x685, v0  }
0x36: {  	v1 =	vsel vm4, $0x686, v1;
	v29 =	vsel vm5, $0x706, v0;
	v0 =	vsel vm14, $0x8B, v2  }
0x37: {  	v30 =	vsel vm5, $0x707, v1;
	v1 =	vimm.s32 $0x78A;
	v0 =	vsel vm12, $0x10C, v0  }
0x38: {  	v2 =	vimm.s32 $0x78B;
	v1 =	vsel vm13, $0xB, v1;
	v0 =	vsel vm11, $0x18D, v0  }
0x39: {  	v2 =	vsel vm13, $0xC, v2;
	v1 =	vsel vm14, $0x8C, v1;
	v0 =	vsel vm10, $0x20E, v0  }
0x3a: {  	v2 =	vsel vm14, $0x8D, v2;
	v1 =	vsel vm12, $0x10D, v1;
	v0 =	vsel vm9, $0x28F, v0  }
0x3b: {  	v2 =	vsel vm12, $0x10E, v2;
	v1 =	vsel vm11, $0x18E, v1;
	v0 =	vsel vm8, $0x300, v0  }
0x3c: {  	v2 =	vsel vm11, $0x18F, v2;
	v1 =	vsel vm10, $0x20F, v1;
	v0 =	vsel vm7, $0x381, v0  }
0x3d: {  	v2 =	vsel vm10, $0x200, v2;
	v1 =	vsel vm9, $0x280, v1;
	v0 =	vsel vm6, $0x402, v0  }
0x3e: {  	v2 =	vsel vm9, $0x281, v2;
	v1 =	vsel vm8, $0x301, v1;
	v0 =	vsel vm0, $0x483, v0  }
0x3f: {  	v2 =	vsel vm8, $0x302, v2;
	v1 =	vsel vm7, $0x382, v1;
	v0 =	vsel vm1, $0x504, v0  }
0x40: {  	v2 =	vsel vm7, $0x383, v2;
	v1 =	vsel vm6, $0x403, v1;
	v0 =	vsel vm2, $0x585, v0  }
0x41: {  	v2 =	vsel vm6, $0x404, v2;
	v1 =	vsel vm0, $0x484, v1;
	v0 =	vsel vm3, $0x606, v0  }
0x42: {  	v2 =	vsel vm0, $0x485, v2;
	v1 =	vsel vm1, $0x505, v1;
	v0 =	vsel vm4, $0x687, v0  }
0x43: {  	v2 =	vsel vm1, $0x506, v2;
	v31 =	vsel vm5, $0x708, v0;
	v0 =	vsel vm2, $0x586, v1  }
0x44: {  	v1 =	vsel vm2, $0x587, v2;
	v2 =	vimm.s32 $0x78C;
	v0 =	vsel vm3, $0x607, v0  }
0x45: {  	v1 =	vsel vm3, $0x608, v1;
	v2 =	vsel vm13, $0xD, v2;
	v0 =	vsel vm4, $0x688, v0  }
0x46: {  	v1 =	vsel vm4, $0x689, v1;
	v32 =	vsel vm5, $0x709, v0;
	v0 =	vsel vm14, $0x8E, v2  }
0x47: {  	v36 =	vsel vm5, $0x70A, v1;
	v1 =	vimm.s32 $0x78D;
	v0 =	vsel vm12, $0x10F, v0  }
0x48: {  	v2 =	vimm.s32 $0x78E;
	v1 =	vsel vm13, $0xE, v1;
	v0 =	vsel vm11, $0x180, v0  }
0x49: {  	v2 =	vsel vm13, $0xF, v2;
	v1 =	vsel vm14, $0x8F, v1;
	v0 =	vsel vm10, $0x201, v0  }
0x4a: {  	v2 =	vsel vm14, $0x80, v2;
	v1 =	vsel vm12, $0x100, v1;
	v0 =	vsel vm9, $0x282, v0  }
0x4b: {  	v2 =	vsel vm12, $0x101, v2;
	v1 =	vsel vm11, $0x181, v1;
	v0 =	vsel vm8, $0x303, v0  }
0x4c: {  	v2 =	vsel vm11, $0x182, v2;
	v1 =	vsel vm10, $0x202, v1;
	v0 =	vsel vm7, $0x384, v0  }
0x4d: {  	v2 =	vsel vm10, $0x203, v2;
	v1 =	vsel vm9, $0x283, v1;
	v0 =	vsel vm6, $0x405, v0  }
0x4e: {  	v2 =	vsel vm9, $0x284, v2;
	v1 =	vsel vm8, $0x304, v1;
	v0 =	vsel vm0, $0x486, v0  }
0x4f: {  	v2 =	vsel vm8, $0x305, v2;
	v1 =	vsel vm7, $0x385, v1;
	v0 =	vsel vm1, $0x507, v0  }
0x50: {  	v2 =	vsel vm7, $0x386, v2;
	v1 =	vsel vm6, $0x406, v1;
	v0 =	vsel vm2, $0x588, v0  }
0x51: {  	v2 =	vsel vm6, $0x407, v2;
	v1 =	vsel vm0, $0x487, v1;
	v0 =	vsel vm3, $0x609, v0  }
0x52: {  	v2 =	vsel vm0, $0x488, v2;
	v1 =	vsel vm1, $0x508, v1;
	v0 =	vsel vm4, $0x68A, v0  }
0x53: {  	v2 =	vsel vm1, $0x509, v2;
	v37 =	vsel vm5, $0x70B, v0;
	v0 =	vsel vm2, $0x589, v1  }
0x54: {  	v1 =	vsel vm2, $0x58A, v2;
	v2 =	vimm.s32 $0x700;
	v0 =	vsel vm3, $0x60A, v0  }
0x55: {  	v2 =	vsel vm13, $0x780, v2;
	v0 =	vsel vm4, $0x68B, v0  }
0x56: {  	v1 =	vsel vm3, $0x60B, v1;
	v39 =	vsel vm5, $0x70C, v0;
	v0 =	vsel vm14, $0x0, v2  }
0x57: {  	v1 =	vsel vm4, $0x68C, v1;
	v0 =	vsel vm12, $0x80, v0  }
0x58: {  	v40 =	vsel vm5, $0x70D, v1;
	v1 =	vimm.s32 $0x680;
	v0 =	vsel vm11, $0x100, v0  }
0x59: {  	v2 =	vimm.s32 $0x600;
	v1 =	vsel vm13, $0x700, v1;
	v0 =	vsel vm10, $0x180, v0  }
0x5a: {  	v2 =	vsel vm13, $0x680, v2;
	v1 =	vsel vm14, $0x780, v1;
	v0 =	vsel vm9, $0x200, v0  }
0x5b: {  	v2 =	vsel vm14, $0x700, v2;
	v1 =	vsel vm12, $0x0, v1;
	v0 =	vsel vm8, $0x280, v0  }
0x5c: {  	v2 =	vsel vm12, $0x780, v2;
	v1 =	vsel vm11, $0x80, v1;
	v0 =	vsel vm7, $0x300, v0  }
0x5d: {  	v2 =	vsel vm11, $0x0, v2;
	v1 =	vsel vm10, $0x100, v1;
	v0 =	vsel vm6, $0x380, v0  }
0x5e: {  	v2 =	vsel vm10, $0x80, v2;
	v1 =	vsel vm9, $0x180, v1;
	v0 =	vsel vm0, $0x400, v0  }
0x5f: {  	v2 =	vsel vm9, $0x100, v2;
	v1 =	vsel vm8, $0x200, v1;
	v0 =	vsel vm1, $0x480, v0  }
0x60: {  	v2 =	vsel vm8, $0x180, v2;
	v1 =	vsel vm7, $0x280, v1;
	v0 =	vsel vm2, $0x500, v0  }
0x61: {  	v2 =	vsel vm7, $0x200, v2;
	v1 =	vsel vm6, $0x300, v1;
	v0 =	vsel vm3, $0x580, v0  }
0x62: {  	v2 =	vsel vm6, $0x280, v2;
	v1 =	vsel vm0, $0x380, v1;
	v0 =	vsel vm4, $0x600, v0  }
0x63: {  	v2 =	vsel vm0, $0x300, v2;
	v1 =	vsel vm1, $0x400, v1;
	v0 =	vsel vm5, $0x680, v0  }
0x64: {  	v2 =	vsel vm1, $0x380, v2;
	[tilespmem:$0x1FB20] =	vst v0;
	v0 =	vsel vm2, $0x480, v1  }
0x65: {  	v1 =	vsel vm2, $0x400, v2;
	v0 =	vsel vm3, $0x500, v0  }
0x66: {  	v1 =	vsel vm3, $0x480, v1;
	v0 =	vsel vm4, $0x580, v0  }
0x67: {  	v2 =	vimm.s32 $0x580;
	v1 =	vsel vm4, $0x500, v1;
	v0 =	vsel vm5, $0x600, v0  }
0x68: {  	v3 =	vimm.s32 $0x1F87;
	v2 =	vsel vm13, $0x600, v2;
	[tilespmem:$0x1FB30] =	vst v0;
	v0 =	vsel vm5, $0x580, v1  }
0x69: {  	v4 =	vimm.s32 $0x1F88;
	v5 =	vimm.s32 $0x1F89;
	[tilespmem:$0x1FB40] =	vst v0;
	v0 =	vsel vm14, $0x680, v2  }
0x6a: {  	v6 =	vimm.s32 $0x1F8A;
	v7 =	vimm.s32 $0x1F8B;
	v0 =	vsel vm12, $0x700, v0  }
0x6b: {  	v10 =	vimm.s32 $0x1F8E;
	v1 =	vimm.s32 $0x500;
	v0 =	vsel vm11, $0x780, v0  }
0x6c: {  	v2 =	vimm.s32 $0x480;
	v1 =	vsel vm13, $0x580, v1;
	v0 =	vsel vm10, $0x0, v0  }
0x6d: {  	v2 =	vsel vm13, $0x500, v2;
	v1 =	vsel vm14, $0x600, v1;
	v0 =	vsel vm9, $0x80, v0  }
0x6e: {  	v2 =	vsel vm14, $0x580, v2;
	v1 =	vsel vm12, $0x680, v1;
	v0 =	vsel vm8, $0x100, v0  }
0x6f: {  	v2 =	vsel vm12, $0x600, v2;
	v1 =	vsel vm11, $0x700, v1;
	v0 =	vsel vm7, $0x180, v0  }
0x70: {  	v2 =	vsel vm11, $0x680, v2;
	v1 =	vsel vm10, $0x780, v1;
	v0 =	vsel vm6, $0x200, v0  }
0x71: {  	v2 =	vsel vm10, $0x700, v2;
	v1 =	vsel vm9, $0x0, v1;
	v0 =	vsel vm0, $0x280, v0  }
0x72: {  	v2 =	vsel vm9, $0x780, v2;
	v1 =	vsel vm8, $0x80, v1;
	v0 =	vsel vm1, $0x300, v0  }
0x73: {  	v2 =	vsel vm8, $0x0, v2;
	v1 =	vsel vm7, $0x100, v1;
	v0 =	vsel vm2, $0x380, v0  }
0x74: {  	v2 =	vsel vm7, $0x80, v2;
	v1 =	vsel vm6, $0x180, v1;
	v0 =	vsel vm3, $0x400, v0  }
0x75: {  	v2 =	vsel vm6, $0x100, v2;
	v1 =	vsel vm0, $0x200, v1;
	v0 =	vsel vm4, $0x480, v0  }
0x76: {  	v2 =	vsel vm0, $0x180, v2;
	v1 =	vsel vm1, $0x280, v1;
	v0 =	vsel vm5, $0x500, v0  }
0x77: {  	v3 =	vsel vm13, $0x1808, v3;
	v2 =	vsel vm1, $0x200, v2;
	[tilespmem:$0x1FB50] =	vst v0;
	v0 =	vsel vm2, $0x300, v1  }
0x78: {  	v4 =	vsel vm13, $0x1809, v4;
	v1 =	vsel vm2, $0x280, v2;
	v0 =	vsel vm3, $0x380, v0  }
0x79: {  	v5 =	vsel vm13, $0x180A, v5;
	v1 =	vsel vm3, $0x300, v1;
	v0 =	vsel vm4, $0x400, v0  }
0x7a: {  	v2 =	vimm.s32 $0x400;
	v1 =	vsel vm4, $0x380, v1;
	v0 =	vsel vm5, $0x480, v0  }
0x7b: {  	v6 =	vsel vm13, $0x180B, v6;
	v2 =	vsel vm13, $0x480, v2;
	[tilespmem:$0x1FB60] =	vst v0;
	v0 =	vsel vm5, $0x400, v1  }
0x7c: {  	v7 =	vsel vm13, $0x180C, v7;
	v10 =	vsel vm13, $0x180F, v10;
	[tilespmem:$0x1FB70] =	vst v0;
	v0 =	vsel vm14, $0x500, v2  }
0x7d: {  	v3 =	vsel vm14, $0x1889, v3;
	v4 =	vsel vm14, $0x188A, v4;
	v0 =	vsel vm12, $0x580, v0  }
0x7e: {  	v5 =	vsel vm14, $0x188B, v5;
	v1 =	vimm.s32 $0x380;
	v0 =	vsel vm11, $0x600, v0  }
0x7f: {  	v2 =	vimm.s32 $0x300;
	v1 =	vsel vm13, $0x400, v1;
	v0 =	vsel vm10, $0x680, v0  }
0x80: {  	v2 =	vsel vm13, $0x380, v2;
	v1 =	vsel vm14, $0x480, v1;
	v0 =	vsel vm9, $0x700, v0  }
0x81: {  	v2 =	vsel vm14, $0x400, v2;
	v1 =	vsel vm12, $0x500, v1;
	v0 =	vsel vm8, $0x780, v0  }
0x82: {  	v2 =	vsel vm12, $0x480, v2;
	v1 =	vsel vm11, $0x580, v1;
	v0 =	vsel vm7, $0x0, v0  }
0x83: {  	v2 =	vsel vm11, $0x500, v2;
	v1 =	vsel vm10, $0x600, v1;
	v0 =	vsel vm6, $0x80, v0  }
0x84: {  	v2 =	vsel vm10, $0x580, v2;
	v1 =	vsel vm9, $0x680, v1;
	v0 =	vsel vm0, $0x100, v0  }
0x85: {  	v2 =	vsel vm9, $0x600, v2;
	v1 =	vsel vm8, $0x700, v1;
	v0 =	vsel vm1, $0x180, v0  }
0x86: {  	v2 =	vsel vm8, $0x680, v2;
	v1 =	vsel vm7, $0x780, v1;
	v0 =	vsel vm2, $0x200, v0  }
0x87: {  	v2 =	vsel vm7, $0x700, v2;
	v1 =	vsel vm6, $0x0, v1;
	v0 =	vsel vm3, $0x280, v0  }
0x88: {  	v2 =	vsel vm6, $0x780, v2;
	v1 =	vsel vm0, $0x80, v1;
	v0 =	vsel vm4, $0x300, v0  }
0x89: {  	v2 =	vsel vm0, $0x0, v2;
	v1 =	vsel vm1, $0x100, v1;
	v0 =	vsel vm5, $0x380, v0  }
0x8a: {  	v6 =	vsel vm14, $0x188C, v6;
	v2 =	vsel vm1, $0x80, v2;
	[tilespmem:$0x1FB80] =	vst v0;
	v0 =	vsel vm2, $0x180, v1  }
0x8b: {  	v7 =	vsel vm14, $0x188D, v7;
	v1 =	vsel vm2, $0x100, v2;
	v0 =	vsel vm3, $0x200, v0  }
0x8c: {  	v10 =	vsel vm14, $0x1880, v10;
	v1 =	vsel vm3, $0x180, v1;
	v0 =	vsel vm4, $0x280, v0  }
0x8d: {  	v2 =	vimm.s32 $0x280;
	v1 =	vsel vm4, $0x200, v1;
	v0 =	vsel vm5, $0x300, v0  }
0x8e: {  	v3 =	vsel vm12, $0x190A, v3;
	v2 =	vsel vm13, $0x300, v2;
	[tilespmem:$0x1FB90] =	vst v0;
	v0 =	vsel vm5, $0x280, v1  }
0x8f: {  	v4 =	vsel vm12, $0x190B, v4;
	v5 =	vsel vm12, $0x190C, v5;
	[tilespmem:$0x1FBA0] =	vst v0;
	v0 =	vsel vm14, $0x380, v2  }
0x90: {  	v6 =	vsel vm12, $0x190D, v6;
	v1 =	vimm.s32 $0x200;
	v0 =	vsel vm12, $0x400, v0  }
0x91: {  	v2 =	vimm.s32 $0x180;
	v1 =	vsel vm13, $0x280, v1;
	v0 =	vsel vm11, $0x480, v0  }
0x92: {  	v2 =	vsel vm13, $0x200, v2;
	v1 =	vsel vm14, $0x300, v1;
	v0 =	vsel vm10, $0x500, v0  }
0x93: {  	v2 =	vsel vm14, $0x280, v2;
	v1 =	vsel vm12, $0x380, v1;
	v0 =	vsel vm9, $0x580, v0  }
0x94: {  	v2 =	vsel vm12, $0x300, v2;
	v1 =	vsel vm11, $0x400, v1;
	v0 =	vsel vm8, $0x600, v0  }
0x95: {  	v2 =	vsel vm11, $0x380, v2;
	v1 =	vsel vm10, $0x480, v1;
	v0 =	vsel vm7, $0x680, v0  }
0x96: {  	v2 =	vsel vm10, $0x400, v2;
	v1 =	vsel vm9, $0x500, v1;
	v0 =	vsel vm6, $0x700, v0  }
0x97: {  	v2 =	vsel vm9, $0x480, v2;
	v1 =	vsel vm8, $0x580, v1;
	v0 =	vsel vm0, $0x780, v0  }
0x98: {  	v2 =	vsel vm8, $0x500, v2;
	v1 =	vsel vm7, $0x600, v1;
	v0 =	vsel vm1, $0x0, v0  }
0x99: {  	v2 =	vsel vm7, $0x580, v2;
	v1 =	vsel vm6, $0x680, v1;
	v0 =	vsel vm2, $0x80, v0  }
0x9a: {  	v2 =	vsel vm6, $0x600, v2;
	v1 =	vsel vm0, $0x700, v1;
	v0 =	vsel vm3, $0x100, v0  }
0x9b: {  	v2 =	vsel vm0, $0x680, v2;
	v1 =	vsel vm1, $0x780, v1;
	v0 =	vsel vm4, $0x180, v0  }
0x9c: {  	v2 =	vsel vm1, $0x700, v2;
	v59 =	vsel vm5, $0x200, v0;
	v0 =	vsel vm2, $0x0, v1  }
0x9d: {  	v1 =	vsel vm2, $0x780, v2;
	v2 =	vimm.s32 $0x100;
	v0 =	vsel vm3, $0x80, v0  }
0x9e: {  	v7 =	vsel vm12, $0x190E, v7;
	v2 =	vsel vm13, $0x180, v2;
	v0 =	vsel vm4, $0x100, v0  }
0x9f: {  	v1 =	vsel vm3, $0x0, v1;
	v13 =	vsel vm5, $0x180, v0;
	v0 =	vsel vm14, $0x200, v2  }
0xa0: {  	v10 =	vsel vm12, $0x1901, v10;
	v1 =	vsel vm4, $0x80, v1;
	v0 =	vsel vm12, $0x280, v0  }
0xa1: {  	v47 =	vsel vm5, $0x100, v1;
	v1 =	vimm.s32 $0x80;
	v0 =	vsel vm11, $0x300, v0  }
0xa2: {  	v2 =	vimm.s32 $0x0;
	v1 =	vsel vm13, $0x100, v1;
	v0 =	vsel vm10, $0x380, v0  }
0xa3: {  	v2 =	vsel vm13, $0x80, v2;
	v1 =	vsel vm14, $0x180, v1;
	v0 =	vsel vm9, $0x400, v0  }
0xa4: {  	v2 =	vsel vm14, $0x100, v2;
	v1 =	vsel vm12, $0x200, v1;
	v0 =	vsel vm8, $0x480, v0  }
0xa5: {  	v2 =	vsel vm12, $0x180, v2;
	v1 =	vsel vm11, $0x280, v1;
	v0 =	vsel vm7, $0x500, v0  }
0xa6: {  	v2 =	vsel vm11, $0x200, v2;
	v1 =	vsel vm10, $0x300, v1;
	v0 =	vsel vm6, $0x580, v0  }
0xa7: {  	v2 =	vsel vm10, $0x280, v2;
	v1 =	vsel vm9, $0x380, v1;
	v0 =	vsel vm0, $0x600, v0  }
0xa8: {  	v2 =	vsel vm9, $0x300, v2;
	v1 =	vsel vm8, $0x400, v1;
	v0 =	vsel vm1, $0x680, v0  }
0xa9: {  	v2 =	vsel vm8, $0x380, v2;
	v1 =	vsel vm7, $0x480, v1;
	v0 =	vsel vm2, $0x700, v0  }
0xaa: {  	v2 =	vsel vm7, $0x400, v2;
	v1 =	vsel vm6, $0x500, v1;
	v0 =	vsel vm3, $0x780, v0  }
0xab: {  	v2 =	vsel vm6, $0x480, v2;
	v1 =	vsel vm0, $0x580, v1;
	v0 =	vsel vm4, $0x0, v0  }
0xac: {  	v2 =	vsel vm0, $0x500, v2;
	v1 =	vsel vm1, $0x600, v1;
	v0 =	vsel vm5, $0x80, v0  }
0xad: {  	v3 =	vsel vm11, $0x198B, v3;
	v2 =	vsel vm1, $0x580, v2;
	[tilespmem:$0x1FBB0] =	vst v0;
	v0 =	vsel vm2, $0x680, v1  }
0xae: {  	v1 =	vsel vm2, $0x600, v2;
	v2 =	vimm.s32 $0xF80;
	v0 =	vsel vm3, $0x700, v0  }
0xaf: {  	v4 =	vsel vm11, $0x198C, v4;
	v2 =	vsel vm13, $0x801, v2;
	v0 =	vsel vm4, $0x780, v0  }
0xb0: {  	v1 =	vsel vm3, $0x680, v1;
	v62 =	vsel vm5, $0x0, v0;
	v0 =	vsel vm14, $0x882, v2  }
0xb1: {  	v5 =	vsel vm11, $0x198D, v5;
	v1 =	vsel vm4, $0x700, v1;
	v0 =	vsel vm12, $0x903, v0  }
0xb2: {  	v49 =	vsel vm5, $0x780, v1;
	v1 =	vimm.s32 $0xF81;
	v0 =	vsel vm11, $0x984, v0  }
0xb3: {  	v2 =	vimm.s32 $0xF82;
	v1 =	vsel vm13, $0x802, v1;
	v0 =	vsel vm10, $0xA05, v0  }
0xb4: {  	v2 =	vsel vm13, $0x803, v2;
	v1 =	vsel vm14, $0x883, v1;
	v0 =	vsel vm9, $0xA86, v0  }
0xb5: {  	v2 =	vsel vm14, $0x884, v2;
	v1 =	vsel vm12, $0x904, v1;
	v0 =	vsel vm8, $0xB07, v0  }
0xb6: {  	v2 =	vsel vm12, $0x905, v2;
	v1 =	vsel vm11, $0x985, v1;
	v0 =	vsel vm7, $0xB88, v0  }
0xb7: {  	v2 =	vsel vm11, $0x986, v2;
	v1 =	vsel vm10, $0xA06, v1;
	v0 =	vsel vm6, $0xC09, v0  }
0xb8: {  	v2 =	vsel vm10, $0xA07, v2;
	v1 =	vsel vm9, $0xA87, v1;
	v0 =	vsel vm0, $0xC8A, v0  }
0xb9: {  	v2 =	vsel vm9, $0xA88, v2;
	v1 =	vsel vm8, $0xB08, v1;
	v0 =	vsel vm1, $0xD0B, v0  }
0xba: {  	v2 =	vsel vm8, $0xB09, v2;
	v1 =	vsel vm7, $0xB89, v1;
	v0 =	vsel vm2, $0xD8C, v0  }
0xbb: {  	v2 =	vsel vm7, $0xB8A, v2;
	v1 =	vsel vm6, $0xC0A, v1;
	v0 =	vsel vm3, $0xE0D, v0  }
0xbc: {  	v2 =	vsel vm6, $0xC0B, v2;
	v1 =	vsel vm0, $0xC8B, v1;
	v0 =	vsel vm4, $0xE8E, v0  }
0xbd: {  	v2 =	vsel vm0, $0xC8C, v2;
	v1 =	vsel vm1, $0xD0C, v1;
	v0 =	vsel vm5, $0xF0F, v0  }
0xbe: {  	v6 =	vsel vm11, $0x198E, v6;
	v2 =	vsel vm1, $0xD0D, v2;
	[tilespmem:$0x1FBC0] =	vst v0;
	v0 =	vsel vm2, $0xD8D, v1  }
0xbf: {  	v7 =	vsel vm11, $0x198F, v7;
	v1 =	vsel vm2, $0xD8E, v2;
	v0 =	vsel vm3, $0xE0E, v0  }
0xc0: {  	v10 =	vsel vm11, $0x1982, v10;
	v1 =	vsel vm3, $0xE0F, v1;
	v0 =	vsel vm4, $0xE8F, v0  }
0xc1: {  	v2 =	vimm.s32 $0xF83;
	v1 =	vsel vm4, $0xE80, v1;
	v0 =	vsel vm5, $0xF00, v0  }
0xc2: {  	v3 =	vsel vm10, $0x1A0C, v3;
	v2 =	vsel vm13, $0x804, v2;
	[tilespmem:$0x1FBD0] =	vst v0;
	v0 =	vsel vm5, $0xF01, v1  }
0xc3: {  	v4 =	vsel vm10, $0x1A0D, v4;
	v5 =	vsel vm10, $0x1A0E, v5;
	[tilespmem:$0x1FBE0] =	vst v0;
	v0 =	vsel vm14, $0x885, v2  }
0xc4: {  	v6 =	vsel vm10, $0x1A0F, v6;
	v7 =	vsel vm10, $0x1A00, v7;
	v0 =	vsel vm12, $0x906, v0  }
0xc5: {  	v10 =	vsel vm10, $0x1A03, v10;
	v1 =	vimm.s32 $0xF84;
	v0 =	vsel vm11, $0x987, v0  }
0xc6: {  	v2 =	vimm.s32 $0xF85;
	v1 =	vsel vm13, $0x805, v1;
	v0 =	vsel vm10, $0xA08, v0  }
0xc7: {  	v2 =	vsel vm13, $0x806, v2;
	v1 =	vsel vm14, $0x886, v1;
	v0 =	vsel vm9, $0xA89, v0  }
0xc8: {  	v2 =	vsel vm14, $0x887, v2;
	v1 =	vsel vm12, $0x907, v1;
	v0 =	vsel vm8, $0xB0A, v0  }
0xc9: {  	v2 =	vsel vm12, $0x908, v2;
	v1 =	vsel vm11, $0x988, v1;
	v0 =	vsel vm7, $0xB8B, v0  }
0xca: {  	v2 =	vsel vm11, $0x989, v2;
	v1 =	vsel vm10, $0xA09, v1;
	v0 =	vsel vm6, $0xC0C, v0  }
0xcb: {  	v2 =	vsel vm10, $0xA0A, v2;
	v1 =	vsel vm9, $0xA8A, v1;
	v0 =	vsel vm0, $0xC8D, v0  }
0xcc: {  	v2 =	vsel vm9, $0xA8B, v2;
	v1 =	vsel vm8, $0xB0B, v1;
	v0 =	vsel vm1, $0xD0E, v0  }
0xcd: {  	v2 =	vsel vm8, $0xB0C, v2;
	v1 =	vsel vm7, $0xB8C, v1;
	v0 =	vsel vm2, $0xD8F, v0  }
0xce: {  	v2 =	vsel vm7, $0xB8D, v2;
	v1 =	vsel vm6, $0xC0D, v1;
	v0 =	vsel vm3, $0xE00, v0  }
0xcf: {  	v2 =	vsel vm6, $0xC0E, v2;
	v1 =	vsel vm0, $0xC8E, v1;
	v0 =	vsel vm4, $0xE81, v0  }
0xd0: {  	v2 =	vsel vm0, $0xC8F, v2;
	v1 =	vsel vm1, $0xD0F, v1;
	v0 =	vsel vm5, $0xF02, v0  }
0xd1: {  	v3 =	vsel vm9, $0x1A8D, v3;
	v2 =	vsel vm1, $0xD00, v2;
	[tilespmem:$0x1FBF0] =	vst v0;
	v0 =	vsel vm2, $0xD80, v1  }
0xd2: {  	v4 =	vsel vm9, $0x1A8E, v4;
	v1 =	vsel vm2, $0xD81, v2;
	v0 =	vsel vm3, $0xE01, v0  }
0xd3: {  	v5 =	vsel vm9, $0x1A8F, v5;
	v1 =	vsel vm3, $0xE02, v1;
	v0 =	vsel vm4, $0xE82, v0  }
0xd4: {  	v2 =	vimm.s32 $0xF86;
	v1 =	vsel vm4, $0xE83, v1;
	v0 =	vsel vm5, $0xF03, v0  }
0xd5: {  	v6 =	vsel vm9, $0x1A80, v6;
	v2 =	vsel vm13, $0x807, v2;
	[tilespmem:$0x1FC00] =	vst v0;
	v0 =	vsel vm5, $0xF04, v1  }
0xd6: {  	v7 =	vsel vm9, $0x1A81, v7;
	v10 =	vsel vm9, $0x1A84, v10;
	[tilespmem:$0x1FC10] =	vst v0;
	v0 =	vsel vm14, $0x888, v2  }
0xd7: {  	v3 =	vsel vm8, $0x1B0E, v3;
	v4 =	vsel vm8, $0x1B0F, v4;
	v0 =	vsel vm12, $0x909, v0  }
0xd8: {  	v5 =	vsel vm8, $0x1B00, v5;
	v1 =	vimm.s32 $0xF87;
	v0 =	vsel vm11, $0x98A, v0  }
0xd9: {  	v2 =	vimm.s32 $0xF88;
	v1 =	vsel vm13, $0x808, v1;
	v0 =	vsel vm10, $0xA0B, v0  }
0xda: {  	v2 =	vsel vm13, $0x809, v2;
	v1 =	vsel vm14, $0x889, v1;
	v0 =	vsel vm9, $0xA8C, v0  }
0xdb: {  	v2 =	vsel vm14, $0x88A, v2;
	v1 =	vsel vm12, $0x90A, v1;
	v0 =	vsel vm8, $0xB0D, v0  }
0xdc: {  	v2 =	vsel vm12, $0x90B, v2;
	v1 =	vsel vm11, $0x98B, v1;
	v0 =	vsel vm7, $0xB8E, v0  }
0xdd: {  	v2 =	vsel vm11, $0x98C, v2;
	v1 =	vsel vm10, $0xA0C, v1;
	v0 =	vsel vm6, $0xC0F, v0  }
0xde: {  	v2 =	vsel vm10, $0xA0D, v2;
	v1 =	vsel vm9, $0xA8D, v1;
	v0 =	vsel vm0, $0xC80, v0  }
0xdf: {  	v2 =	vsel vm9, $0xA8E, v2;
	v1 =	vsel vm8, $0xB0E, v1;
	v0 =	vsel vm1, $0xD01, v0  }
0xe0: {  	v2 =	vsel vm8, $0xB0F, v2;
	v1 =	vsel vm7, $0xB8F, v1;
	v0 =	vsel vm2, $0xD82, v0  }
0xe1: {  	v2 =	vsel vm7, $0xB80, v2;
	v1 =	vsel vm6, $0xC00, v1;
	v0 =	vsel vm3, $0xE03, v0  }
0xe2: {  	v2 =	vsel vm6, $0xC01, v2;
	v1 =	vsel vm0, $0xC81, v1;
	v0 =	vsel vm4, $0xE84, v0  }
0xe3: {  	v2 =	vsel vm0, $0xC82, v2;
	v1 =	vsel vm1, $0xD02, v1;
	v0 =	vsel vm5, $0xF05, v0  }
0xe4: {  	v6 =	vsel vm8, $0x1B01, v6;
	v2 =	vsel vm1, $0xD03, v2;
	[tilespmem:$0x1FC20] =	vst v0;
	v0 =	vsel vm2, $0xD83, v1  }
0xe5: {  	v1 =	vsel vm2, $0xD84, v2;
	v2 =	vimm.s32 $0xF89;
	v0 =	vsel vm3, $0xE04, v0  }
0xe6: {  	v1 =	vsel vm3, $0xE05, v1;
	v2 =	vsel vm13, $0x80A, v2;
	v0 =	vsel vm4, $0xE85, v0  }
0xe7: {  	v1 =	vsel vm4, $0xE86, v1;
	v9 =	vsel vm5, $0xF06, v0;
	v0 =	vsel vm14, $0x88B, v2  }
0xe8: {  	v45 =	vsel vm5, $0xF07, v1;
	v1 =	vimm.s32 $0xF8A;
	v0 =	vsel vm12, $0x90C, v0  }
0xe9: {  	v2 =	vimm.s32 $0xF8B;
	v1 =	vsel vm13, $0x80B, v1;
	v0 =	vsel vm11, $0x98D, v0  }
0xea: {  	v2 =	vsel vm13, $0x80C, v2;
	v1 =	vsel vm14, $0x88C, v1;
	v0 =	vsel vm10, $0xA0E, v0  }
0xeb: {  	v2 =	vsel vm14, $0x88D, v2;
	v1 =	vsel vm12, $0x90D, v1;
	v0 =	vsel vm9, $0xA8F, v0  }
0xec: {  	v2 =	vsel vm12, $0x90E, v2;
	v1 =	vsel vm11, $0x98E, v1;
	v0 =	vsel vm8, $0xB00, v0  }
0xed: {  	v2 =	vsel vm11, $0x98F, v2;
	v1 =	vsel vm10, $0xA0F, v1;
	v0 =	vsel vm7, $0xB81, v0  }
0xee: {  	v2 =	vsel vm10, $0xA00, v2;
	v1 =	vsel vm9, $0xA80, v1;
	v0 =	vsel vm6, $0xC02, v0  }
0xef: {  	v2 =	vsel vm9, $0xA81, v2;
	v1 =	vsel vm8, $0xB01, v1;
	v0 =	vsel vm0, $0xC83, v0  }
0xf0: {  	v2 =	vsel vm8, $0xB02, v2;
	v1 =	vsel vm7, $0xB82, v1;
	v0 =	vsel vm1, $0xD04, v0  }
0xf1: {  	v2 =	vsel vm7, $0xB83, v2;
	v1 =	vsel vm6, $0xC03, v1;
	v0 =	vsel vm2, $0xD85, v0  }
0xf2: {  	v2 =	vsel vm6, $0xC04, v2;
	v1 =	vsel vm0, $0xC84, v1;
	v0 =	vsel vm3, $0xE06, v0  }
0xf3: {  	v2 =	vsel vm0, $0xC85, v2;
	v1 =	vsel vm1, $0xD05, v1;
	v0 =	vsel vm4, $0xE87, v0  }
0xf4: {  	v2 =	vsel vm1, $0xD06, v2;
	v42 =	vsel vm5, $0xF08, v0;
	v0 =	vsel vm2, $0xD86, v1  }
0xf5: {  	v7 =	vsel vm8, $0x1B02, v7;
	v1 =	vsel vm2, $0xD87, v2;
	v0 =	vsel vm3, $0xE07, v0  }
0xf6: {  	v10 =	vsel vm8, $0x1B05, v10;
	v1 =	vsel vm3, $0xE08, v1;
	v0 =	vsel vm4, $0xE88, v0  }
0xf7: {  	v2 =	vimm.s32 $0xF8C;
	v1 =	vsel vm4, $0xE89, v1;
	v0 =	vsel vm5, $0xF09, v0  }
0xf8: {  	v3 =	vsel vm7, $0x1B8F, v3;
	v2 =	vsel vm13, $0x80D, v2;
	[tilespmem:$0x1FC30] =	vst v0;
	v0 =	vsel vm5, $0xF0A, v1  }
0xf9: {  	v4 =	vsel vm7, $0x1B80, v4;
	v5 =	vsel vm7, $0x1B81, v5;
	[tilespmem:$0x1FC40] =	vst v0;
	v0 =	vsel vm14, $0x88E, v2  }
0xfa: {  	v6 =	vsel vm7, $0x1B82, v6;
	v7 =	vsel vm7, $0x1B83, v7;
	v0 =	vsel vm12, $0x90F, v0  }
0xfb: {  	v10 =	vsel vm7, $0x1B86, v10;
	v1 =	vimm.s32 $0xF8D;
	v0 =	vsel vm11, $0x980, v0  }
0xfc: {  	v2 =	vimm.s32 $0xF8E;
	v1 =	vsel vm13, $0x80E, v1;
	v0 =	vsel vm10, $0xA01, v0  }
0xfd: {  	v2 =	vsel vm13, $0x80F, v2;
	v1 =	vsel vm14, $0x88F, v1;
	v0 =	vsel vm9, $0xA82, v0  }
0xfe: {  	v2 =	vsel vm14, $0x880, v2;
	v1 =	vsel vm12, $0x900, v1;
	v0 =	vsel vm8, $0xB03, v0  }
0xff: {  	v2 =	vsel vm12, $0x901, v2;
	v1 =	vsel vm11, $0x981, v1;
	v0 =	vsel vm7, $0xB84, v0  }
0x100: {  	v2 =	vsel vm11, $0x982, v2;
	v1 =	vsel vm10, $0xA02, v1;
	v0 =	vsel vm6, $0xC05, v0  }
0x101: {  	v2 =	vsel vm10, $0xA03, v2;
	v1 =	vsel vm9, $0xA83, v1;
	v0 =	vsel vm0, $0xC86, v0  }
0x102: {  	v2 =	vsel vm9, $0xA84, v2;
	v1 =	vsel vm8, $0xB04, v1;
	v0 =	vsel vm1, $0xD07, v0  }
0x103: {  	v2 =	vsel vm8, $0xB05, v2;
	v1 =	vsel vm7, $0xB85, v1;
	v0 =	vsel vm2, $0xD88, v0  }
0x104: {  	v2 =	vsel vm7, $0xB86, v2;
	v1 =	vsel vm6, $0xC06, v1;
	v0 =	vsel vm3, $0xE09, v0  }
0x105: {  	v2 =	vsel vm6, $0xC07, v2;
	v1 =	vsel vm0, $0xC87, v1;
	v0 =	vsel vm4, $0xE8A, v0  }
0x106: {  	v2 =	vsel vm0, $0xC88, v2;
	v1 =	vsel vm1, $0xD08, v1;
	v0 =	vsel vm5, $0xF0B, v0  }
0x107: {  	v3 =	vsel vm6, $0x1C00, v3;
	v2 =	vsel vm1, $0xD09, v2;
	[tilespmem:$0x1FC50] =	vst v0;
	v0 =	vsel vm2, $0xD89, v1  }
0x108: {  	v4 =	vsel vm6, $0x1C01, v4;
	v1 =	vsel vm2, $0xD8A, v2;
	v0 =	vsel vm3, $0xE0A, v0  }
0x109: {  	v5 =	vsel vm6, $0x1C02, v5;
	v1 =	vsel vm3, $0xE0B, v1;
	v0 =	vsel vm4, $0xE8B, v0  }
0x10a: {  	v2 =	vimm.s32 $0x1780;
	v1 =	vsel vm4, $0xE8C, v1;
	v0 =	vsel vm5, $0xF0C, v0  }
0x10b: {  	v6 =	vsel vm6, $0x1C03, v6;
	v2 =	vsel vm13, $0x1001, v2;
	[tilespmem:$0x1FC60] =	vst v0;
	v0 =	vsel vm5, $0xF0D, v1  }
0x10c: {  	v7 =	vsel vm6, $0x1C04, v7;
	v10 =	vsel vm6, $0x1C07, v10;
	[tilespmem:$0x1FC70] =	vst v0;
	v0 =	vsel vm14, $0x1082, v2  }
0x10d: {  	v3 =	vsel vm0, $0x1C81, v3;
	v4 =	vsel vm0, $0x1C82, v4;
	v0 =	vsel vm12, $0x1103, v0  }
0x10e: {  	v5 =	vsel vm0, $0x1C83, v5;
	v1 =	vimm.s32 $0x1781;
	v0 =	vsel vm11, $0x1184, v0  }
0x10f: {  	v2 =	vimm.s32 $0x1782;
	v1 =	vsel vm13, $0x1002, v1;
	v0 =	vsel vm10, $0x1205, v0  }
0x110: {  	v2 =	vsel vm13, $0x1003, v2;
	v1 =	vsel vm14, $0x1083, v1;
	v0 =	vsel vm9, $0x1286, v0  }
0x111: {  	v2 =	vsel vm14, $0x1084, v2;
	v1 =	vsel vm12, $0x1104, v1;
	v0 =	vsel vm8, $0x1307, v0  }
0x112: {  	v2 =	vsel vm12, $0x1105, v2;
	v1 =	vsel vm11, $0x1185, v1;
	v0 =	vsel vm7, $0x1388, v0  }
0x113: {  	v2 =	vsel vm11, $0x1186, v2;
	v1 =	vsel vm10, $0x1206, v1;
	v0 =	vsel vm6, $0x1409, v0  }
0x114: {  	v2 =	vsel vm10, $0x1207, v2;
	v1 =	vsel vm9, $0x1287, v1;
	v0 =	vsel vm0, $0x148A, v0  }
0x115: {  	v2 =	vsel vm9, $0x1288, v2;
	v1 =	vsel vm8, $0x1308, v1;
	v0 =	vsel vm1, $0x150B, v0  }
0x116: {  	v2 =	vsel vm8, $0x1309, v2;
	v1 =	vsel vm7, $0x1389, v1;
	v0 =	vsel vm2, $0x158C, v0  }
0x117: {  	v2 =	vsel vm7, $0x138A, v2;
	v1 =	vsel vm6, $0x140A, v1;
	v0 =	vsel vm3, $0x160D, v0  }
0x118: {  	v2 =	vsel vm6, $0x140B, v2;
	v1 =	vsel vm0, $0x148B, v1;
	v0 =	vsel vm4, $0x168E, v0  }
0x119: {  	v2 =	vsel vm0, $0x148C, v2;
	v1 =	vsel vm1, $0x150C, v1;
	v0 =	vsel vm5, $0x170F, v0  }
0x11a: {  	v6 =	vsel vm0, $0x1C84, v6;
	v2 =	vsel vm1, $0x150D, v2;
	[tilespmem:$0x1FC80] =	vst v0;
	v0 =	vsel vm2, $0x158D, v1  }
0x11b: {  	v7 =	vsel vm0, $0x1C85, v7;
	v1 =	vsel vm2, $0x158E, v2;
	v0 =	vsel vm3, $0x160E, v0  }
0x11c: {  	v10 =	vsel vm0, $0x1C88, v10;
	v1 =	vsel vm3, $0x160F, v1;
	v0 =	vsel vm4, $0x168F, v0  }
0x11d: {  	v2 =	vimm.s32 $0x1783;
	v1 =	vsel vm4, $0x1680, v1;
	v0 =	vsel vm5, $0x1700, v0  }
0x11e: {  	v3 =	vsel vm1, $0x1D02, v3;
	v2 =	vsel vm13, $0x1004, v2;
	[tilespmem:$0x1FC90] =	vst v0;
	v0 =	vsel vm5, $0x1701, v1  }
0x11f: {  	v4 =	vsel vm1, $0x1D03, v4;
	v5 =	vsel vm1, $0x1D04, v5;
	[tilespmem:$0x1FCA0] =	vst v0;
	v0 =	vsel vm14, $0x1085, v2  }
0x120: {  	v7 =	vsel vm1, $0x1D06, v7;
	v1 =	vimm.s32 $0x1784;
	v0 =	vsel vm12, $0x1106, v0  }
0x121: {  	v2 =	vimm.s32 $0x1785;
	v1 =	vsel vm13, $0x1005, v1;
	v0 =	vsel vm11, $0x1187, v0  }
0x122: {  	v2 =	vsel vm13, $0x1006, v2;
	v1 =	vsel vm14, $0x1086, v1;
	v0 =	vsel vm10, $0x1208, v0  }
0x123: {  	v2 =	vsel vm14, $0x1087, v2;
	v1 =	vsel vm12, $0x1107, v1;
	v0 =	vsel vm9, $0x1289, v0  }
0x124: {  	v2 =	vsel vm12, $0x1108, v2;
	v1 =	vsel vm11, $0x1188, v1;
	v0 =	vsel vm8, $0x130A, v0  }
0x125: {  	v2 =	vsel vm11, $0x1189, v2;
	v1 =	vsel vm10, $0x1209, v1;
	v0 =	vsel vm7, $0x138B, v0  }
0x126: {  	v2 =	vsel vm10, $0x120A, v2;
	v1 =	vsel vm9, $0x128A, v1;
	v0 =	vsel vm6, $0x140C, v0  }
0x127: {  	v2 =	vsel vm9, $0x128B, v2;
	v1 =	vsel vm8, $0x130B, v1;
	v0 =	vsel vm0, $0x148D, v0  }
0x128: {  	v2 =	vsel vm8, $0x130C, v2;
	v1 =	vsel vm7, $0x138C, v1;
	v0 =	vsel vm1, $0x150E, v0  }
0x129: {  	v2 =	vsel vm7, $0x138D, v2;
	v1 =	vsel vm6, $0x140D, v1;
	v0 =	vsel vm2, $0x158F, v0  }
0x12a: {  	v2 =	vsel vm6, $0x140E, v2;
	v1 =	vsel vm0, $0x148E, v1;
	v0 =	vsel vm3, $0x1600, v0  }
0x12b: {  	v2 =	vsel vm0, $0x148F, v2;
	v1 =	vsel vm1, $0x150F, v1;
	v0 =	vsel vm4, $0x1681, v0  }
0x12c: {  	v2 =	vsel vm1, $0x1500, v2;
	v18 =	vsel vm5, $0x1702, v0;
	v0 =	vsel vm2, $0x1580, v1  }
0x12d: {  	v10 =	vsel vm1, $0x1D09, v10;
	v1 =	vsel vm2, $0x1581, v2;
	v0 =	vsel vm3, $0x1601, v0  }
0x12e: {  	v3 =	vsel vm2, $0x1D83, v3;
	v1 =	vsel vm3, $0x1602, v1;
	v0 =	vsel vm4, $0x1682, v0  }
0x12f: {  	v2 =	vimm.s32 $0x1786;
	v1 =	vsel vm4, $0x1683, v1;
	v0 =	vsel vm5, $0x1703, v0  }
0x130: {  	v4 =	vsel vm2, $0x1D84, v4;
	v2 =	vsel vm13, $0x1007, v2;
	[tilespmem:$0x1FCB0] =	vst v0;
	v0 =	vsel vm5, $0x1704, v1  }
0x131: {  	v5 =	vsel vm2, $0x1D85, v5;
	v7 =	vsel vm2, $0x1D87, v7;
	[tilespmem:$0x1FCC0] =	vst v0;
	v0 =	vsel vm14, $0x1088, v2  }
0x132: {  	v1 =	vimm.s32 $0x1787;
	v2 =	vimm.s32 $0x1788;
	v0 =	vsel vm12, $0x1109, v0  }
0x133: {  	v1 =	vsel vm13, $0x1008, v1;
	v2 =	vsel vm13, $0x1009, v2;
	v0 =	vsel vm11, $0x118A, v0  }
0x134: {  	v1 =	vsel vm14, $0x1089, v1;
	v2 =	vsel vm14, $0x108A, v2;
	v0 =	vsel vm10, $0x120B, v0  }
0x135: {  	v1 =	vsel vm12, $0x110A, v1;
	v2 =	vsel vm12, $0x110B, v2;
	v0 =	vsel vm9, $0x128C, v0  }
0x136: {  	v1 =	vsel vm11, $0x118B, v1;
	v2 =	vsel vm11, $0x118C, v2;
	v0 =	vsel vm8, $0x130D, v0  }
0x137: {  	v1 =	vsel vm10, $0x120C, v1;
	v2 =	vsel vm10, $0x120D, v2;
	v0 =	vsel vm7, $0x138E, v0  }
0x138: {  	v1 =	vsel vm9, $0x128D, v1;
	v2 =	vsel vm9, $0x128E, v2;
	v0 =	vsel vm6, $0x140F, v0  }
0x139: {  	v1 =	vsel vm8, $0x130E, v1;
	v2 =	vsel vm8, $0x130F, v2;
	v0 =	vsel vm0, $0x1480, v0  }
0x13a: {  	v1 =	vsel vm7, $0x138F, v1;
	v2 =	vsel vm7, $0x1380, v2;
	v0 =	vsel vm1, $0x1501, v0  }
0x13b: {  	v1 =	vsel vm6, $0x1400, v1;
	v2 =	vsel vm6, $0x1401, v2;
	v0 =	vsel vm2, $0x1582, v0  }
0x13c: {  	v1 =	vsel vm0, $0x1481, v1;
	v2 =	vsel vm0, $0x1482, v2;
	v0 =	vsel vm3, $0x1603, v0  }
0x13d: {  	v1 =	vsel vm1, $0x1502, v1;
	v2 =	vsel vm1, $0x1503, v2;
	v0 =	vsel vm4, $0x1684, v0  }
0x13e: {  	v16 =	vsel vm5, $0x1705, v0;
	v0 =	vsel vm2, $0x1583, v1;
	v1 =	vsel vm2, $0x1584, v2  }
0x13f: {  	v10 =	vsel vm2, $0x1D8A, v10;
	v0 =	vsel vm3, $0x1604, v0;
	v1 =	vsel vm3, $0x1605, v1  }
0x140: {  	v2 =	vimm.s32 $0x1789;
	v0 =	vsel vm4, $0x1685, v0;
	v1 =	vsel vm4, $0x1686, v1  }
0x141: {  	v2 =	vsel vm13, $0x100A, v2;
	v14 =	vsel vm5, $0x1706, v0;
	v0 =	vsel vm5, $0x1707, v1  }
0x142: {  	v3 =	vsel vm3, $0x1E04, v3;
	v4 =	vsel vm3, $0x1E05, v4;
	[tilespmem:$0x1FCD0] =	vst v0;
	v0 =	vsel vm14, $0x108B, v2  }
0x143: {  	v7 =	vsel vm3, $0x1E08, v7;
	v1 =	vimm.s32 $0x178A;
	v0 =	vsel vm12, $0x110C, v0  }
0x144: {  	v2 =	vimm.s32 $0x178B;
	v1 =	vsel vm13, $0x100B, v1;
	v0 =	vsel vm11, $0x118D, v0  }
0x145: {  	v2 =	vsel vm13, $0x100C, v2;
	v1 =	vsel vm14, $0x108C, v1;
	v0 =	vsel vm10, $0x120E, v0  }
0x146: {  	v2 =	vsel vm14, $0x108D, v2;
	v1 =	vsel vm12, $0x110D, v1;
	v0 =	vsel vm9, $0x128F, v0  }
0x147: {  	v2 =	vsel vm12, $0x110E, v2;
	v1 =	vsel vm11, $0x118E, v1;
	v0 =	vsel vm8, $0x1300, v0  }
0x148: {  	v2 =	vsel vm11, $0x118F, v2;
	v1 =	vsel vm10, $0x120F, v1;
	v0 =	vsel vm7, $0x1381, v0  }
0x149: {  	v2 =	vsel vm10, $0x1200, v2;
	v1 =	vsel vm9, $0x1280, v1;
	v0 =	vsel vm6, $0x1402, v0  }
0x14a: {  	v2 =	vsel vm9, $0x1281, v2;
	v1 =	vsel vm8, $0x1301, v1;
	v0 =	vsel vm0, $0x1483, v0  }
0x14b: {  	v2 =	vsel vm8, $0x1302, v2;
	v1 =	vsel vm7, $0x1382, v1;
	v0 =	vsel vm1, $0x1504, v0  }
0x14c: {  	v2 =	vsel vm7, $0x1383, v2;
	v1 =	vsel vm6, $0x1403, v1;
	v0 =	vsel vm2, $0x1585, v0  }
0x14d: {  	v2 =	vsel vm6, $0x1404, v2;
	v1 =	vsel vm0, $0x1484, v1;
	v0 =	vsel vm3, $0x1606, v0  }
0x14e: {  	v2 =	vsel vm0, $0x1485, v2;
	v1 =	vsel vm1, $0x1505, v1;
	v0 =	vsel vm4, $0x1687, v0  }
0x14f: {  	v2 =	vsel vm1, $0x1506, v2;
	v44 =	vsel vm5, $0x1708, v0;
	v0 =	vsel vm2, $0x1586, v1  }
0x150: {  	v1 =	vsel vm2, $0x1587, v2;
	v2 =	vimm.s32 $0x178C;
	v0 =	vsel vm3, $0x1607, v0  }
0x151: {  	v1 =	vsel vm3, $0x1608, v1;
	v2 =	vsel vm13, $0x100D, v2;
	v0 =	vsel vm4, $0x1688, v0  }
0x152: {  	v1 =	vsel vm4, $0x1689, v1;
	v58 =	vsel vm5, $0x1709, v0;
	v0 =	vsel vm14, $0x108E, v2  }
0x153: {  	v12 =	vsel vm5, $0x170A, v1;
	v1 =	vimm.s32 $0x178D;
	v0 =	vsel vm12, $0x110F, v0  }
0x154: {  	v2 =	vimm.s32 $0x178E;
	v1 =	vsel vm13, $0x100E, v1;
	v0 =	vsel vm11, $0x1180, v0  }
0x155: {  	v2 =	vsel vm13, $0x100F, v2;
	v1 =	vsel vm14, $0x108F, v1;
	v0 =	vsel vm10, $0x1201, v0  }
0x156: {  	v2 =	vsel vm14, $0x1080, v2;
	v1 =	vsel vm12, $0x1100, v1;
	v0 =	vsel vm9, $0x1282, v0  }
0x157: {  	v2 =	vsel vm12, $0x1101, v2;
	v1 =	vsel vm11, $0x1181, v1;
	v0 =	vsel vm8, $0x1303, v0  }
0x158: {  	v2 =	vsel vm11, $0x1182, v2;
	v1 =	vsel vm10, $0x1202, v1;
	v0 =	vsel vm7, $0x1384, v0  }
0x159: {  	v2 =	vsel vm10, $0x1203, v2;
	v1 =	vsel vm9, $0x1283, v1;
	v0 =	vsel vm6, $0x1405, v0  }
0x15a: {  	v2 =	vsel vm9, $0x1284, v2;
	v1 =	vsel vm8, $0x1304, v1;
	v0 =	vsel vm0, $0x1486, v0  }
0x15b: {  	v2 =	vsel vm8, $0x1305, v2;
	v1 =	vsel vm7, $0x1385, v1;
	v0 =	vsel vm1, $0x1507, v0  }
0x15c: {  	v2 =	vsel vm7, $0x1386, v2;
	v1 =	vsel vm6, $0x1406, v1;
	v0 =	vsel vm2, $0x1588, v0  }
0x15d: {  	v2 =	vsel vm6, $0x1407, v2;
	v1 =	vsel vm0, $0x1487, v1;
	v0 =	vsel vm3, $0x1609, v0  }
0x15e: {  	v2 =	vsel vm0, $0x1488, v2;
	v1 =	vsel vm1, $0x1508, v1;
	v0 =	vsel vm4, $0x168A, v0  }
0x15f: {  	v2 =	vsel vm1, $0x1509, v2;
	v22 =	vsel vm5, $0x170B, v0;
	v0 =	vsel vm2, $0x1589, v1  }
0x160: {  	v1 =	vsel vm2, $0x158A, v2;
	v2 =	vimm.s32 $0x1F80;
	v0 =	vsel vm3, $0x160A, v0  }
0x161: {  	v1 =	vsel vm3, $0x160B, v1;
	v2 =	vsel vm13, $0x1801, v2;
	v0 =	vsel vm4, $0x168B, v0  }
0x162: {  	v1 =	vsel vm4, $0x168C, v1;
	v43 =	vsel vm5, $0x170C, v0;
	v0 =	vsel vm14, $0x1882, v2  }
0x163: {  	v3 =	vsel vm4, $0x1E85, v3;
	v63 =	vsel vm5, $0x170D, v1;
	v0 =	vsel vm12, $0x1903, v0  }
0x164: {  	v1 =	vimm.s32 $0x1F81;
	v2 =	vimm.s32 $0x1F82;
	v0 =	vsel vm11, $0x1984, v0  }
0x165: {  	v1 =	vsel vm13, $0x1802, v1;
	v2 =	vsel vm13, $0x1803, v2;
	v0 =	vsel vm10, $0x1A05, v0  }
0x166: {  	v1 =	vsel vm14, $0x1883, v1;
	v2 =	vsel vm14, $0x1884, v2;
	v0 =	vsel vm9, $0x1A86, v0  }
0x167: {  	v1 =	vsel vm12, $0x1904, v1;
	v2 =	vsel vm12, $0x1905, v2;
	v0 =	vsel vm8, $0x1B07, v0  }
0x168: {  	v1 =	vsel vm11, $0x1985, v1;
	v2 =	vsel vm11, $0x1986, v2;
	v0 =	vsel vm7, $0x1B88, v0  }
0x169: {  	v1 =	vsel vm10, $0x1A06, v1;
	v2 =	vsel vm10, $0x1A07, v2;
	v0 =	vsel vm6, $0x1C09, v0  }
0x16a: {  	v1 =	vsel vm9, $0x1A87, v1;
	v2 =	vsel vm9, $0x1A88, v2;
	v0 =	vsel vm0, $0x1C8A, v0  }
0x16b: {  	v1 =	vsel vm8, $0x1B08, v1;
	v2 =	vsel vm8, $0x1B09, v2;
	v0 =	vsel vm1, $0x1D0B, v0  }
0x16c: {  	v1 =	vsel vm7, $0x1B89, v1;
	v2 =	vsel vm7, $0x1B8A, v2;
	v0 =	vsel vm2, $0x1D8C, v0  }
0x16d: {  	v1 =	vsel vm6, $0x1C0A, v1;
	v2 =	vsel vm6, $0x1C0B, v2;
	v0 =	vsel vm3, $0x1E0D, v0  }
0x16e: {  	v1 =	vsel vm0, $0x1C8B, v1;
	v2 =	vsel vm0, $0x1C8C, v2;
	v0 =	vsel vm4, $0x1E8E, v0  }
0x16f: {  	v1 =	vsel vm1, $0x1D0C, v1;
	v2 =	vsel vm1, $0x1D0D, v2;
	v0 =	vsel vm5, $0x1F0F, v0  }
0x170: {  	v7 =	vsel vm4, $0x1E89, v7;
	[tilespmem:$0x1FCE0] =	vst v0;
	v0 =	vsel vm2, $0x1D8D, v1;
	v1 =	vsel vm2, $0x1D8E, v2  }
0x171: {  	v35 =	vsel vm5, $0x1F06, v3;
	v0 =	vsel vm3, $0x1E0E, v0;
	v1 =	vsel vm3, $0x1E0F, v1  }
0x172: {  	s0 =	rddreg [dreg:$0x0];
	v3 =	vsel vm5, $0x1F0A, v7;
	v0 =	vsel vm4, $0x1E8F, v0;
	v1 =	vsel vm4, $0x1E80, v1  }
0x173: {  	s7 =	rddreg [dreg:$0x1];
	s3 =	simm.s32 $0x0;
	v5 =	vsel vm3, $0x1E06, v5;
	[tilespmem:$0x1FD00] =	vst v3;
	v48 =	vsel vm5, $0x1F00, v0;
	v0 =	vsel vm5, $0x1F01, v1  }
0x174: {  	[smem:$0x7FF] =	sst s3;
	v10 =	vsel vm3, $0x1E0B, v10;
	v4 =	vsel vm4, $0x1E86, v4;
	v5 =	vsel vm4, $0x1E87, v5;
	[tilespmem:$0x1FCF0] =	vst v0  }
0x175: {  	s1 =	rddreg [dreg:$0x2];
	v6 =	vsel vm1, $0x1D05, v6;
	v61 =	vsel vm5, $0x1F07, v4;
	v4 =	vsel vm4, $0x1E8C, v10;
	_ =	strace $0x80000047;
	[tilespmem:$0x1FD20] =	vst v56  }
0x176: {  	v6 =	vsel vm2, $0x1D86, v6;
	v50 =	vsel vm5, $0x1F0D, v4;
	[tilespmem:$0x1FD30] =	vst v57  }
0x177: {  	v6 =	vsel vm3, $0x1E07, v6;
	v52 =	vsel vm5, $0x1F08, v5;
	v5 =	vmovc v9;
	v9 =	vimm.s32 $0x1F8D;
	[tilespmem:$0x1FD40] =	vst v50  }
0x178: {  	v6 =	vsel vm4, $0x1E88, v6;
	v9 =	vsel vm13, $0x180E, v9;
	[tilespmem:$0x1FD90] =	vst v35  }
0x179: {  	v41 =	vsel vm5, $0x1F09, v6;
	v9 =	vsel vm14, $0x188F, v9;
	[tilespmem:$0x1FDA0] =	vst v52  }
0x17a: {  	v9 =	vsel vm12, $0x1900, v9;
	[tilespmem:$0x1FDB0] =	vst v41  }
0x17b: {  	v9 =	vsel vm11, $0x1981, v9;
	[tilespmem:$0x1FDE0] =	vst v21  }
0x17c: {  	v8 =	vimm.s32 $0x1F8C;
	v9 =	vsel vm10, $0x1A02, v9;
	[tilespmem:$0x1FDF0] =	vst v23  }
0x17d: {  	v8 =	vsel vm13, $0x180D, v8;
	v9 =	vsel vm9, $0x1A83, v9;
	[tilespmem:$0x1FE00] =	vst v24  }
0x17e: {  	v8 =	vsel vm14, $0x188E, v8;
	v9 =	vsel vm8, $0x1B04, v9;
	[tilespmem:$0x1FE10] =	vst v28  }
0x17f: {  	v8 =	vsel vm12, $0x190F, v8;
	v9 =	vsel vm7, $0x1B85, v9;
	[tilespmem:$0x1FE20] =	vst v29  }
0x180: {  	v8 =	vsel vm11, $0x1980, v8;
	v9 =	vsel vm6, $0x1C06, v9;
	[tilespmem:$0x1FE30] =	vst v30  }
0x181: {  	v8 =	vsel vm10, $0x1A01, v8;
	v9 =	vsel vm0, $0x1C87, v9;
	[tilespmem:$0x1FE40] =	vst v36  }
0x182: {  	v8 =	vsel vm9, $0x1A82, v8;
	v9 =	vsel vm1, $0x1D08, v9;
	v2 =	vimm.s32 $0x1F83;
	[tilespmem:$0x1FE50] =	vst v31  }
0x183: {  	v8 =	vsel vm8, $0x1B03, v8;
	v9 =	vsel vm2, $0x1D89, v9;
	v2 =	vsel vm13, $0x1804, v2;
	[tilespmem:$0x1FE60] =	vst v37  }
0x184: {  	v11 =	vsel vm3, $0x1E0A, v9;
	v9 =	vlaneseq.u32;
	v0 =	vsel vm14, $0x1885, v2;
	[tilespmem:$0x1FE70] =	vst v49  }
0x185: {  	v8 =	vsel vm7, $0x1B84, v8;
	v4 =	vmul.u32 $0x80, v9;
	v0 =	vsel vm12, $0x1906, v0;
	[tilespmem:$0x1FE80] =	vst v32  }
0x186: {  	v1 =	vimm.s32 $0x1F84;
	v2 =	vimm.s32 $0x1F85;
	[tilespmem:$0x1FE90] =	vst v39;
	v0 =	vsel vm11, $0x1987, v0  }
0x187: {  	v1 =	vsel vm13, $0x1805, v1;
	v2 =	vsel vm13, $0x1806, v2;
	[tilespmem:$0x1FEA0] =	vst v40;
	v0 =	vsel vm10, $0x1A08, v0  }
0x188: {  	v1 =	vsel vm14, $0x1886, v1;
	[tilespmem:$0x1FEB0] =	vst v62;
	v2 =	vsel vm14, $0x1887, v2;
	v0 =	vsel vm9, $0x1A89, v0  }
0x189: {  	[tilespmem:$0x1FEC0] =	vst v47;
	v1 =	vsel vm12, $0x1907, v1;
	v2 =	vsel vm12, $0x1908, v2;
	v0 =	vsel vm8, $0x1B0A, v0  }
0x18a: {  	[tilespmem:$0x1FED0] =	vst v13;
	v1 =	vsel vm11, $0x1988, v1;
	v2 =	vsel vm11, $0x1989, v2;
	v0 =	vsel vm7, $0x1B8B, v0  }
0x18b: {  	[tilespmem:$0x1FEE0] =	vst v43;
	v1 =	vsel vm10, $0x1A09, v1;
	v2 =	vsel vm10, $0x1A0A, v2;
	v0 =	vsel vm6, $0x1C0C, v0  }
0x18c: {  	[tilespmem:$0x1FEF0] =	vst v4;
	v1 =	vsel vm9, $0x1A8A, v1;
	v2 =	vsel vm9, $0x1A8B, v2;
	v0 =	vsel vm0, $0x1C8D, v0  }
0x18d: {  	v6 =	vmovc v18;
	[tilespmem:$0x1FF00] =	vst v58;
	v1 =	vsel vm8, $0x1B0B, v1;
	v2 =	vsel vm8, $0x1B0C, v2;
	v0 =	vsel vm1, $0x1D0E, v0  }
0x18e: {  	[tilespmem:$0x1FF10] =	vst v6;
	v1 =	vsel vm7, $0x1B8C, v1;
	v2 =	vsel vm7, $0x1B8D, v2;
	v0 =	vsel vm2, $0x1D8F, v0  }
0x18f: {  	[tilespmem:$0x1FF20] =	vst v63;
	v1 =	vsel vm6, $0x1C0D, v1;
	v2 =	vsel vm6, $0x1C0E, v2;
	v0 =	vsel vm3, $0x1E00, v0  }
0x190: {  	[tilespmem:$0x1FF30] =	vst v22;
	v1 =	vsel vm0, $0x1C8E, v1;
	v2 =	vsel vm0, $0x1C8F, v2;
	v0 =	vsel vm4, $0x1E81, v0  }
0x191: {  	[tilespmem:$0x1FF40] =	vst v12;
	v1 =	vsel vm1, $0x1D0F, v1;
	v2 =	vsel vm1, $0x1D00, v2;
	v26 =	vsel vm5, $0x1F02, v0  }
0x192: {  	[tilespmem:$0x1FF50] =	vst v42;
	v0 =	vsel vm2, $0x1D80, v1;
	v1 =	vsel vm2, $0x1D81, v2;
	v2 =	vimm.s32 $0x1F86  }
0x193: {  	v8 =	vsel vm6, $0x1C05, v8;
	[tilespmem:$0x1FF60] =	vst v45;
	v2 =	vsel vm13, $0x1807, v2  }
0x194: {  	v8 =	vsel vm0, $0x1C86, v8;
	[tilespmem:$0x1FF70] =	vst v5;
	v2 =	vsel vm14, $0x1888, v2  }
0x195: {  	v8 =	vsel vm1, $0x1D07, v8;
	[tilespmem:$0x1FF80] =	vst v16;
	v2 =	vsel vm12, $0x1909, v2  }
0x196: {  	v8 =	vsel vm2, $0x1D88, v8;
	[tilespmem:$0x1FF90] =	vst v14;
	v2 =	vsel vm11, $0x198A, v2  }
0x197: {  	v8 =	vsel vm3, $0x1E09, v8;
	[tilespmem:$0x1FFA0] =	vst v44;
	v2 =	vsel vm10, $0x1A0B, v2  }
0x198: {  	v8 =	vsel vm4, $0x1E8A, v8;
	[tilespmem:$0x1FFC0] =	vst v61;
	v2 =	vsel vm9, $0x1A8C, v2  }
0x199: {  	[tilespmem:$0x1FFD0] =	vst v48;
	v0 =	vsel vm3, $0x1E01, v0;
	v1 =	vsel vm3, $0x1E02, v1;
	v2 =	vsel vm8, $0x1B0D, v2  }
0x19a: {  	s14 =	simm.s32 $0x7A1400;
	[tilespmem:$0x1FFF0] =	vst v59;
	v0 =	vsel vm4, $0x1E82, v0;
	v1 =	vsel vm4, $0x1E83, v1;
	v2 =	vsel vm7, $0x1B8E, v2  }
0x19b: {  	s4 =	srdreg.scid;
	s2 =	stileid.u32;
	s15 =	simm.s32 $0x400;
	[tilespmem:$0x1FDC0] =	vst v26;
	v33 =	vsel vm5, $0x1F04, v1;
	v1 =	vsel vm5, $0x1F0B, v8;
	v2 =	vsel vm6, $0x1C0F, v2  }
0x19c: {  	s16 =	simm.s32 $0x2000;
	s17 =	simm.s32 $0x4000;
	s18 =	simm.s32 $0x8000;
	v27 =	vsel vm5, $0x1F03, v0;
	[tilespmem:$0x1FD10] =	vst v1;
	v2 =	vsel vm0, $0x1C80, v2  }
0x19d: {  	s19 =	simm.s32 $0x0;
	s8 =	sand.u32 $0x1, s4;
	s5 =	sshll.u32 s2, $0x1;
	v1 =	vmul.u32 $0x81, v9;
	[tilespmem:$0x1FD70] =	vst v27;
	v2 =	vsel vm1, $0x1D01, v2  }
0x19e: {  	s4 =	sadd.s32 $0xE00, s7;
	s6 =	sadd.s32 $0x1200, s7;
	s7 =	sadd.s32 $0xF43200, s7;
	[tilespmem:$0x1FD80] =	vst v33;
	v2 =	vsel vm2, $0x1D82, v2  }
.Ltmp0:
0x19f: {  	s5 =	sor.u32 s8, s5;
	s9 =	ssub.s32 $0x2, s8;
	v18 =	vor.u32 $0x800, v1;
	[tilespmem:$0x1FFB0] =	vst v1;
	v2 =	vsel vm3, $0x1E03, v2;
	(pc) =	sbr.rel .LBB2_1-.Ltmp0, $4  }
0x1a0: {  	p1 =	sgt.u32 s2, $0x1;
	s31 =	sshll.u32 s5, $0x7;
	s10 =	sshrl.u32 s9, $0x1;
	v11 =	vsel vm4, $0x1E8B, v11;
	v53 =	vor.u32 $0x1000, v1;
	[tilespmem:$0x1FD50] =	vst v18;
	v2 =	vsel vm4, $0x1E84, v2  }
0x1a1: {  	p0 =	sne.s32 s5, $0x1F;
	s11 =	sor.u32 $0x60, s5;
	s8 =	sadd.s32 s0, s31;
	[tilespmem:$0x1FD60] =	vst v53;
	v34 =	vsel vm5, $0x1F05, v2  }
0x1a2: {  	s12 =	ssub.s32 s9, s10;
	s10 =	sor.u32 $0x40, s5;
	s13 =	sshll.u32 @!p0 s2, $0x6;
	v2 =	vsel vm5, $0x1F0C, v11;
	[tilespmem:$0x1FDD0] =	vst v34  }
0x1a3: {  	s9 =	sadd.s32 $0x1000, s8;
	s12 =	smax.u32 s12, $0x1;
	s13 =	sor.u32 @!p0 $0x1C05, s13;
	v15 =	vor.u32 $0x10, v9;
	v3 =	vmovc v14;
	v8 =	vmov v12;
	v11 =	vmov v1;
	[tilespmem:$0x1FFE0] =	vst v2  }
.LBB2_11:
0x1a4: {  	s19 =	sadd.s32 $0x1, s19  }
0x1a5: {  	p2 =	sne.s32 s19, s12  }
.Ltmp1:
0x1a6: {  	_ = 	snop;
	(pc) =	sbr.rel @!p2 .LBB2_12-.Ltmp1, $4  }
0x1a7: {  	s20 =	simm.s32 @!p1 $0x3  }
0x1a8: {  	_ =	swait.ge @!p1 [sflag:s20], $0x4000  }
0x1a9: {  	[sflag:s20] =	ssyncset.done @!p1 $0x0  }
0x1aa: {  	[sflag:s20] =	ssyncadd.s32 @!p1 $0xFFFFC000  }
.LBB2_1:
0x1ab: {  	[hbm:s7], [sflag:s13] =	dma.local @!p0 [hbm:s4], $0x400  }
0x1ac: {  	s20 =	simm.s32 @!p0 $0x5  }
0x1ad: {  	_ =	swait.ge @!p0 [sflag:s20], $0x400  }
.Ltmp2:
0x1ae: {  	[sflag:s20] =	ssyncset.done @!p0 $0x0;
	(pc) =	sbr.rel .LBB2_2-.Ltmp2, $4  }
0x1af: {  	[sflag:s20] =	ssyncadd.s32 @!p0 $0xFFFFFC00  }
0x1b0: {  	[tilespmem:s3], [sflag:$0x1] =	stream.strided.gather [hbm4b:s8+s15], $0x2000, s14, s15, $0x38;
	[tilespmem:$0xC000] =	vst v63  }
0x1b1: {  	s20 =	simm.s32 $0x0  }
0x1b2: {  	[tilespmem:s16], [sflag:$0x2] =	stream.strided.gather [hbm4b:s9+s15], $0x2000, s14, s15, $0x38;
	[tilespmem:$0xC000] =	vst v63  }
.LBB2_10:
0x1b3: {  	s21 =	sadd.s32 s11, s21  }
0x1b4: {  	p2 =	sgt.u32 s21, $0x1E83  }
0x1b5: {  	s20 =	sadd.s32 $0x1, s20;
	s21 =	sshll.u32 @!p2 s21, $0x7;
	s22 =	simm.s32 @!p2 $0x400  }
0x1b6: {  	s23 =	simm.s32 @!p2 $0x7A1400;
	s24 =	simm.s32 @!p2 $0x2000;
	s21 =	sadd.s32 @!p2 s0, s21  }
0x1b7: {  	[tilespmem:s24], [sflag:$0x2] =	stream.strided.gather @!p2 [hbm4b:s21+s22], $0x2000, s23, s22, $0x38;
	[tilespmem:$0xC000] =	vst v63  }
0x1b8: {  	p2 =	sne.s32 s20, $0x7B  }
.Ltmp3:
0x1b9: {  	_ = 	snop;
	(pc) =	sbr.rel @!p2 .LBB2_11-.Ltmp3, $1  }
0x1ba: {  	_ =	sdelay $0x3  }
.LBB2_2:
0x1bb: {  	s21 =	sshll.u32 s20, $0x6  }
0x1bc: {  	s23 =	sor.u32 s5, s21  }
0x1bd: {  	p3 =	sgt.u32 s23, $0x1E83  }
0x1be: {  	s22 =	simm.s32 @!p3 $0x1  }
0x1bf: {  	_ =	swait.ge @!p3 [sflag:s22], $0x2000  }
.Ltmp4:
0x1c0: {  	p2 =	seq.s32 s20, $0x0;
	[sflag:s22] =	ssyncset.done @!p3 $0x0;
	(pc) =	sbr.rel @p3 .LBB2_6-.Ltmp4, $4  }
0x1c1: {  	[sflag:s22] =	ssyncadd.s32 @!p3 $0xFFFFE000;
	s22 =	simm.s32 @!p2 $0x3  }
0x1c2: {  	_ =	swait.ge @!p2 [sflag:s22], $0x4000  }
0x1c3: {  	[sflag:s22] =	ssyncset.done @!p2 $0x0  }
0x1c4: {  	[sflag:s22] =	ssyncadd.s32 @!p2 $0xFFFFC000;
	s22 =	simm.s32 $0x0  }
0x1c5: {  	v20 =	vor.u32 s22, v55;
	_ =	sdelay $0x1  }
0x1c6: {  	v17 =	vor.u32 s22, v11  }
0x1c7: {  	v0 =	vmov v18;
	v18 =	vor.u32 s22, v56  }
0x1c8: {  	v19 =	vor.u32 s22, v57  }
0x1c9: {  	v38 =	vld.idx.msk [tilespmem:v20+s3+$0x0], $0xffff;
	v20 =	vor.u32 s22, v29;
	_ =	sdelay $0x1  }
0x1ca: {  	v21 =	vor.u32 s22, v21;
	v27 =	vld.idx.msk [tilespmem:v17+s3+$0x0], $0xffff  }
0x1cb: {  	v17 =	vor.u32 s22, v23;
	v33 =	vld.idx.msk [tilespmem:v18+s3+$0x0], $0xffff  }
0x1cc: {  	v18 =	vor.u32 s22, v24;
	v35 =	vld.idx.msk [tilespmem:v19+s3+$0x0], $0xffff  }
0x1cd: {  	v19 =	vor.u32 s22, v28;
	v1 =	vld.idx.msk [tilespmem:v20+s3+$0x0], $0xffff  }
0x1ce: {  	v23 =	vor.u32 s22, v30  }
0x1cf: {  	v41 =	vld.idx.msk [tilespmem:v21+s3+$0x0], $0xffff  }
0x1d0: {  	v14 =	vld.idx.msk [tilespmem:v17+s3+$0x0], $0xffff  }
0x1d1: {  	v51 =	vld.idx.msk [tilespmem:v18+s3+$0x0], $0xffff  }
0x1d2: {  	v7 =	vmov v58;
	v58 =	vld.idx.msk [tilespmem:v19+s3+$0x0], $0xffff;
	[tilespmem:$0x1F9C0] =	vst v1  }
0x1d3: {  	v1 =	vld.idx.msk [tilespmem:v23+s3+$0x0], $0xffff  }
0x1d4: {  	v24 =	vor.u32 s22, v31;
	_ =	sdelay $0x3  }
0x1d5: {  	[tilespmem:$0x1F9D0] =	vst v1  }
0x1d6: {  	v1 =	vld.idx.msk [tilespmem:v24+s3+$0x0], $0xffff  }
0x1d7: {  	v28 =	vor.u32 s22, v32;
	_ =	sdelay $0x3  }
0x1d8: {  	[tilespmem:$0x1F9E0] =	vst v1  }
0x1d9: {  	v1 =	vld.idx.msk [tilespmem:v28+s3+$0x0], $0xffff  }
0x1da: {  	v29 =	vor.u32 s22, v36;
	_ =	sdelay $0x3  }
0x1db: {  	[tilespmem:$0x1F9F0] =	vst v1  }
0x1dc: {  	v17 =	vmov s22;
	v1 =	vld.idx.msk [tilespmem:v29+s3+$0x0], $0xffff  }
0x1dd: {  	v30 =	vor.u32 s22, v37;
	v37 =	vshll.u32 v17, $0x7  }
0x1de: {  	v31 =	vor.u32 s22, v39;
	v17 =	vor.u32 v4, v37  }
0x1df: {  	v46 =	vmovc v61;
	v60 =	vor.u32 s22, v40;
	v52 =	vmovc v2;
	v2 =	vld [tilespmem:$0x1FBB0];
	v18 =	vor.u32 v49, v37;
	v61 =	vor.u32 v9, v17  }
0x1e0: {  	v21 =	vor.u32 v9, v18  }
0x1e1: {  	v19 =	vor.u32 v62, v37;
	[tilespmem:$0x1FA00] =	vst v1  }
0x1e2: {  	v54 =	vmov v22;
	v22 =	vor.u32 v9, v19;
	v39 =	vld.idx.msk [tilespmem:v30+s3+$0x0], $0xffff  }
0x1e3: {  	v36 =	vld.idx.msk [tilespmem:v31+s3+$0x0], $0xffff  }
0x1e4: {  	v20 =	vor.u32 v2, v37;
	v34 =	vld.idx.msk [tilespmem:v60+s3+$0x0], $0xffff;
	[tilespmem:v61+s17+$0x0] =	vst.idx.msk $0xffff, v27  }
0x1e5: {  	v25 =	vor.u32 v9, v20;
	v23 =	vor.u32 v47, v37;
	[tilespmem:v21+s17+$0x0] =	vst.idx.msk $0xffff, v33  }
0x1e6: {  	v26 =	vor.u32 v9, v23;
	v1 =	vld [tilespmem:$0x1FBA0]  }
0x1e7: {  	[tilespmem:v22+s17+$0x0] =	vst.idx.msk $0xffff, v35  }
0x1e8: {  	v60 =	vld [tilespmem:$0x1FBC0]  }
0x1e9: {  	v50 =	vmov v42;
	v42 =	vmov v62;
	v12 =	vld [tilespmem:$0x1FB30]  }
0x1ea: {  	v62 =	vmov v59;
	v24 =	vor.u32 v13, v37;
	v28 =	vor.u32 v59, v37;
	v59 =	vld [tilespmem:$0x1FB90];
	[tilespmem:v25+s17+$0x0] =	vst.idx.msk $0xffff, v38  }
0x1eb: {  	v27 =	vor.u32 v9, v24;
	v29 =	vor.u32 v1, v37;
	v1 =	vld [tilespmem:$0x1FB80];
	[tilespmem:v26+s17+$0x0] =	vst.idx.msk $0xffff, v41  }
0x1ec: {  	v10 =	vmov v11;
	v11 =	vld [tilespmem:$0x1FB70];
	_ =	sdelay $0x1  }
0x1ed: {  	v21 =	vor.u32 v9, v28;
	_ =	sdelay $0x1  }
0x1ee: {  	v22 =	vor.u32 v9, v29;
	v31 =	vor.u32 v1, v37;
	v1 =	vld [tilespmem:$0x1FB20];
	[tilespmem:v27+s17+$0x0] =	vst.idx.msk $0xffff, v14  }
0x1ef: {  	v32 =	vor.u32 v11, v37;
	v11 =	vld [tilespmem:$0x1FB40];
	_ =	sdelay $0x1  }
0x1f0: {  	v14 =	vld [tilespmem:$0x1FB60];
	[tilespmem:v21+s17+$0x0] =	vst.idx.msk $0xffff, v51  }
0x1f1: {  	v51 =	vld [tilespmem:$0x1FCF0]  }
0x1f2: {  	v61 =	vmov v13;
	v30 =	vor.u32 v59, v37;
	v13 =	vld [tilespmem:$0x1FB50];
	[tilespmem:v22+s17+$0x0] =	vst.idx.msk $0xffff, v58  }
0x1f3: {  	v33 =	vor.u32 v9, v30;
	v25 =	vor.u32 v11, v37;
	v11 =	vld [tilespmem:$0x1F9C0];
	_ =	sdelay $0x4  }
0x1f4: {  	[tilespmem:v33+s17+$0x0] =	vst.idx.msk $0xffff, v11  }
0x1f5: {  	v35 =	vor.u32 v9, v31;
	v11 =	vld [tilespmem:$0x1F9D0];
	_ =	sdelay $0x4  }
0x1f6: {  	[tilespmem:v35+s17+$0x0] =	vst.idx.msk $0xffff, v11  }
0x1f7: {  	v38 =	vor.u32 v9, v32;
	v22 =	vor.u32 v1, v37;
	v1 =	vld [tilespmem:$0x1F9E0];
	_ =	sdelay $0x4  }
0x1f8: {  	v27 =	vor.u32 v14, v37;
	[tilespmem:v38+s17+$0x0] =	vst.idx.msk $0xffff, v1  }
0x1f9: {  	v40 =	vor.u32 v9, v27;
	v1 =	vld [tilespmem:$0x1F9F0];
	_ =	sdelay $0x4  }
0x1fa: {  	v26 =	vor.u32 v13, v37;
	[tilespmem:v40+s17+$0x0] =	vst.idx.msk $0xffff, v1  }
0x1fb: {  	v58 =	vor.u32 v9, v26;
	v38 =	vor.u32 s22, v0;
	v0 =	vld [tilespmem:$0x1FA00]  }
0x1fc: {  	v33 =	vor.u32 v9, v25;
	_ =	sdelay $0x3  }
0x1fd: {  	v21 =	vor.u32 v12, v37;
	[tilespmem:v58+s17+$0x0] =	vst.idx.msk $0xffff, v0  }
0x1fe: {  	v35 =	vor.u32 v9, v21;
	[tilespmem:v33+s17+$0x0] =	vst.idx.msk $0xffff, v39  }
0x1ff: {  	v0 =	vld [tilespmem:$0x1FBD0];
	_ =	sdelay $0x3  }
0x200: {  	v37 =	vor.u32 v9, v22;
	[tilespmem:v35+s17+$0x0] =	vst.idx.msk $0xffff, v36  }
0x201: {  	v33 =	vor.u32 s22, v0;
	v0 =	vld [tilespmem:$0x1FBE0];
	_ =	sdelay $0x3  }
0x202: {  	[tilespmem:v37+s17+$0x0] =	vst.idx.msk $0xffff, v34  }
0x203: {  	v35 =	vor.u32 s22, v0;
	v0 =	vld.idx.msk [tilespmem:v38+s3+$0x0], $0xffff;
	_ =	sdelay $0x4  }
0x204: {  	[tilespmem:$0x1FA10] =	vst v0;
	v0 =	vld [tilespmem:$0x1FC00];
	_ =	sdelay $0x4  }
0x205: {  	v37 =	vor.u32 s22, v0;
	v0 =	vld [tilespmem:$0x1FC10];
	_ =	sdelay $0x4  }
0x206: {  	v58 =	vor.u32 s22, v60;
	v39 =	vor.u32 s22, v0;
	v0 =	vld.idx.msk [tilespmem:v33+s3+$0x0], $0xffff;
	_ =	sdelay $0x1  }
0x207: {  	v12 =	vld [tilespmem:$0x1FBF0];
	_ =	sdelay $0x2  }
0x208: {  	v1 =	vmov v63;
	v63 =	vld.idx.msk [tilespmem:v58+s3+$0x0], $0xffff;
	[tilespmem:$0x1FA20] =	vst v0  }
0x209: {  	v4 =	vld.idx.msk [tilespmem:v35+s3+$0x0], $0xffff  }
0x20a: {  	v34 =	vor.u32 s22, v12;
	_ =	sdelay $0x3  }
0x20b: {  	v0 =	vmov v5;
	[tilespmem:$0x1FA30] =	vst v4  }
0x20c: {  	v41 =	vor.u32 s22, v0;
	v0 =	vld.idx.msk [tilespmem:v34+s3+$0x0], $0xffff;
	_ =	sdelay $0x4  }
0x20d: {  	[tilespmem:$0x1FA40] =	vst v0  }
0x20e: {  	v0 =	vld.idx.msk [tilespmem:v37+s3+$0x0], $0xffff;
	_ =	sdelay $0x4  }
0x20f: {  	[tilespmem:$0x1FA50] =	vst v0;
	v0 =	vld [tilespmem:$0x1FC30];
	_ =	sdelay $0x3  }
0x210: {  	v5 =	vld [tilespmem:$0x1FC20]  }
0x211: {  	v35 =	vor.u32 s22, v0;
	v0 =	vld [tilespmem:$0x1FC40];
	_ =	sdelay $0x4  }
0x212: {  	v38 =	vor.u32 s22, v5;
	v36 =	vor.u32 s22, v0;
	v0 =	vld.idx.msk [tilespmem:v41+s3+$0x0], $0xffff  }
0x213: {  	v33 =	vor.u32 s22, v45;
	_ =	sdelay $0x2  }
0x214: {  	v34 =	vor.u32 s22, v50;
	v50 =	vld.idx.msk [tilespmem:v39+s3+$0x0], $0xffff  }
0x215: {  	v45 =	vld.idx.msk [tilespmem:v38+s3+$0x0], $0xffff;
	[tilespmem:$0x1FA60] =	vst v0  }
0x216: {  	v0 =	vld.idx.msk [tilespmem:v33+s3+$0x0], $0xffff;
	_ =	sdelay $0x4  }
0x217: {  	v14 =	vmov v6;
	v6 =	vld [tilespmem:$0x1FC50];
	[tilespmem:$0x1FA70] =	vst v0  }
0x218: {  	v0 =	vld.idx.msk [tilespmem:v34+s3+$0x0], $0xffff;
	_ =	sdelay $0x3  }
0x219: {  	v37 =	vor.u32 s22, v6;
	v6 =	vld [tilespmem:$0x1FC60]  }
0x21a: {  	[tilespmem:$0x1FA80] =	vst v0;
	v0 =	vld [tilespmem:$0x1FC70];
	_ =	sdelay $0x1  }
0x21b: {  	v11 =	vmov v47;
	v47 =	vmov v8;
	v8 =	vld [tilespmem:$0x1FCA0]  }
0x21c: {  	v13 =	vmov v2;
	v2 =	vld [tilespmem:$0x1FCB0]  }
0x21d: {  	v58 =	vld [tilespmem:$0x1FCD0];
	v33 =	vor.u32 s22, v6  }
0x21e: {  	v38 =	vor.u32 v15, v17;
	v34 =	vor.u32 s22, v0;
	v0 =	vld [tilespmem:$0x1FA10]  }
0x21f: {  	v39 =	vld.idx.msk [tilespmem:v35+s3+$0x0], $0xffff;
	v35 =	vor.u32 v15, v18  }
0x220: {  	v40 =	vld.idx.msk [tilespmem:v36+s3+$0x0], $0xffff  }
0x221: {  	v41 =	vld.idx.msk [tilespmem:v37+s3+$0x0], $0xffff  }
0x222: {  	v4 =	vmov v10;
	v10 =	vld.idx.msk [tilespmem:v33+s3+$0x0], $0xffff  }
0x223: {  	v34 =	vld.idx.msk [tilespmem:v34+s3+$0x0], $0xffff;
	[tilespmem:v38+s17+$0x0] =	vst.idx.msk $0xffff, v0  }
0x224: {  	[tilespmem:v35+s17+$0x0] =	vst.idx.msk $0xffff, v63  }
0x225: {  	v36 =	vor.u32 v15, v19;
	v0 =	vld [tilespmem:$0x1FA20];
	_ =	sdelay $0x4  }
0x226: {  	[tilespmem:v36+s17+$0x0] =	vst.idx.msk $0xffff, v0  }
0x227: {  	v37 =	vor.u32 v15, v20;
	v0 =	vld [tilespmem:$0x1FA30];
	_ =	sdelay $0x4  }
0x228: {  	[tilespmem:v37+s17+$0x0] =	vst.idx.msk $0xffff, v0  }
0x229: {  	v33 =	vor.u32 v15, v23;
	v0 =	vld [tilespmem:$0x1FA40];
	_ =	sdelay $0x4  }
0x22a: {  	[tilespmem:v33+s17+$0x0] =	vst.idx.msk $0xffff, v0  }
0x22b: {  	v38 =	vor.u32 v15, v24;
	v0 =	vld [tilespmem:$0x1FA50]  }
0x22c: {  	v63 =	vor.u32 v15, v28  }
0x22d: {  	v36 =	vor.u32 v15, v29;
	_ =	sdelay $0x2  }
0x22e: {  	[tilespmem:v38+s17+$0x0] =	vst.idx.msk $0xffff, v0  }
0x22f: {  	[tilespmem:v63+s17+$0x0] =	vst.idx.msk $0xffff, v50  }
0x230: {  	[tilespmem:v36+s17+$0x0] =	vst.idx.msk $0xffff, v45  }
0x231: {  	v37 =	vor.u32 v15, v30;
	v0 =	vld [tilespmem:$0x1FA60];
	_ =	sdelay $0x4  }
0x232: {  	[tilespmem:v37+s17+$0x0] =	vst.idx.msk $0xffff, v0  }
0x233: {  	v33 =	vor.u32 v15, v31;
	v0 =	vld [tilespmem:$0x1FA70];
	_ =	sdelay $0x4  }
0x234: {  	[tilespmem:v33+s17+$0x0] =	vst.idx.msk $0xffff, v0  }
0x235: {  	v38 =	vor.u32 v15, v32;
	v0 =	vld [tilespmem:$0x1FA80]  }
0x236: {  	v63 =	vor.u32 v15, v27  }
0x237: {  	v36 =	vor.u32 v15, v26;
	_ =	sdelay $0x2  }
0x238: {  	v37 =	vor.u32 v15, v25;
	[tilespmem:v38+s17+$0x0] =	vst.idx.msk $0xffff, v0  }
0x239: {  	v45 =	vor.u32 v15, v21;
	[tilespmem:v63+s17+$0x0] =	vst.idx.msk $0xffff, v39  }
0x23a: {  	v50 =	vor.u32 v15, v22;
	[tilespmem:v36+s17+$0x0] =	vst.idx.msk $0xffff, v40  }
0x23b: {  	v0 =	vld [tilespmem:$0x1FC80];
	_ =	sdelay $0x1  }
0x23c: {  	[tilespmem:v37+s17+$0x0] =	vst.idx.msk $0xffff, v41  }
0x23d: {  	v63 =	vor.u32 s22, v53;
	v53 =	vld [tilespmem:$0x1FC90];
	[tilespmem:v45+s17+$0x0] =	vst.idx.msk $0xffff, v10  }
0x23e: {  	[tilespmem:v50+s17+$0x0] =	vst.idx.msk $0xffff, v34  }
0x23f: {  	v40 =	vor.u32 s22, v0;
	v0 =	vld [tilespmem:$0x1FCC0];
	_ =	sdelay $0x4  }
0x240: {  	v36 =	vor.u32 s22, v0;
	_ =	sdelay $0x1  }
0x241: {  	v45 =	vor.u32 s22, v8  }
0x242: {  	v50 =	vor.u32 s22, v14  }
0x243: {  	v8 =	vld.idx.msk [tilespmem:v63+s3+$0x0], $0xffff;
	v63 =	vor.u32 s22, v2  }
0x244: {  	v41 =	vor.u32 s22, v53;
	v36 =	vld.idx.msk [tilespmem:v36+s3+$0x0], $0xffff  }
0x245: {  	v2 =	vld.idx.msk [tilespmem:v40+s3+$0x0], $0xffff;
	v40 =	vor.u32 s22, v16  }
0x246: {  	v45 =	vld.idx.msk [tilespmem:v45+s3+$0x0], $0xffff  }
0x247: {  	v50 =	vld.idx.msk [tilespmem:v50+s3+$0x0], $0xffff  }
0x248: {  	v63 =	vld.idx.msk [tilespmem:v63+s3+$0x0], $0xffff  }
0x249: {  	v10 =	vld.idx.msk [tilespmem:v41+s3+$0x0], $0xffff;
	[tilespmem:$0x1FAA0] =	vst v36  }
0x24a: {  	v41 =	vld.idx.msk [tilespmem:v40+s3+$0x0], $0xffff  }
0x24b: {  	v33 =	vor.u32 s22, v3;
	_ =	sdelay $0x3  }
0x24c: {  	[tilespmem:$0x1FAB0] =	vst v41  }
0x24d: {  	v33 =	vld.idx.msk [tilespmem:v33+s3+$0x0], $0xffff  }
0x24e: {  	v34 =	vor.u32 s22, v58;
	_ =	sdelay $0x3  }
0x24f: {  	[tilespmem:$0x1FAC0] =	vst v33  }
0x250: {  	v33 =	vld.idx.msk [tilespmem:v34+s3+$0x0], $0xffff  }
0x251: {  	v35 =	vor.u32 s22, v44;
	_ =	sdelay $0x1  }
0x252: {  	v44 =	vor.u32 s22, v43  }
0x253: {  	[tilespmem:$0x1FA90] =	vst v44  }
0x254: {  	[tilespmem:$0x1FAD0] =	vst v33  }
0x255: {  	v40 =	vor.u32 s22, v47;
	v47 =	vld.idx.msk [tilespmem:v35+s3+$0x0], $0xffff  }
0x256: {  	v58 =	vor.u32 s22, v7;
	_ =	sdelay $0x3  }
0x257: {  	[tilespmem:$0x1FAE0] =	vst v47  }
0x258: {  	v36 =	vld.idx.msk [tilespmem:v58+s3+$0x0], $0xffff;
	_ =	sdelay $0x3  }
0x259: {  	v44 =	vld [tilespmem:$0x1FA90]  }
0x25a: {  	[tilespmem:$0x1FAF0] =	vst v36  }
0x25b: {  	v36 =	vld.idx.msk [tilespmem:v40+s3+$0x0], $0xffff;
	_ =	sdelay $0x4  }
0x25c: {  	[tilespmem:$0x1FB00] =	vst v36  }
0x25d: {  	v41 =	vor.u32 s22, v54;
	v33 =	vor.u32 $0x20, v9;
	v36 =	vld.idx.msk [tilespmem:v44+s3+$0x0], $0xffff  }
0x25e: {  	v34 =	vor.u32 s22, v1;
	v54 =	vor.u32 v33, v17  }
0x25f: {  	v58 =	vor.u32 v33, v18  }
0x260: {  	v38 =	vor.u32 v33, v19  }
0x261: {  	v39 =	vor.u32 v33, v20  }
0x262: {  	v47 =	vor.u32 v33, v23;
	v41 =	vld.idx.msk [tilespmem:v41+s3+$0x0], $0xffff;
	[tilespmem:$0x1FB10] =	vst v36  }
0x263: {  	v36 =	vld.idx.msk [tilespmem:v34+s3+$0x0], $0xffff;
	[tilespmem:v54+s17+$0x0] =	vst.idx.msk $0xffff, v8;
	v54 =	vor.u32 v33, v24  }
0x264: {  	[tilespmem:v58+s17+$0x0] =	vst.idx.msk $0xffff, v2  }
0x265: {  	[tilespmem:v38+s17+$0x0] =	vst.idx.msk $0xffff, v10  }
0x266: {  	[tilespmem:v39+s17+$0x0] =	vst.idx.msk $0xffff, v45  }
0x267: {  	[tilespmem:v47+s17+$0x0] =	vst.idx.msk $0xffff, v50  }
0x268: {  	[tilespmem:v54+s17+$0x0] =	vst.idx.msk $0xffff, v63  }
0x269: {  	v58 =	vor.u32 v33, v28;
	v2 =	vld [tilespmem:$0x1FAA0];
	_ =	sdelay $0x4  }
0x26a: {  	[tilespmem:v58+s17+$0x0] =	vst.idx.msk $0xffff, v2  }
0x26b: {  	v43 =	vor.u32 v33, v29;
	v2 =	vld [tilespmem:$0x1FAB0];
	_ =	sdelay $0x4  }
0x26c: {  	[tilespmem:v43+s17+$0x0] =	vst.idx.msk $0xffff, v2  }
0x26d: {  	v44 =	vor.u32 v33, v30;
	v2 =	vld [tilespmem:$0x1FAC0];
	_ =	sdelay $0x4  }
0x26e: {  	[tilespmem:v44+s17+$0x0] =	vst.idx.msk $0xffff, v2  }
0x26f: {  	v45 =	vor.u32 v33, v31;
	v2 =	vld [tilespmem:$0x1FAD0];
	_ =	sdelay $0x4  }
0x270: {  	[tilespmem:v45+s17+$0x0] =	vst.idx.msk $0xffff, v2  }
0x271: {  	v47 =	vor.u32 v33, v32;
	v2 =	vld [tilespmem:$0x1FAE0];
	_ =	sdelay $0x4  }
0x272: {  	[tilespmem:v47+s17+$0x0] =	vst.idx.msk $0xffff, v2  }
0x273: {  	v50 =	vor.u32 v33, v27;
	v2 =	vld [tilespmem:$0x1FAF0];
	_ =	sdelay $0x4  }
0x274: {  	[tilespmem:v50+s17+$0x0] =	vst.idx.msk $0xffff, v2  }
0x275: {  	v54 =	vor.u32 v33, v26;
	v2 =	vld [tilespmem:$0x1FB00]  }
0x276: {  	v58 =	vor.u32 v33, v25;
	_ =	sdelay $0x3  }
0x277: {  	[tilespmem:v54+s17+$0x0] =	vst.idx.msk $0xffff, v2  }
0x278: {  	[tilespmem:v58+s17+$0x0] =	vst.idx.msk $0xffff, v41  }
0x279: {  	v63 =	vor.u32 v33, v21;
	v2 =	vld [tilespmem:$0x1FB10];
	_ =	sdelay $0x1  }
0x27a: {  	v35 =	vor.u32 $0x1800, v4;
	v4 =	vld [tilespmem:$0x1FCE0];
	_ =	sdelay $0x1  }
0x27b: {  	v37 =	vor.u32 s22, v51;
	v7 =	vmovc v12;
	v3 =	vmovc v53;
	v0 =	vmov v11;
	v16 =	vmov v60  }
0x27c: {  	v1 =	vmovc v13;
	v13 =	vmov v52;
	v40 =	vor.u32 v33, v22;
	v8 =	vmov v14;
	[tilespmem:v63+s17+$0x0] =	vst.idx.msk $0xffff, v2  }
0x27d: {  	v14 =	vmovc v48;
	v10 =	vmovc v46;
	v39 =	vor.u32 s22, v48;
	v41 =	vor.u32 s22, v35;
	v58 =	vmov v49;
	v12 =	vld [tilespmem:$0x1FD10]  }
0x27e: {  	s25 =	simm.s32 $0x10;
	s24 =	simm.s32 $0x0;
	v38 =	vor.u32 s22, v4;
	v63 =	vmovc v61;
	v2 =	vmovc v42;
	v61 =	vmov v4;
	v4 =	vmov v51;
	v11 =	vld [tilespmem:$0x1FD00]  }
.LBB2_4:
0x27f: {  	v34 =	vld [tilespmem:$0x1FDC0]  }
0x280: {  	v52 =	vld [tilespmem:$0x1FD70]  }
0x281: {  	v53 =	vld [tilespmem:$0x1FD80]  }
0x282: {  	v42 =	vld [tilespmem:$0x1FDD0]  }
0x283: {  	v43 =	vld [tilespmem:$0x1FD90]  }
0x284: {  	v45 =	vld [tilespmem:$0x1FDA0]  }
0x285: {  	v46 =	vld [tilespmem:$0x1FDB0]  }
0x286: {  	[tilespmem:v40+s17+$0x0] =	vst.idx.msk $0xffff, v36;
	v54 =	vor.u32 s24, v10;
	v51 =	vld [tilespmem:$0x1FD40]  }
0x287: {  	v36 =	vld.idx.msk [tilespmem:v41+s3+$0x0], $0xffff  }
0x288: {  	v47 =	vor.u32 s24, v11;
	v38 =	vld.idx.msk [tilespmem:v38+s3+$0x0], $0xffff  }
0x289: {  	v48 =	vor.u32 s24, v12;
	v39 =	vld.idx.msk [tilespmem:v39+s3+$0x0], $0xffff  }
0x28a: {  	v50 =	vor.u32 s24, v13;
	v37 =	vld.idx.msk [tilespmem:v37+s3+$0x0], $0xffff  }
0x28b: {  	v49 =	vld.idx.msk [tilespmem:v54+s3+$0x0], $0xffff  }
0x28c: {  	v34 =	vor.u32 s24, v34;
	v40 =	vor.u32 s24, v52;
	v52 =	vld [tilespmem:$0x1FFB0]  }
0x28d: {  	v47 =	vld.idx.msk [tilespmem:v47+s3+$0x0], $0xffff  }
0x28e: {  	v41 =	vor.u32 s24, v53;
	v48 =	vld.idx.msk [tilespmem:v48+s3+$0x0], $0xffff  }
0x28f: {  	v42 =	vor.u32 s24, v42;
	v50 =	vld.idx.msk [tilespmem:v50+s3+$0x0], $0xffff  }
0x290: {  	v43 =	vor.u32 s24, v43;
	v53 =	vor.u32 s25, v56;
	v56 =	vld [tilespmem:$0x1FDE0]  }
0x291: {  	v45 =	vor.u32 s24, v45;
	v44 =	vld.idx.msk [tilespmem:v34+s3+$0x0], $0xffff  }
0x292: {  	v46 =	vor.u32 s24, v46;
	v40 =	vld.idx.msk [tilespmem:v40+s3+$0x0], $0xffff  }
0x293: {  	v51 =	vor.u32 s24, v51;
	v41 =	vld.idx.msk [tilespmem:v41+s3+$0x0], $0xffff;
	v34 =	vor.u32 $0x30, v9  }
0x294: {  	v42 =	vld.idx.msk [tilespmem:v42+s3+$0x0], $0xffff;
	v17 =	vor.u32 v34, v17  }
0x295: {  	v43 =	vld.idx.msk [tilespmem:v43+s3+$0x0], $0xffff  }
0x296: {  	v45 =	vld.idx.msk [tilespmem:v45+s3+$0x0], $0xffff  }
0x297: {  	v52 =	vor.u32 s25, v52;
	v46 =	vld.idx.msk [tilespmem:v46+s3+$0x0], $0xffff  }
0x298: {  	v51 =	vld.idx.msk [tilespmem:v51+s3+$0x0], $0xffff;
	v18 =	vor.u32 v34, v18  }
0x299: {  	[tilespmem:v17+s17+$0x0] =	vst.idx.msk $0xffff, v36;
	v17 =	vor.u32 v34, v24;
	v24 =	vld [tilespmem:$0x1FDF0]  }
0x29a: {  	v19 =	vor.u32 v34, v19  }
0x29b: {  	v54 =	vor.u32 s25, v57;
	v20 =	vor.u32 v34, v20  }
0x29c: {  	v60 =	vmov v55;
	v55 =	vor.u32 s25, v55;
	v23 =	vor.u32 v34, v23;
	v36 =	vld.idx.msk [tilespmem:v52+s3+$0x0], $0xffff  }
0x29d: {  	v56 =	vor.u32 s25, v56;
	[tilespmem:v18+s17+$0x0] =	vst.idx.msk $0xffff, v38;
	v18 =	vor.u32 v34, v28;
	v28 =	vld [tilespmem:$0x1FE00]  }
0x29e: {  	v38 =	vld.idx.msk [tilespmem:v53+s3+$0x0], $0xffff;
	v24 =	vor.u32 s25, v24  }
0x29f: {  	[tilespmem:v19+s17+$0x0] =	vst.idx.msk $0xffff, v39;
	v19 =	vor.u32 v34, v29;
	v29 =	vld [tilespmem:$0x1FE10]  }
0x2a0: {  	v39 =	vld.idx.msk [tilespmem:v54+s3+$0x0], $0xffff;
	[tilespmem:v20+s17+$0x0] =	vst.idx.msk $0xffff, v37  }
0x2a1: {  	v37 =	vld.idx.msk [tilespmem:v55+s3+$0x0], $0xffff;
	[tilespmem:v23+s17+$0x0] =	vst.idx.msk $0xffff, v44  }
0x2a2: {  	v44 =	vld.idx.msk [tilespmem:v56+s3+$0x0], $0xffff;
	[tilespmem:v17+s17+$0x0] =	vst.idx.msk $0xffff, v40  }
0x2a3: {  	v28 =	vor.u32 s25, v28;
	v40 =	vld.idx.msk [tilespmem:v24+s3+$0x0], $0xffff  }
0x2a4: {  	[tilespmem:v18+s17+$0x0] =	vst.idx.msk $0xffff, v41;
	v18 =	vld [tilespmem:$0x1FE80];
	_ =	sdelay $0x2  }
0x2a5: {  	v20 =	vor.u32 v34, v30;
	v30 =	vld [tilespmem:$0x1FE20];
	v29 =	vor.u32 s25, v29  }
0x2a6: {  	v41 =	vld.idx.msk [tilespmem:v28+s3+$0x0], $0xffff  }
0x2a7: {  	v28 =	vor.u32 s25, v18;
	v18 =	vld [tilespmem:$0x1FE40];
	_ =	sdelay $0x1  }
0x2a8: {  	v23 =	vor.u32 v34, v31;
	v31 =	vld [tilespmem:$0x1FE30];
	[tilespmem:v19+s17+$0x0] =	vst.idx.msk $0xffff, v42  }
0x2a9: {  	v17 =	vmov s25;
	v30 =	vor.u32 s25, v30;
	v42 =	vld.idx.msk [tilespmem:v29+s3+$0x0], $0xffff  }
0x2aa: {  	[tilespmem:v20+s17+$0x0] =	vst.idx.msk $0xffff, v43;
	v43 =	vshll.u32 v17, $0x7;
	v17 =	vld [tilespmem:$0x1FEA0]  }
0x2ab: {  	v52 =	vor.u32 s25, v18;
	v18 =	vld [tilespmem:$0x1FE60]  }
0x2ac: {  	v24 =	vld [tilespmem:$0x1FE50];
	_ =	sdelay $0x1  }
0x2ad: {  	v54 =	vld.idx.msk [tilespmem:v30+s3+$0x0], $0xffff  }
0x2ae: {  	v30 =	vor.u32 s25, v17;
	v17 =	vld [tilespmem:$0x1FEF0]  }
0x2af: {  	v32 =	vor.u32 v34, v32;
	v31 =	vor.u32 s25, v31;
	v29 =	vor.u32 s25, v18;
	v18 =	vld [tilespmem:$0x1FE90]  }
0x2b0: {  	v27 =	vor.u32 v34, v27;
	v24 =	vor.u32 s25, v24  }
0x2b1: {  	v26 =	vor.u32 v34, v26  }
0x2b2: {  	v25 =	vor.u32 v34, v25  }
0x2b3: {  	v21 =	vor.u32 v34, v21;
	v22 =	vor.u32 v34, v22;
	[tilespmem:v23+s17+$0x0] =	vst.idx.msk $0xffff, v49  }
0x2b4: {  	v49 =	vld.idx.msk [tilespmem:v31+s3+$0x0], $0xffff;
	[tilespmem:v32+s17+$0x0] =	vst.idx.msk $0xffff, v45;
	v17 =	vor.u32 v17, v43;
	v57 =	vor.u32 s25, v18  }
0x2b5: {  	v45 =	vld.idx.msk [tilespmem:v24+s3+$0x0], $0xffff;
	[tilespmem:v27+s17+$0x0] =	vst.idx.msk $0xffff, v46;
	v31 =	vor.u32 v9, v17;
	v18 =	vor.u32 v58, v43  }
0x2b6: {  	v19 =	vor.u32 v2, v43;
	v46 =	vld.idx.msk [tilespmem:v28+s3+$0x0], $0xffff;
	[tilespmem:v26+s17+$0x0] =	vst.idx.msk $0xffff, v47;
	v27 =	vor.u32 v9, v18  }
0x2b7: {  	v20 =	vor.u32 v1, v43;
	v26 =	vor.u32 v9, v19;
	v47 =	vld.idx.msk [tilespmem:v52+s3+$0x0], $0xffff;
	[tilespmem:v25+s17+$0x0] =	vst.idx.msk $0xffff, v48  }
0x2b8: {  	v23 =	vor.u32 v0, v43;
	v25 =	vor.u32 v9, v20;
	v48 =	vld.idx.msk [tilespmem:v29+s3+$0x0], $0xffff;
	[tilespmem:v21+s17+$0x0] =	vst.idx.msk $0xffff, v50  }
0x2b9: {  	v21 =	vor.u32 v9, v23;
	v50 =	vld.idx.msk [tilespmem:v57+s3+$0x0], $0xffff;
	[tilespmem:v22+s17+$0x0] =	vst.idx.msk $0xffff, v51  }
0x2ba: {  	v51 =	vld.idx.msk [tilespmem:v30+s3+$0x0], $0xffff;
	[tilespmem:v31+s17+$0x0] =	vst.idx.msk $0xffff, v36  }
0x2bb: {  	[tilespmem:v27+s17+$0x0] =	vst.idx.msk $0xffff, v38  }
0x2bc: {  	[tilespmem:v26+s17+$0x0] =	vst.idx.msk $0xffff, v39  }
0x2bd: {  	[tilespmem:v25+s17+$0x0] =	vst.idx.msk $0xffff, v37  }
0x2be: {  	[tilespmem:v21+s17+$0x0] =	vst.idx.msk $0xffff, v44;
	v21 =	vld [tilespmem:$0x1FB70];
	_ =	sdelay $0x3  }
0x2bf: {  	v27 =	vld [tilespmem:$0x1FBA0]  }
0x2c0: {  	v32 =	vor.u32 v21, v43;
	v21 =	vld [tilespmem:$0x1FB60];
	_ =	sdelay $0x4  }
0x2c1: {  	v29 =	vor.u32 v27, v43;
	v27 =	vor.u32 v21, v43;
	v21 =	vld [tilespmem:$0x1FB50]  }
0x2c2: {  	v25 =	vld [tilespmem:$0x1FB80]  }
0x2c3: {  	v24 =	vor.u32 v63, v43  }
0x2c4: {  	v28 =	vor.u32 v62, v43;
	v22 =	vor.u32 v9, v24  }
0x2c5: {  	v56 =	vor.u32 v9, v28  }
0x2c6: {  	v30 =	vor.u32 v59, v43;
	v57 =	vor.u32 v9, v29;
	v26 =	vor.u32 v21, v43;
	v21 =	vld [tilespmem:$0x1FB40]  }
0x2c7: {  	v52 =	vor.u32 v9, v30;
	v31 =	vor.u32 v25, v43  }
0x2c8: {  	v53 =	vor.u32 v9, v31  }
0x2c9: {  	[tilespmem:v22+s17+$0x0] =	vst.idx.msk $0xffff, v40;
	v55 =	vor.u32 v9, v32  }
0x2ca: {  	[tilespmem:v56+s17+$0x0] =	vst.idx.msk $0xffff, v41;
	v56 =	vor.u32 v9, v27  }
0x2cb: {  	[tilespmem:v57+s17+$0x0] =	vst.idx.msk $0xffff, v42;
	v25 =	vor.u32 v21, v43;
	v21 =	vld [tilespmem:$0x1FB30]  }
0x2cc: {  	v22 =	vld [tilespmem:$0x1FB20];
	[tilespmem:v52+s17+$0x0] =	vst.idx.msk $0xffff, v54  }
0x2cd: {  	[tilespmem:v53+s17+$0x0] =	vst.idx.msk $0xffff, v49;
	v53 =	vld [tilespmem:$0x1FD50]  }
0x2ce: {  	[tilespmem:v55+s17+$0x0] =	vst.idx.msk $0xffff, v45;
	v55 =	vld [tilespmem:$0x1FBD0]  }
0x2cf: {  	v57 =	vor.u32 v9, v26;
	[tilespmem:v56+s17+$0x0] =	vst.idx.msk $0xffff, v46;
	v56 =	vld [tilespmem:$0x1FBE0]  }
0x2d0: {  	v44 =	vor.u32 v9, v25;
	v21 =	vor.u32 v21, v43  }
0x2d1: {  	v22 =	vor.u32 v22, v43;
	v49 =	vor.u32 v9, v21  }
0x2d2: {  	v52 =	vor.u32 v9, v22;
	v36 =	vor.u32 s25, v53;
	v53 =	vld [tilespmem:$0x1FF50]  }
0x2d3: {  	v37 =	vor.u32 s25, v55;
	v55 =	vld [tilespmem:$0x1FC40]  }
0x2d4: {  	[tilespmem:v57+s17+$0x0] =	vst.idx.msk $0xffff, v47;
	v39 =	vor.u32 s25, v56;
	v56 =	vld [tilespmem:$0x1FC50]  }
0x2d5: {  	v54 =	vor.u32 s25, v16;
	[tilespmem:v44+s17+$0x0] =	vst.idx.msk $0xffff, v48;
	v48 =	vld [tilespmem:$0x1FC00]  }
0x2d6: {  	[tilespmem:v49+s17+$0x0] =	vst.idx.msk $0xffff, v50;
	v49 =	vld [tilespmem:$0x1FC10]  }
0x2d7: {  	[tilespmem:v52+s17+$0x0] =	vst.idx.msk $0xffff, v51;
	v51 =	vld [tilespmem:$0x1FF70]  }
0x2d8: {  	v57 =	vor.u32 s25, v7;
	v52 =	vld [tilespmem:$0x1FF60]  }
0x2d9: {  	v36 =	vld.idx.msk [tilespmem:v36+s3+$0x0], $0xffff  }
0x2da: {  	v46 =	vor.u32 s25, v53;
	v38 =	vld.idx.msk [tilespmem:v54+s3+$0x0], $0xffff  }
0x2db: {  	v37 =	vld.idx.msk [tilespmem:v37+s3+$0x0], $0xffff  }
0x2dc: {  	v41 =	vor.u32 s25, v48;
	v39 =	vld.idx.msk [tilespmem:v39+s3+$0x0], $0xffff  }
0x2dd: {  	v50 =	vor.u32 s25, v5;
	v40 =	vld.idx.msk [tilespmem:v57+s3+$0x0], $0xffff  }
0x2de: {  	v48 =	vor.u32 s25, v55;
	v54 =	vld [tilespmem:$0x1FC30]  }
0x2df: {  	v57 =	vor.u32 s25, v6;
	v46 =	vld.idx.msk [tilespmem:v46+s3+$0x0], $0xffff  }
0x2e0: {  	v42 =	vor.u32 s25, v49;
	v49 =	vor.u32 s25, v56;
	v56 =	vld [tilespmem:$0x1FC70]  }
0x2e1: {  	v41 =	vld.idx.msk [tilespmem:v41+s3+$0x0], $0xffff  }
0x2e2: {  	v43 =	vld.idx.msk [tilespmem:v50+s3+$0x0], $0xffff;
	v44 =	vor.u32 s25, v51  }
0x2e3: {  	v48 =	vld.idx.msk [tilespmem:v48+s3+$0x0], $0xffff;
	v45 =	vor.u32 s25, v52  }
0x2e4: {  	v47 =	vor.u32 s25, v54;
	v50 =	vld.idx.msk [tilespmem:v57+s3+$0x0], $0xffff  }
0x2e5: {  	v52 =	vor.u32 v15, v17;
	v42 =	vld.idx.msk [tilespmem:v42+s3+$0x0], $0xffff;
	v51 =	vor.u32 s25, v56  }
0x2e6: {  	v53 =	vor.u32 v15, v18;
	v49 =	vld.idx.msk [tilespmem:v49+s3+$0x0], $0xffff  }
0x2e7: {  	v54 =	vor.u32 v15, v19;
	v44 =	vld.idx.msk [tilespmem:v44+s3+$0x0], $0xffff  }
0x2e8: {  	v55 =	vor.u32 v15, v20;
	v45 =	vld.idx.msk [tilespmem:v45+s3+$0x0], $0xffff  }
0x2e9: {  	v56 =	vor.u32 v15, v23;
	v47 =	vld.idx.msk [tilespmem:v47+s3+$0x0], $0xffff  }
0x2ea: {  	v51 =	vld.idx.msk [tilespmem:v51+s3+$0x0], $0xffff;
	[tilespmem:v52+s17+$0x0] =	vst.idx.msk $0xffff, v36;
	v36 =	vor.u32 v15, v24  }
0x2eb: {  	v57 =	vor.u32 v15, v28;
	[tilespmem:v53+s17+$0x0] =	vst.idx.msk $0xffff, v38  }
0x2ec: {  	v52 =	vor.u32 v15, v29;
	[tilespmem:v54+s17+$0x0] =	vst.idx.msk $0xffff, v37  }
0x2ed: {  	v53 =	vor.u32 v15, v30;
	[tilespmem:v55+s17+$0x0] =	vst.idx.msk $0xffff, v39  }
0x2ee: {  	v54 =	vor.u32 v15, v31;
	[tilespmem:v56+s17+$0x0] =	vst.idx.msk $0xffff, v40  }
0x2ef: {  	v55 =	vor.u32 v15, v32;
	[tilespmem:v36+s17+$0x0] =	vst.idx.msk $0xffff, v41  }
0x2f0: {  	v56 =	vor.u32 v15, v27;
	[tilespmem:v57+s17+$0x0] =	vst.idx.msk $0xffff, v42  }
0x2f1: {  	[tilespmem:v52+s17+$0x0] =	vst.idx.msk $0xffff, v43  }
0x2f2: {  	v57 =	vor.u32 v15, v26;
	[tilespmem:v53+s17+$0x0] =	vst.idx.msk $0xffff, v44  }
0x2f3: {  	v44 =	vor.u32 v15, v25;
	v53 =	vld [tilespmem:$0x1FD60];
	[tilespmem:v54+s17+$0x0] =	vst.idx.msk $0xffff, v45  }
0x2f4: {  	v54 =	vld [tilespmem:$0x1FC80];
	[tilespmem:v55+s17+$0x0] =	vst.idx.msk $0xffff, v46  }
0x2f5: {  	v45 =	vor.u32 v15, v21;
	[tilespmem:v56+s17+$0x0] =	vst.idx.msk $0xffff, v47;
	v56 =	vld [tilespmem:$0x1FCA0]  }
0x2f6: {  	v47 =	vld [tilespmem:$0x1FCB0]  }
0x2f7: {  	v52 =	vor.u32 v15, v22;
	[tilespmem:v57+s17+$0x0] =	vst.idx.msk $0xffff, v48;
	v48 =	vld [tilespmem:$0x1FCC0]  }
0x2f8: {  	[tilespmem:v44+s17+$0x0] =	vst.idx.msk $0xffff, v49;
	v49 =	vld [tilespmem:$0x1FF80]  }
0x2f9: {  	v55 =	vor.u32 s25, v3;
	v38 =	vor.u32 s25, v53;
	v53 =	vld [tilespmem:$0x1FF00]  }
0x2fa: {  	[tilespmem:v45+s17+$0x0] =	vst.idx.msk $0xffff, v50;
	v50 =	vld [tilespmem:$0x1FF90]  }
0x2fb: {  	v37 =	vor.u32 s25, v54;
	v54 =	vld [tilespmem:$0x1FF40]  }
0x2fc: {  	v57 =	vor.u32 s25, v8;
	[tilespmem:v52+s17+$0x0] =	vst.idx.msk $0xffff, v51;
	v51 =	vld [tilespmem:$0x1FCD0]  }
0x2fd: {  	v52 =	vld [tilespmem:$0x1FFA0]  }
0x2fe: {  	v39 =	vld.idx.msk [tilespmem:v55+s3+$0x0], $0xffff  }
0x2ff: {  	v55 =	vld [tilespmem:$0x1FF30]  }
0x300: {  	v40 =	vor.u32 s25, v56;
	v56 =	vld [tilespmem:$0x1FEE0]  }
0x301: {  	v41 =	vor.u32 s25, v47;
	v45 =	vld.idx.msk [tilespmem:v57+s3+$0x0], $0xffff  }
0x302: {  	v42 =	vor.u32 s25, v48;
	v57 =	vld [tilespmem:$0x1FF20]  }
0x303: {  	v38 =	vld.idx.msk [tilespmem:v38+s3+$0x0], $0xffff;
	v43 =	vor.u32 s25, v49  }
0x304: {  	v47 =	vor.u32 s25, v53;
	v37 =	vld.idx.msk [tilespmem:v37+s3+$0x0], $0xffff  }
0x305: {  	v36 =	vor.u32 s25, v51;
	v40 =	vld.idx.msk [tilespmem:v40+s3+$0x0], $0xffff  }
0x306: {  	v44 =	vor.u32 s25, v50;
	v41 =	vld.idx.msk [tilespmem:v41+s3+$0x0], $0xffff  }
0x307: {  	v48 =	vor.u32 s25, v54;
	v42 =	vld.idx.msk [tilespmem:v42+s3+$0x0], $0xffff  }
0x308: {  	v46 =	vor.u32 s25, v52;
	v43 =	vld.idx.msk [tilespmem:v43+s3+$0x0], $0xffff  }
0x309: {  	v49 =	vor.u32 s25, v55;
	v47 =	vld.idx.msk [tilespmem:v47+s3+$0x0], $0xffff  }
0x30a: {  	v50 =	vld.idx.msk [tilespmem:v36+s3+$0x0], $0xffff;
	v36 =	vor.u32 s25, v56  }
0x30b: {  	v52 =	vor.u32 v33, v17;
	v51 =	vor.u32 s25, v57;
	v44 =	vld.idx.msk [tilespmem:v44+s3+$0x0], $0xffff  }
0x30c: {  	v53 =	vor.u32 v33, v18;
	v48 =	vld.idx.msk [tilespmem:v48+s3+$0x0], $0xffff  }
0x30d: {  	v54 =	vor.u32 v33, v19;
	v46 =	vld.idx.msk [tilespmem:v46+s3+$0x0], $0xffff  }
0x30e: {  	v55 =	vor.u32 v33, v20;
	v49 =	vld.idx.msk [tilespmem:v49+s3+$0x0], $0xffff  }
0x30f: {  	v57 =	vor.u32 v33, v23;
	v56 =	vld.idx.msk [tilespmem:v36+s3+$0x0], $0xffff  }
0x310: {  	v36 =	vld.idx.msk [tilespmem:v51+s3+$0x0], $0xffff;
	[tilespmem:v52+s17+$0x0] =	vst.idx.msk $0xffff, v38;
	v51 =	vor.u32 v33, v24  }
0x311: {  	[tilespmem:v53+s17+$0x0] =	vst.idx.msk $0xffff, v37;
	v37 =	vor.u32 v33, v28  }
0x312: {  	[tilespmem:v54+s17+$0x0] =	vst.idx.msk $0xffff, v39;
	v39 =	vor.u32 v33, v29  }
0x313: {  	v54 =	vor.u32 v33, v30;
	[tilespmem:v55+s17+$0x0] =	vst.idx.msk $0xffff, v40  }
0x314: {  	v55 =	vmov v60;
	v60 =	vor.u32 v33, v31;
	[tilespmem:v57+s17+$0x0] =	vst.idx.msk $0xffff, v45  }
0x315: {  	[tilespmem:v51+s17+$0x0] =	vst.idx.msk $0xffff, v41;
	v51 =	vor.u32 v33, v32  }
0x316: {  	v52 =	vor.u32 v33, v27;
	[tilespmem:v37+s17+$0x0] =	vst.idx.msk $0xffff, v42  }
0x317: {  	v53 =	vor.u32 v33, v26;
	[tilespmem:v39+s17+$0x0] =	vst.idx.msk $0xffff, v43  }
0x318: {  	[tilespmem:v54+s17+$0x0] =	vst.idx.msk $0xffff, v44;
	v54 =	vor.u32 v33, v25  }
0x319: {  	p3 =	sne.s32 s25, $0x70;
	[tilespmem:v60+s17+$0x0] =	vst.idx.msk $0xffff, v50;
	v60 =	vor.u32 v33, v21  }
.Ltmp5:
0x31a: {  	[tilespmem:v51+s17+$0x0] =	vst.idx.msk $0xffff, v46;
	(pc) =	sbr.rel @p3 .LBB2_4-.Ltmp5, $4  }
0x31b: {  	[tilespmem:v52+s17+$0x0] =	vst.idx.msk $0xffff, v47  }
0x31c: {  	[tilespmem:v53+s17+$0x0] =	vst.idx.msk $0xffff, v48  }
0x31d: {  	s24 =	smov.u32 s25;
	v38 =	vor.u32 s25, v61;
	v40 =	vor.u32 v33, v22;
	v57 =	vld [tilespmem:$0x1FD30];
	[tilespmem:v54+s17+$0x0] =	vst.idx.msk $0xffff, v49  }
0x31e: {  	v41 =	vor.u32 s25, v35;
	v37 =	vor.u32 s24, v4;
	v39 =	vor.u32 s25, v14;
	s25 =	sadd.s32 $0x10, s25;
	[tilespmem:v60+s17+$0x0] =	vst.idx.msk $0xffff, v56;
	v56 =	vld [tilespmem:$0x1FD20]  }
0x31f: {  	_ =	sdelay $0x3  }
0x320: {  	[tilespmem:v40+s17+$0x0] =	vst.idx.msk $0xffff, v36  }
0x321: {  	v33 =	vld [tilespmem:$0x1FDC0]  }
0x322: {  	v35 =	vld.idx.msk [tilespmem:v41+s3+$0x0], $0xffff  }
0x323: {  	v36 =	vld [tilespmem:$0x1FD70]  }
0x324: {  	v38 =	vld.idx.msk [tilespmem:v38+s3+$0x0], $0xffff  }
0x325: {  	v40 =	vld [tilespmem:$0x1FD80]  }
0x326: {  	v39 =	vld.idx.msk [tilespmem:v39+s3+$0x0], $0xffff  }
0x327: {  	v52 =	vld [tilespmem:$0x1FDD0]  }
0x328: {  	v43 =	vor.u32 s24, v10;
	v37 =	vld.idx.msk [tilespmem:v37+s3+$0x0], $0xffff  }
0x329: {  	v46 =	vor.u32 s24, v11;
	v53 =	vld [tilespmem:$0x1FD90]  }
0x32a: {  	v47 =	vor.u32 s24, v12;
	v54 =	vld [tilespmem:$0x1FDA0]  }
0x32b: {  	v48 =	vor.u32 s24, v13;
	v60 =	vld [tilespmem:$0x1FDB0]  }
0x32c: {  	v50 =	vld [tilespmem:$0x1FD40];
	v33 =	vor.u32 s24, v33  }
0x32d: {  	v43 =	vld.idx.msk [tilespmem:v43+s3+$0x0], $0xffff;
	v36 =	vor.u32 s24, v36  }
0x32e: {  	v46 =	vld.idx.msk [tilespmem:v46+s3+$0x0], $0xffff;
	v40 =	vor.u32 s24, v40  }
0x32f: {  	v47 =	vld.idx.msk [tilespmem:v47+s3+$0x0], $0xffff;
	v59 =	vor.u32 s24, v52  }
0x330: {  	v48 =	vld.idx.msk [tilespmem:v48+s3+$0x0], $0xffff;
	v42 =	vor.u32 s24, v53  }
0x331: {  	v44 =	vor.u32 s24, v54;
	v33 =	vld.idx.msk [tilespmem:v33+s3+$0x0], $0xffff  }
0x332: {  	v45 =	vor.u32 s24, v60;
	v36 =	vld.idx.msk [tilespmem:v36+s3+$0x0], $0xffff  }
0x333: {  	v17 =	vor.u32 v34, v17;
	v49 =	vor.u32 s24, v50;
	v40 =	vld.idx.msk [tilespmem:v40+s3+$0x0], $0xffff  }
0x334: {  	v18 =	vor.u32 v34, v18;
	v41 =	vld.idx.msk [tilespmem:v59+s3+$0x0], $0xffff  }
0x335: {  	v19 =	vor.u32 v34, v19;
	v42 =	vld.idx.msk [tilespmem:v42+s3+$0x0], $0xffff  }
0x336: {  	v20 =	vor.u32 v34, v20;
	v44 =	vld.idx.msk [tilespmem:v44+s3+$0x0], $0xffff  }
0x337: {  	v23 =	vor.u32 v34, v23;
	v45 =	vld.idx.msk [tilespmem:v45+s3+$0x0], $0xffff  }
0x338: {  	v49 =	vld.idx.msk [tilespmem:v49+s3+$0x0], $0xffff;
	[tilespmem:v17+s17+$0x0] =	vst.idx.msk $0xffff, v35;
	v17 =	vor.u32 v34, v24  }
0x339: {  	[tilespmem:v18+s17+$0x0] =	vst.idx.msk $0xffff, v38;
	v18 =	vor.u32 v34, v28  }
0x33a: {  	[tilespmem:v19+s17+$0x0] =	vst.idx.msk $0xffff, v39;
	v19 =	vor.u32 v34, v29  }
0x33b: {  	[tilespmem:v20+s17+$0x0] =	vst.idx.msk $0xffff, v37;
	v20 =	vor.u32 v34, v30  }
0x33c: {  	[tilespmem:v23+s17+$0x0] =	vst.idx.msk $0xffff, v33;
	v23 =	vor.u32 v34, v31  }
0x33d: {  	[tilespmem:v17+s17+$0x0] =	vst.idx.msk $0xffff, v36;
	v17 =	vor.u32 v34, v32  }
0x33e: {  	[tilespmem:v18+s17+$0x0] =	vst.idx.msk $0xffff, v40;
	v18 =	vor.u32 v34, v27  }
0x33f: {  	[tilespmem:v19+s17+$0x0] =	vst.idx.msk $0xffff, v41;
	v19 =	vor.u32 v34, v26  }
0x340: {  	[tilespmem:v20+s17+$0x0] =	vst.idx.msk $0xffff, v42;
	v20 =	vor.u32 v34, v25  }
0x341: {  	v21 =	vor.u32 v34, v21;
	[tilespmem:v23+s17+$0x0] =	vst.idx.msk $0xffff, v43  }
0x342: {  	[tilespmem:v17+s17+$0x0] =	vst.idx.msk $0xffff, v44;
	v17 =	vor.u32 v34, v22  }
0x343: {  	[tilespmem:v18+s17+$0x0] =	vst.idx.msk $0xffff, v45  }
0x344: {  	[tilespmem:v19+s17+$0x0] =	vst.idx.msk $0xffff, v46  }
0x345: {  	[tilespmem:v20+s17+$0x0] =	vst.idx.msk $0xffff, v47  }
0x346: {  	[tilespmem:v21+s17+$0x0] =	vst.idx.msk $0xffff, v48  }
0x347: {  	[tilespmem:v17+s17+$0x0] =	vst.idx.msk $0xffff, v49  }
0x348: {  	v21 =	vld [tilespmem:$0x1FDE0]  }
0x349: {  	v23 =	vld [tilespmem:$0x1FDF0]  }
0x34a: {  	v24 =	vld [tilespmem:$0x1FE00]  }
0x34b: {  	v28 =	vld [tilespmem:$0x1FE10]  }
0x34c: {  	v29 =	vld [tilespmem:$0x1FE20]  }
0x34d: {  	v30 =	vld [tilespmem:$0x1FE30]  }
0x34e: {  	v31 =	vld [tilespmem:$0x1FE50]  }
0x34f: {  	v32 =	vld [tilespmem:$0x1FE80]  }
0x350: {  	v36 =	vld [tilespmem:$0x1FE40]  }
0x351: {  	v37 =	vld [tilespmem:$0x1FE60]  }
0x352: {  	v39 =	vld [tilespmem:$0x1FE90]  }
0x353: {  	v40 =	vld [tilespmem:$0x1FEA0]  }
0x354: {  	v5 =	vld [tilespmem:$0x1FF70]  }
0x355: {  	v45 =	vld [tilespmem:$0x1FF60]  }
0x356: {  	v42 =	vld [tilespmem:$0x1FF50]  }
0x357: {  	v16 =	vld [tilespmem:$0x1FF80]  }
0x358: {  	v3 =	vld [tilespmem:$0x1FF90]  }
0x359: {  	v44 =	vld [tilespmem:$0x1FFA0]  }
0x35a: {  	v49 =	vmov v58;
	v58 =	vld [tilespmem:$0x1FF00]  }
0x35b: {  	v6 =	vmov v8;
	v8 =	vld [tilespmem:$0x1FF40]  }
0x35c: {  	v22 =	vld [tilespmem:$0x1FF30]  }
0x35d: {  	v43 =	vld [tilespmem:$0x1FEE0]  }
0x35e: {  	v51 =	vmov v13;
	v13 =	vmov v63;
	v63 =	vld [tilespmem:$0x1FF20]  }
0x35f: {  	v11 =	vld [tilespmem:$0x1FFB0]  }
0x360: {  	s31 =	sshll.u32 s23, $0xB;
	v4 =	vld [tilespmem:$0x1FEF0]  }
0x361: {  	v61 =	vmov v10;
	s24 =	sadd.s32 s6, s31;
	v18 =	vld [tilespmem:$0x1FD50]  }
0x362: {  	v59 =	vmovc v62;
	v62 =	vmovc v2;
	v2 =	vmov v51;
	v47 =	vmov v0;
	v48 =	vmov v14;
	[hbm4b:s24+s3] =	stream.linear.scatter [tilespmem:s17], [sflag:$0x3], $0x4000, $0x38;
	v53 =	vld [tilespmem:$0x1FD60]  }
.LBB2_6:
0x363: {  	s24 =	sadd.s32 s10, s21  }
0x364: {  	p3 =	sgt.u32 s24, $0x1E83  }
0x365: {  	s23 =	sor.u32 $0x20, s23;
	s24 =	sshll.u32 @!p3 s24, $0x7;
	s25 =	simm.s32 @!p3 $0x400  }
0x366: {  	s26 =	simm.s32 @!p3 $0x7A1400;
	s28 =	simm.s32 @!p3 $0x0;
	s24 =	sadd.s32 @!p3 s0, s24  }
0x367: {  	[tilespmem:s28], [sflag:$0x1] =	stream.strided.gather @!p3 [hbm4b:s24+s25], $0x2000, s26, s25, $0x38;
	[tilespmem:$0xC000] =	vst v63  }
0x368: {  	p3 =	sgt.u32 s23, $0x1E83  }
0x369: {  	s24 =	simm.s32 @!p3 $0x2  }
0x36a: {  	_ =	swait.ge @!p3 [sflag:s24], $0x2000  }
.Ltmp6:
0x36b: {  	[sflag:s24] =	ssyncset.done @!p3 $0x0;
	(pc) =	sbr.rel @p3 .LBB2_10-.Ltmp6, $4  }
0x36c: {  	[sflag:s24] =	ssyncadd.s32 @!p3 $0xFFFFE000;
	s24 =	simm.s32 @!p2 $0x4  }
0x36d: {  	_ =	swait.ge @!p2 [sflag:s24], $0x4000  }
0x36e: {  	[sflag:s24] =	ssyncset.done @!p2 $0x0  }
0x36f: {  	[sflag:s24] =	ssyncadd.s32 @!p2 $0xFFFFC000  }
0x370: {  	v17 =	vor.u32 s22, v11  }
0x371: {  	v50 =	vmov v5;
	v5 =	vmov v18;
	v18 =	vor.u32 s22, v56  }
0x372: {  	v19 =	vor.u32 s22, v57;
	v12 =	vld [tilespmem:$0x1FCB0]  }
0x373: {  	v20 =	vor.u32 s22, v55;
	v0 =	vld [tilespmem:$0x1FBB0]  }
0x374: {  	v21 =	vor.u32 s22, v21;
	v2 =	vld [tilespmem:$0x1FC50]  }
0x375: {  	v22 =	vld.idx.msk [tilespmem:v17+s16+$0x0], $0xffff;
	v17 =	vor.u32 s22, v23  }
0x376: {  	v25 =	vld.idx.msk [tilespmem:v18+s16+$0x0], $0xffff;
	v18 =	vor.u32 s22, v24  }
0x377: {  	v26 =	vld.idx.msk [tilespmem:v19+s16+$0x0], $0xffff;
	v19 =	vor.u32 s22, v28  }
0x378: {  	v27 =	vld.idx.msk [tilespmem:v20+s16+$0x0], $0xffff;
	v20 =	vor.u32 s22, v29  }
0x379: {  	v21 =	vld.idx.msk [tilespmem:v21+s16+$0x0], $0xffff;
	v23 =	vor.u32 s22, v30  }
0x37a: {  	v24 =	vor.u32 s22, v31;
	v33 =	vld.idx.msk [tilespmem:v17+s16+$0x0], $0xffff  }
0x37b: {  	v28 =	vor.u32 s22, v32;
	v34 =	vld.idx.msk [tilespmem:v18+s16+$0x0], $0xffff  }
0x37c: {  	v29 =	vor.u32 s22, v36;
	v35 =	vld.idx.msk [tilespmem:v19+s16+$0x0], $0xffff  }
0x37d: {  	v30 =	vor.u32 s22, v37;
	v17 =	vmov s22;
	v36 =	vld.idx.msk [tilespmem:v20+s16+$0x0], $0xffff  }
0x37e: {  	v31 =	vor.u32 s22, v39;
	v38 =	vld.idx.msk [tilespmem:v23+s16+$0x0], $0xffff;
	v37 =	vshll.u32 v17, $0x7  }
0x37f: {  	v39 =	vld.idx.msk [tilespmem:v24+s16+$0x0], $0xffff;
	v17 =	vor.u32 v4, v37  }
0x380: {  	v32 =	vor.u32 s22, v40;
	v41 =	vld.idx.msk [tilespmem:v28+s16+$0x0], $0xffff;
	v18 =	vor.u32 v49, v37;
	v40 =	vor.u32 v9, v17  }
0x381: {  	v7 =	vmov v42;
	v43 =	vld.idx.msk [tilespmem:v29+s16+$0x0], $0xffff;
	v19 =	vor.u32 v62, v37;
	v42 =	vor.u32 v9, v18  }
0x382: {  	v14 =	vmov v45;
	v45 =	vld.idx.msk [tilespmem:v30+s16+$0x0], $0xffff;
	v61 =	vor.u32 v9, v19  }
0x383: {  	v20 =	vor.u32 v0, v37;
	v23 =	vor.u32 v47, v37;
	v47 =	vld.idx.msk [tilespmem:v31+s16+$0x0], $0xffff  }
0x384: {  	v0 =	vld [tilespmem:$0x1FBA0];
	v46 =	vor.u32 v9, v20  }
0x385: {  	v49 =	vld.idx.msk [tilespmem:v32+s16+$0x0], $0xffff;
	[tilespmem:v40+s18+$0x0] =	vst.idx.msk $0xffff, v22  }
0x386: {  	[tilespmem:v42+s18+$0x0] =	vst.idx.msk $0xffff, v25  }
0x387: {  	[tilespmem:v61+s18+$0x0] =	vst.idx.msk $0xffff, v26  }
0x388: {  	v54 =	vmov v6;
	v6 =	vld [tilespmem:$0x1FBC0]  }
0x389: {  	v28 =	vor.u32 v59, v37;
	v48 =	vor.u32 v9, v23;
	v59 =	vld [tilespmem:$0x1FB90];
	[tilespmem:v46+s18+$0x0] =	vst.idx.msk $0xffff, v27  }
0x38a: {  	v29 =	vor.u32 v0, v37;
	v0 =	vld [tilespmem:$0x1FB80];
	_ =	sdelay $0x2  }
0x38b: {  	v24 =	vor.u32 v13, v37  }
0x38c: {  	v22 =	vor.u32 v9, v24;
	[tilespmem:v48+s18+$0x0] =	vst.idx.msk $0xffff, v21  }
0x38d: {  	v31 =	vor.u32 v0, v37;
	v0 =	vld [tilespmem:$0x1FB70];
	_ =	sdelay $0x3  }
0x38e: {  	v25 =	vor.u32 v9, v28;
	[tilespmem:v22+s18+$0x0] =	vst.idx.msk $0xffff, v33  }
0x38f: {  	v52 =	vor.u32 v9, v29;
	v32 =	vor.u32 v0, v37;
	v0 =	vld [tilespmem:$0x1FB60];
	_ =	sdelay $0x3  }
0x390: {  	v30 =	vor.u32 v59, v37;
	[tilespmem:v25+s18+$0x0] =	vst.idx.msk $0xffff, v34  }
0x391: {  	v60 =	vmov v53;
	v53 =	vor.u32 v9, v30;
	v27 =	vor.u32 v0, v37;
	v0 =	vld [tilespmem:$0x1FB50];
	[tilespmem:v52+s18+$0x0] =	vst.idx.msk $0xffff, v35  }
0x392: {  	v61 =	vor.u32 v9, v31;
	v1 =	vld [tilespmem:$0x1FB40];
	_ =	sdelay $0x3  }
0x393: {  	v46 =	vor.u32 v9, v32;
	v48 =	vor.u32 v9, v27;
	[tilespmem:v53+s18+$0x0] =	vst.idx.msk $0xffff, v36  }
0x394: {  	v26 =	vor.u32 v0, v37;
	v25 =	vor.u32 v1, v37;
	v1 =	vld [tilespmem:$0x1FB30];
	[tilespmem:v61+s18+$0x0] =	vst.idx.msk $0xffff, v38  }
0x395: {  	v51 =	vor.u32 v9, v26;
	v61 =	vmov v16;
	v16 =	vld [tilespmem:$0x1FB20]  }
0x396: {  	v52 =	vor.u32 v9, v25;
	_ =	sdelay $0x1  }
0x397: {  	[tilespmem:v46+s18+$0x0] =	vst.idx.msk $0xffff, v39  }
0x398: {  	[tilespmem:v48+s18+$0x0] =	vst.idx.msk $0xffff, v41;
	v21 =	vor.u32 v1, v37  }
0x399: {  	[tilespmem:v51+s18+$0x0] =	vst.idx.msk $0xffff, v43;
	v53 =	vor.u32 v9, v21;
	v22 =	vor.u32 v16, v37  }
0x39a: {  	[tilespmem:v52+s18+$0x0] =	vst.idx.msk $0xffff, v45;
	v40 =	vor.u32 v9, v22  }
0x39b: {  	v1 =	vld [tilespmem:$0x1FBD0];
	_ =	sdelay $0x2  }
0x39c: {  	[tilespmem:v53+s18+$0x0] =	vst.idx.msk $0xffff, v47  }
0x39d: {  	v16 =	vld [tilespmem:$0x1FBE0];
	[tilespmem:v40+s18+$0x0] =	vst.idx.msk $0xffff, v49  }
0x39e: {  	v43 =	vor.u32 s22, v1;
	v1 =	vld [tilespmem:$0x1FC10]  }
0x39f: {  	v41 =	vor.u32 s22, v5;
	_ =	sdelay $0x1  }
0x3a0: {  	v42 =	vor.u32 s22, v6  }
0x3a1: {  	v0 =	vld [tilespmem:$0x1FBF0]  }
0x3a2: {  	v47 =	vor.u32 s22, v1;
	v1 =	vld [tilespmem:$0x1FC20]  }
0x3a3: {  	v34 =	vld.idx.msk [tilespmem:v41+s16+$0x0], $0xffff  }
0x3a4: {  	v10 =	vld [tilespmem:$0x1FC00]  }
0x3a5: {  	v49 =	vor.u32 s22, v50;
	v35 =	vld.idx.msk [tilespmem:v42+s16+$0x0], $0xffff  }
0x3a6: {  	v50 =	vor.u32 s22, v14;
	v4 =	vld [tilespmem:$0x1FCA0]  }
0x3a7: {  	v5 =	vld [tilespmem:$0x1FC40];
	v48 =	vor.u32 s22, v1  }
0x3a8: {  	v1 =	vld [tilespmem:$0x1FC30]  }
0x3a9: {  	v36 =	vld.idx.msk [tilespmem:v43+s16+$0x0], $0xffff  }
0x3aa: {  	v51 =	vor.u32 s22, v7;
	v41 =	vld.idx.msk [tilespmem:v49+s16+$0x0], $0xffff  }
0x3ab: {  	v42 =	vld.idx.msk [tilespmem:v50+s16+$0x0], $0xffff;
	v46 =	vor.u32 s22, v10  }
0x3ac: {  	v62 =	vmov v44;
	v44 =	vor.u32 s22, v16;
	v40 =	vld.idx.msk [tilespmem:v48+s16+$0x0], $0xffff  }
0x3ad: {  	v52 =	vor.u32 s22, v1;
	v1 =	vld [tilespmem:$0x1FC60]  }
0x3ae: {  	v45 =	vor.u32 s22, v0;
	v48 =	vld [tilespmem:$0x1FC70]  }
0x3af: {  	v43 =	vld.idx.msk [tilespmem:v51+s16+$0x0], $0xffff;
	v53 =	vor.u32 s22, v5  }
0x3b0: {  	v38 =	vld.idx.msk [tilespmem:v46+s16+$0x0], $0xffff;
	v46 =	vor.u32 s22, v2  }
0x3b1: {  	v37 =	vld.idx.msk [tilespmem:v44+s16+$0x0], $0xffff  }
0x3b2: {  	v39 =	vld.idx.msk [tilespmem:v47+s16+$0x0], $0xffff;
	v47 =	vor.u32 s22, v1  }
0x3b3: {  	v49 =	vor.u32 v15, v17;
	v33 =	vld.idx.msk [tilespmem:v45+s16+$0x0], $0xffff;
	v48 =	vor.u32 s22, v48  }
0x3b4: {  	v50 =	vor.u32 v15, v18;
	v45 =	vld.idx.msk [tilespmem:v53+s16+$0x0], $0xffff  }
0x3b5: {  	v51 =	vor.u32 v15, v19;
	v46 =	vld.idx.msk [tilespmem:v46+s16+$0x0], $0xffff  }
0x3b6: {  	v44 =	vld.idx.msk [tilespmem:v52+s16+$0x0], $0xffff;
	v52 =	vor.u32 v15, v20  }
0x3b7: {  	v53 =	vor.u32 v15, v23;
	v47 =	vld.idx.msk [tilespmem:v47+s16+$0x0], $0xffff  }
0x3b8: {  	v48 =	vld.idx.msk [tilespmem:v48+s16+$0x0], $0xffff;
	[tilespmem:v49+s18+$0x0] =	vst.idx.msk $0xffff, v34;
	v34 =	vor.u32 v15, v24  }
0x3b9: {  	[tilespmem:v50+s18+$0x0] =	vst.idx.msk $0xffff, v35;
	v35 =	vor.u32 v15, v28  }
0x3ba: {  	[tilespmem:v51+s18+$0x0] =	vst.idx.msk $0xffff, v36;
	v36 =	vor.u32 v15, v29  }
0x3bb: {  	v49 =	vor.u32 v15, v30;
	[tilespmem:v52+s18+$0x0] =	vst.idx.msk $0xffff, v37  }
0x3bc: {  	v50 =	vor.u32 v15, v31;
	[tilespmem:v53+s18+$0x0] =	vst.idx.msk $0xffff, v33  }
0x3bd: {  	v51 =	vor.u32 v15, v32;
	[tilespmem:v34+s18+$0x0] =	vst.idx.msk $0xffff, v38  }
0x3be: {  	v52 =	vor.u32 v15, v27;
	[tilespmem:v35+s18+$0x0] =	vst.idx.msk $0xffff, v39  }
0x3bf: {  	v53 =	vor.u32 v15, v26;
	[tilespmem:v36+s18+$0x0] =	vst.idx.msk $0xffff, v40  }
0x3c0: {  	v40 =	vor.u32 v15, v25;
	[tilespmem:v49+s18+$0x0] =	vst.idx.msk $0xffff, v41  }
0x3c1: {  	v41 =	vor.u32 v15, v21;
	[tilespmem:v50+s18+$0x0] =	vst.idx.msk $0xffff, v42  }
0x3c2: {  	v42 =	vor.u32 v15, v22;
	[tilespmem:v51+s18+$0x0] =	vst.idx.msk $0xffff, v43  }
0x3c3: {  	v43 =	vor.u32 s22, v60;
	[tilespmem:v52+s18+$0x0] =	vst.idx.msk $0xffff, v44  }
0x3c4: {  	[tilespmem:v53+s18+$0x0] =	vst.idx.msk $0xffff, v45  }
0x3c5: {  	v11 =	vmov v3;
	v3 =	vld [tilespmem:$0x1FC80];
	[tilespmem:v40+s18+$0x0] =	vst.idx.msk $0xffff, v46  }
0x3c6: {  	v50 =	vor.u32 s22, v61;
	v0 =	vld [tilespmem:$0x1FC90];
	[tilespmem:v41+s18+$0x0] =	vst.idx.msk $0xffff, v47  }
0x3c7: {  	[tilespmem:v42+s18+$0x0] =	vst.idx.msk $0xffff, v48  }
0x3c8: {  	v35 =	vld.idx.msk [tilespmem:v43+s16+$0x0], $0xffff  }
0x3c9: {  	v2 =	vld [tilespmem:$0x1FCC0]  }
0x3ca: {  	v13 =	vld [tilespmem:$0x1FCD0]  }
0x3cb: {  	v53 =	vor.u32 s22, v62;
	v40 =	vld.idx.msk [tilespmem:v50+s16+$0x0], $0xffff  }
0x3cc: {  	v46 =	vor.u32 s22, v4;
	v4 =	vld [tilespmem:$0x1FF30]  }
0x3cd: {  	v51 =	vor.u32 s22, v11;
	v10 =	vld [tilespmem:$0x1FEE0]  }
0x3ce: {  	v47 =	vor.u32 s22, v54;
	v7 =	vld [tilespmem:$0x1FFE0]  }
0x3cf: {  	v5 =	vmov v16;
	v16 =	vmov v61;
	v54 =	vor.u32 s22, v58;
	v61 =	vld [tilespmem:$0x1FFC0]  }
0x3d0: {  	v48 =	vor.u32 s22, v12;
	v43 =	vld.idx.msk [tilespmem:v53+s16+$0x0], $0xffff  }
0x3d1: {  	v44 =	vor.u32 s22, v3;
	v41 =	vld.idx.msk [tilespmem:v46+s16+$0x0], $0xffff  }
0x3d2: {  	v46 =	vld.idx.msk [tilespmem:v51+s16+$0x0], $0xffff;
	v45 =	vor.u32 s22, v0  }
0x3d3: {  	v60 =	vor.u32 s22, v8;
	v34 =	vld.idx.msk [tilespmem:v47+s16+$0x0], $0xffff  }
0x3d4: {  	v51 =	vld.idx.msk [tilespmem:v54+s16+$0x0], $0xffff;
	v49 =	vor.u32 s22, v2  }
0x3d5: {  	v38 =	vld.idx.msk [tilespmem:v48+s16+$0x0], $0xffff;
	v52 =	vor.u32 s22, v13  }
0x3d6: {  	v12 =	vmov v62;
	v62 =	vor.u32 s22, v4;
	v39 =	vld.idx.msk [tilespmem:v44+s16+$0x0], $0xffff  }
0x3d7: {  	v37 =	vld.idx.msk [tilespmem:v45+s16+$0x0], $0xffff  }
0x3d8: {  	v58 =	vor.u32 s22, v10;
	v45 =	vld.idx.msk [tilespmem:v60+s16+$0x0], $0xffff  }
0x3d9: {  	v44 =	vld.idx.msk [tilespmem:v49+s16+$0x0], $0xffff  }
0x3da: {  	v33 =	vor.u32 $0x20, v9;
	v42 =	vld.idx.msk [tilespmem:v52+s16+$0x0], $0xffff  }
0x3db: {  	v50 =	vor.u32 v33, v17;
	v49 =	vor.u32 s22, v63;
	v47 =	vld.idx.msk [tilespmem:v62+s16+$0x0], $0xffff  }
0x3dc: {  	v52 =	vor.u32 v33, v18;
	v62 =	vld [tilespmem:$0x1FFF0]  }
0x3dd: {  	v53 =	vor.u32 v33, v19;
	v48 =	vld.idx.msk [tilespmem:v58+s16+$0x0], $0xffff  }
0x3de: {  	v54 =	vor.u32 v33, v20;
	v63 =	vld [tilespmem:$0x1FD10]  }
0x3df: {  	v60 =	vmov v55;
	v55 =	vor.u32 v33, v23;
	v58 =	vmov v2;
	v2 =	vld [tilespmem:$0x1FFB0]  }
0x3e0: {  	v36 =	vld.idx.msk [tilespmem:v49+s16+$0x0], $0xffff;
	[tilespmem:v50+s18+$0x0] =	vst.idx.msk $0xffff, v35;
	v50 =	vor.u32 v33, v24  }
0x3e1: {  	[tilespmem:v52+s18+$0x0] =	vst.idx.msk $0xffff, v39;
	v52 =	vor.u32 v33, v28  }
0x3e2: {  	[tilespmem:v53+s18+$0x0] =	vst.idx.msk $0xffff, v37;
	v53 =	vor.u32 v33, v29  }
0x3e3: {  	[tilespmem:v54+s18+$0x0] =	vst.idx.msk $0xffff, v41;
	v54 =	vor.u32 v33, v30  }
0x3e4: {  	v49 =	vor.u32 v33, v31;
	[tilespmem:v55+s18+$0x0] =	vst.idx.msk $0xffff, v34  }
0x3e5: {  	[tilespmem:v50+s18+$0x0] =	vst.idx.msk $0xffff, v38;
	v50 =	vor.u32 v33, v32  }
0x3e6: {  	[tilespmem:v52+s18+$0x0] =	vst.idx.msk $0xffff, v44;
	v52 =	vor.u32 v33, v27  }
0x3e7: {  	[tilespmem:v53+s18+$0x0] =	vst.idx.msk $0xffff, v40;
	v53 =	vor.u32 v33, v26  }
0x3e8: {  	[tilespmem:v54+s18+$0x0] =	vst.idx.msk $0xffff, v46;
	v54 =	vor.u32 v33, v25  }
0x3e9: {  	[tilespmem:v49+s18+$0x0] =	vst.idx.msk $0xffff, v42  }
0x3ea: {  	[tilespmem:v50+s18+$0x0] =	vst.idx.msk $0xffff, v43  }
0x3eb: {  	[tilespmem:v52+s18+$0x0] =	vst.idx.msk $0xffff, v51  }
0x3ec: {  	v55 =	vor.u32 v33, v21;
	[tilespmem:v53+s18+$0x0] =	vst.idx.msk $0xffff, v45  }
0x3ed: {  	[tilespmem:v54+s18+$0x0] =	vst.idx.msk $0xffff, v47  }
0x3ee: {  	v4 =	vmov v1;
	v1 =	vld [tilespmem:$0x1FCE0];
	_ =	sdelay $0x2  }
0x3ef: {  	[tilespmem:v55+s18+$0x0] =	vst.idx.msk $0xffff, v48  }
0x3f0: {  	v8 =	vld [tilespmem:$0x1FCF0]  }
0x3f1: {  	v10 =	vmov v0;
	v0 =	vmov v1;
	v38 =	vor.u32 s22, v1;
	v1 =	vld [tilespmem:$0x1FFD0];
	_ =	sdelay $0x2  }
0x3f2: {  	v35 =	vor.u32 $0x1800, v2  }
0x3f3: {  	v14 =	vmov v11;
	v11 =	vmov v2;
	v41 =	vor.u32 s22, v35  }
0x3f4: {  	s24 =	simm.s32 $0x10;
	v40 =	vor.u32 v33, v22;
	v37 =	vor.u32 s22, v8;
	v2 =	vmovc v1;
	v39 =	vor.u32 s22, v1;
	v1 =	vmovc v8;
	v8 =	vld [tilespmem:$0x1FD00]  }
.LBB2_8:
0x3f5: {  	v34 =	vld [tilespmem:$0x1FDC0]  }
0x3f6: {  	v53 =	vld [tilespmem:$0x1FD70]  }
0x3f7: {  	v54 =	vld [tilespmem:$0x1FD80]  }
0x3f8: {  	v42 =	vld [tilespmem:$0x1FDD0]  }
0x3f9: {  	v43 =	vld [tilespmem:$0x1FD90]  }
0x3fa: {  	v45 =	vld [tilespmem:$0x1FDA0]  }
0x3fb: {  	v46 =	vld [tilespmem:$0x1FDB0]  }
0x3fc: {  	[tilespmem:v40+s18+$0x0] =	vst.idx.msk $0xffff, v36;
	v55 =	vor.u32 s22, v61;
	v51 =	vld [tilespmem:$0x1FD40]  }
0x3fd: {  	v47 =	vor.u32 s22, v8;
	v36 =	vld.idx.msk [tilespmem:v41+s16+$0x0], $0xffff  }
0x3fe: {  	v48 =	vor.u32 s22, v63;
	v38 =	vld.idx.msk [tilespmem:v38+s16+$0x0], $0xffff  }
0x3ff: {  	v50 =	vor.u32 s22, v7;
	v39 =	vld.idx.msk [tilespmem:v39+s16+$0x0], $0xffff  }
0x400: {  	v37 =	vld.idx.msk [tilespmem:v37+s16+$0x0], $0xffff  }
0x401: {  	v34 =	vor.u32 s22, v34;
	v49 =	vld.idx.msk [tilespmem:v55+s16+$0x0], $0xffff  }
0x402: {  	v40 =	vor.u32 s22, v53;
	v47 =	vld.idx.msk [tilespmem:v47+s16+$0x0], $0xffff  }
0x403: {  	v41 =	vor.u32 s22, v54;
	v48 =	vld.idx.msk [tilespmem:v48+s16+$0x0], $0xffff  }
0x404: {  	v42 =	vor.u32 s22, v42;
	v50 =	vld.idx.msk [tilespmem:v50+s16+$0x0], $0xffff  }
0x405: {  	v43 =	vor.u32 s22, v43;
	v53 =	vor.u32 s24, v56;
	v56 =	vld [tilespmem:$0x1FDE0]  }
0x406: {  	v45 =	vor.u32 s22, v45;
	v44 =	vld.idx.msk [tilespmem:v34+s16+$0x0], $0xffff  }
0x407: {  	v46 =	vor.u32 s22, v46;
	v40 =	vld.idx.msk [tilespmem:v40+s16+$0x0], $0xffff  }
0x408: {  	v51 =	vor.u32 s22, v51;
	v41 =	vld.idx.msk [tilespmem:v41+s16+$0x0], $0xffff;
	v34 =	vor.u32 $0x30, v9  }
0x409: {  	v42 =	vld.idx.msk [tilespmem:v42+s16+$0x0], $0xffff;
	v17 =	vor.u32 v34, v17  }
0x40a: {  	v43 =	vld.idx.msk [tilespmem:v43+s16+$0x0], $0xffff  }
0x40b: {  	v45 =	vld.idx.msk [tilespmem:v45+s16+$0x0], $0xffff  }
0x40c: {  	v46 =	vld.idx.msk [tilespmem:v46+s16+$0x0], $0xffff  }
0x40d: {  	v52 =	vor.u32 s24, v11;
	v51 =	vld.idx.msk [tilespmem:v51+s16+$0x0], $0xffff  }
0x40e: {  	v18 =	vor.u32 v34, v18;
	[tilespmem:v17+s18+$0x0] =	vst.idx.msk $0xffff, v36;
	v17 =	vor.u32 v34, v24;
	v24 =	vld [tilespmem:$0x1FDF0]  }
0x40f: {  	v19 =	vor.u32 v34, v19  }
0x410: {  	v54 =	vor.u32 s24, v57;
	v20 =	vor.u32 v34, v20  }
0x411: {  	v55 =	vor.u32 s24, v60;
	v23 =	vor.u32 v34, v23  }
0x412: {  	v56 =	vor.u32 s24, v56;
	v36 =	vld.idx.msk [tilespmem:v52+s16+$0x0], $0xffff  }
0x413: {  	[tilespmem:v18+s18+$0x0] =	vst.idx.msk $0xffff, v38;
	v18 =	vor.u32 v34, v28;
	v28 =	vld [tilespmem:$0x1FE00];
	v24 =	vor.u32 s24, v24  }
0x414: {  	v38 =	vld.idx.msk [tilespmem:v53+s16+$0x0], $0xffff;
	[tilespmem:v19+s18+$0x0] =	vst.idx.msk $0xffff, v39  }
0x415: {  	v39 =	vld.idx.msk [tilespmem:v54+s16+$0x0], $0xffff;
	[tilespmem:v20+s18+$0x0] =	vst.idx.msk $0xffff, v37  }
0x416: {  	v37 =	vld.idx.msk [tilespmem:v55+s16+$0x0], $0xffff;
	[tilespmem:v23+s18+$0x0] =	vst.idx.msk $0xffff, v44  }
0x417: {  	v44 =	vld.idx.msk [tilespmem:v56+s16+$0x0], $0xffff;
	[tilespmem:v17+s18+$0x0] =	vst.idx.msk $0xffff, v40  }
0x418: {  	v28 =	vor.u32 s24, v28;
	v40 =	vld.idx.msk [tilespmem:v24+s16+$0x0], $0xffff  }
0x419: {  	[tilespmem:v18+s18+$0x0] =	vst.idx.msk $0xffff, v41;
	v18 =	vld [tilespmem:$0x1FE80];
	_ =	sdelay $0x2  }
0x41a: {  	v19 =	vor.u32 v34, v29;
	v29 =	vld [tilespmem:$0x1FE10]  }
0x41b: {  	v41 =	vld.idx.msk [tilespmem:v28+s16+$0x0], $0xffff  }
0x41c: {  	v28 =	vor.u32 s24, v18;
	v18 =	vld [tilespmem:$0x1FE40];
	_ =	sdelay $0x2  }
0x41d: {  	v20 =	vor.u32 v34, v30;
	v30 =	vld [tilespmem:$0x1FE20];
	v29 =	vor.u32 s24, v29;
	_ =	sdelay $0x1  }
0x41e: {  	v52 =	vor.u32 s24, v18;
	v18 =	vld [tilespmem:$0x1FE60]  }
0x41f: {  	v23 =	vor.u32 v34, v31;
	v31 =	vld [tilespmem:$0x1FE30]  }
0x420: {  	v24 =	vld [tilespmem:$0x1FE50];
	[tilespmem:v19+s18+$0x0] =	vst.idx.msk $0xffff, v42  }
0x421: {  	v17 =	vmov s24;
	v30 =	vor.u32 s24, v30;
	v42 =	vld.idx.msk [tilespmem:v29+s16+$0x0], $0xffff  }
0x422: {  	[tilespmem:v20+s18+$0x0] =	vst.idx.msk $0xffff, v43;
	v43 =	vshll.u32 v17, $0x7;
	v17 =	vld [tilespmem:$0x1FEA0]  }
0x423: {  	v29 =	vor.u32 s24, v18;
	v18 =	vld [tilespmem:$0x1FE90];
	_ =	sdelay $0x2  }
0x424: {  	v54 =	vld.idx.msk [tilespmem:v30+s16+$0x0], $0xffff  }
0x425: {  	v32 =	vor.u32 v34, v32;
	v31 =	vor.u32 s24, v31;
	v30 =	vor.u32 s24, v17;
	v17 =	vld [tilespmem:$0x1FEF0]  }
0x426: {  	v27 =	vor.u32 v34, v27;
	v24 =	vor.u32 s24, v24;
	v57 =	vor.u32 s24, v18;
	v18 =	vld [tilespmem:$0x1FE70]  }
0x427: {  	v26 =	vor.u32 v34, v26;
	v19 =	vld [tilespmem:$0x1FEB0]  }
0x428: {  	v25 =	vor.u32 v34, v25;
	v20 =	vld [tilespmem:$0x1FBB0]  }
0x429: {  	v21 =	vor.u32 v34, v21;
	[tilespmem:v23+s18+$0x0] =	vst.idx.msk $0xffff, v49;
	v23 =	vld [tilespmem:$0x1FEC0]  }
0x42a: {  	v22 =	vor.u32 v34, v22;
	v49 =	vld.idx.msk [tilespmem:v31+s16+$0x0], $0xffff;
	[tilespmem:v32+s18+$0x0] =	vst.idx.msk $0xffff, v45;
	v17 =	vor.u32 v17, v43  }
0x42b: {  	v45 =	vld.idx.msk [tilespmem:v24+s16+$0x0], $0xffff;
	[tilespmem:v27+s18+$0x0] =	vst.idx.msk $0xffff, v46;
	v31 =	vor.u32 v9, v17;
	v18 =	vor.u32 v18, v43  }
0x42c: {  	v19 =	vor.u32 v19, v43;
	v46 =	vld.idx.msk [tilespmem:v28+s16+$0x0], $0xffff;
	[tilespmem:v26+s18+$0x0] =	vst.idx.msk $0xffff, v47;
	v27 =	vor.u32 v9, v18  }
0x42d: {  	v20 =	vor.u32 v20, v43;
	v26 =	vor.u32 v9, v19;
	v47 =	vld.idx.msk [tilespmem:v52+s16+$0x0], $0xffff;
	[tilespmem:v25+s18+$0x0] =	vst.idx.msk $0xffff, v48  }
0x42e: {  	v23 =	vor.u32 v23, v43;
	v25 =	vor.u32 v9, v20;
	v48 =	vld.idx.msk [tilespmem:v29+s16+$0x0], $0xffff;
	[tilespmem:v21+s18+$0x0] =	vst.idx.msk $0xffff, v50  }
0x42f: {  	v21 =	vor.u32 v9, v23;
	v50 =	vld.idx.msk [tilespmem:v57+s16+$0x0], $0xffff;
	[tilespmem:v22+s18+$0x0] =	vst.idx.msk $0xffff, v51  }
0x430: {  	v51 =	vld.idx.msk [tilespmem:v30+s16+$0x0], $0xffff;
	[tilespmem:v31+s18+$0x0] =	vst.idx.msk $0xffff, v36  }
0x431: {  	[tilespmem:v27+s18+$0x0] =	vst.idx.msk $0xffff, v38  }
0x432: {  	[tilespmem:v26+s18+$0x0] =	vst.idx.msk $0xffff, v39  }
0x433: {  	[tilespmem:v25+s18+$0x0] =	vst.idx.msk $0xffff, v37  }
0x434: {  	[tilespmem:v21+s18+$0x0] =	vst.idx.msk $0xffff, v44;
	v21 =	vld [tilespmem:$0x1FB70];
	_ =	sdelay $0x3  }
0x435: {  	v27 =	vld [tilespmem:$0x1FBA0]  }
0x436: {  	v32 =	vor.u32 v21, v43;
	v21 =	vld [tilespmem:$0x1FB60];
	_ =	sdelay $0x2  }
0x437: {  	v24 =	vld [tilespmem:$0x1FED0];
	_ =	sdelay $0x1  }
0x438: {  	v29 =	vor.u32 v27, v43;
	v27 =	vor.u32 v21, v43;
	v21 =	vld [tilespmem:$0x1FB50];
	_ =	sdelay $0x1  }
0x439: {  	v25 =	vld [tilespmem:$0x1FB80]  }
0x43a: {  	v24 =	vor.u32 v24, v43  }
0x43b: {  	v28 =	vor.u32 v62, v43;
	v22 =	vor.u32 v9, v24  }
0x43c: {  	v53 =	vor.u32 v9, v28;
	v26 =	vor.u32 v21, v43;
	v21 =	vld [tilespmem:$0x1FB40]  }
0x43d: {  	v30 =	vor.u32 v59, v43;
	v55 =	vor.u32 v9, v29  }
0x43e: {  	v56 =	vor.u32 v9, v30;
	v31 =	vor.u32 v25, v43  }
0x43f: {  	v57 =	vor.u32 v9, v31  }
0x440: {  	[tilespmem:v22+s18+$0x0] =	vst.idx.msk $0xffff, v40;
	v44 =	vor.u32 v9, v32  }
0x441: {  	[tilespmem:v53+s18+$0x0] =	vst.idx.msk $0xffff, v41;
	v52 =	vor.u32 v9, v27;
	v25 =	vor.u32 v21, v43;
	v21 =	vld [tilespmem:$0x1FB30]  }
0x442: {  	v22 =	vld [tilespmem:$0x1FB20];
	[tilespmem:v55+s18+$0x0] =	vst.idx.msk $0xffff, v42;
	v53 =	vor.u32 v9, v26  }
0x443: {  	[tilespmem:v56+s18+$0x0] =	vst.idx.msk $0xffff, v54;
	v54 =	vld [tilespmem:$0x1FC30]  }
0x444: {  	[tilespmem:v57+s18+$0x0] =	vst.idx.msk $0xffff, v49;
	v49 =	vld [tilespmem:$0x1FC10]  }
0x445: {  	[tilespmem:v44+s18+$0x0] =	vst.idx.msk $0xffff, v45;
	v45 =	vld [tilespmem:$0x1FBD0];
	v55 =	vor.u32 v9, v25  }
0x446: {  	[tilespmem:v52+s18+$0x0] =	vst.idx.msk $0xffff, v46;
	v52 =	vld [tilespmem:$0x1FF60];
	v21 =	vor.u32 v21, v43  }
0x447: {  	[tilespmem:v53+s18+$0x0] =	vst.idx.msk $0xffff, v47;
	v47 =	vld [tilespmem:$0x1FBF0];
	v56 =	vor.u32 v9, v21  }
0x448: {  	v22 =	vor.u32 v22, v43;
	v53 =	vld [tilespmem:$0x1FF50]  }
0x449: {  	v57 =	vor.u32 v9, v22;
	v43 =	vld [tilespmem:$0x1FD50]  }
0x44a: {  	v44 =	vor.u32 s24, v6;
	[tilespmem:v55+s18+$0x0] =	vst.idx.msk $0xffff, v48;
	v48 =	vld [tilespmem:$0x1FC00]  }
0x44b: {  	v37 =	vor.u32 s24, v45;
	v55 =	vld [tilespmem:$0x1FC40]  }
0x44c: {  	v46 =	vor.u32 s24, v5;
	[tilespmem:v56+s18+$0x0] =	vst.idx.msk $0xffff, v50;
	v50 =	vld [tilespmem:$0x1FC20]  }
0x44d: {  	v40 =	vor.u32 s24, v47;
	v56 =	vld [tilespmem:$0x1FC50]  }
0x44e: {  	v42 =	vor.u32 s24, v49;
	[tilespmem:v57+s18+$0x0] =	vst.idx.msk $0xffff, v51;
	v51 =	vld [tilespmem:$0x1FF70]  }
0x44f: {  	v45 =	vor.u32 s24, v52;
	v38 =	vld.idx.msk [tilespmem:v44+s16+$0x0], $0xffff  }
0x450: {  	v37 =	vld.idx.msk [tilespmem:v37+s16+$0x0], $0xffff  }
0x451: {  	v47 =	vor.u32 s24, v54;
	v39 =	vld.idx.msk [tilespmem:v46+s16+$0x0], $0xffff  }
0x452: {  	v36 =	vor.u32 s24, v43;
	v40 =	vld.idx.msk [tilespmem:v40+s16+$0x0], $0xffff  }
0x453: {  	v41 =	vor.u32 s24, v48;
	v42 =	vld.idx.msk [tilespmem:v42+s16+$0x0], $0xffff  }
0x454: {  	v48 =	vor.u32 s24, v55;
	v45 =	vld.idx.msk [tilespmem:v45+s16+$0x0], $0xffff  }
0x455: {  	v57 =	vor.u32 s24, v4;
	v49 =	vor.u32 s24, v56;
	v56 =	vld [tilespmem:$0x1FC70]  }
0x456: {  	v46 =	vor.u32 s24, v53;
	v47 =	vld.idx.msk [tilespmem:v47+s16+$0x0], $0xffff  }
0x457: {  	v36 =	vld.idx.msk [tilespmem:v36+s16+$0x0], $0xffff;
	v43 =	vor.u32 s24, v50  }
0x458: {  	v41 =	vld.idx.msk [tilespmem:v41+s16+$0x0], $0xffff  }
0x459: {  	v48 =	vld.idx.msk [tilespmem:v48+s16+$0x0], $0xffff;
	v44 =	vor.u32 s24, v51  }
0x45a: {  	v52 =	vor.u32 v15, v17;
	v50 =	vld.idx.msk [tilespmem:v57+s16+$0x0], $0xffff;
	v51 =	vor.u32 s24, v56  }
0x45b: {  	v53 =	vor.u32 v15, v18;
	v46 =	vld.idx.msk [tilespmem:v46+s16+$0x0], $0xffff  }
0x45c: {  	v54 =	vor.u32 v15, v19;
	v43 =	vld.idx.msk [tilespmem:v43+s16+$0x0], $0xffff  }
0x45d: {  	v55 =	vor.u32 v15, v20;
	v49 =	vld.idx.msk [tilespmem:v49+s16+$0x0], $0xffff  }
0x45e: {  	v56 =	vor.u32 v15, v23;
	v44 =	vld.idx.msk [tilespmem:v44+s16+$0x0], $0xffff  }
0x45f: {  	v51 =	vld.idx.msk [tilespmem:v51+s16+$0x0], $0xffff;
	[tilespmem:v52+s18+$0x0] =	vst.idx.msk $0xffff, v36;
	v36 =	vor.u32 v15, v24  }
0x460: {  	v57 =	vor.u32 v15, v28;
	[tilespmem:v53+s18+$0x0] =	vst.idx.msk $0xffff, v38  }
0x461: {  	v52 =	vor.u32 v15, v29;
	[tilespmem:v54+s18+$0x0] =	vst.idx.msk $0xffff, v37  }
0x462: {  	v53 =	vor.u32 v15, v30;
	[tilespmem:v55+s18+$0x0] =	vst.idx.msk $0xffff, v39  }
0x463: {  	v54 =	vor.u32 v15, v31;
	[tilespmem:v56+s18+$0x0] =	vst.idx.msk $0xffff, v40  }
0x464: {  	v55 =	vor.u32 v15, v32;
	[tilespmem:v36+s18+$0x0] =	vst.idx.msk $0xffff, v41  }
0x465: {  	v56 =	vor.u32 v15, v27;
	[tilespmem:v57+s18+$0x0] =	vst.idx.msk $0xffff, v42  }
0x466: {  	v57 =	vor.u32 v15, v26;
	[tilespmem:v52+s18+$0x0] =	vst.idx.msk $0xffff, v43  }
0x467: {  	[tilespmem:v53+s18+$0x0] =	vst.idx.msk $0xffff, v44;
	v44 =	vor.u32 v15, v25  }
0x468: {  	v53 =	vld [tilespmem:$0x1FCB0];
	[tilespmem:v54+s18+$0x0] =	vst.idx.msk $0xffff, v45;
	v45 =	vor.u32 v15, v21  }
0x469: {  	[tilespmem:v55+s18+$0x0] =	vst.idx.msk $0xffff, v46;
	v46 =	vor.u32 v15, v22  }
0x46a: {  	v54 =	vor.u32 s24, v58;
	[tilespmem:v56+s18+$0x0] =	vst.idx.msk $0xffff, v47  }
0x46b: {  	v52 =	vld [tilespmem:$0x1FF10];
	v55 =	vor.u32 s24, v16;
	[tilespmem:v57+s18+$0x0] =	vst.idx.msk $0xffff, v48  }
0x46c: {  	v47 =	vld [tilespmem:$0x1FD60];
	[tilespmem:v44+s18+$0x0] =	vst.idx.msk $0xffff, v49  }
0x46d: {  	v56 =	vor.u32 s24, v14;
	v41 =	vor.u32 s24, v53;
	v53 =	vld [tilespmem:$0x1FF00];
	[tilespmem:v45+s18+$0x0] =	vst.idx.msk $0xffff, v50  }
0x46e: {  	v50 =	vld [tilespmem:$0x1FCA0];
	[tilespmem:v46+s18+$0x0] =	vst.idx.msk $0xffff, v51  }
0x46f: {  	v42 =	vld.idx.msk [tilespmem:v54+s16+$0x0], $0xffff  }
0x470: {  	v48 =	vor.u32 s24, v3;
	v43 =	vld.idx.msk [tilespmem:v55+s16+$0x0], $0xffff  }
0x471: {  	v36 =	vor.u32 s24, v52;
	v54 =	vld [tilespmem:$0x1FF40]  }
0x472: {  	v57 =	vor.u32 s24, v13;
	v44 =	vld.idx.msk [tilespmem:v56+s16+$0x0], $0xffff  }
0x473: {  	v55 =	vld [tilespmem:$0x1FF30]  }
0x474: {  	v52 =	vor.u32 s24, v12;
	v56 =	vld [tilespmem:$0x1FEE0]  }
0x475: {  	v49 =	vor.u32 s24, v10;
	v37 =	vld.idx.msk [tilespmem:v48+s16+$0x0], $0xffff  }
0x476: {  	v45 =	vld.idx.msk [tilespmem:v36+s16+$0x0], $0xffff  }
0x477: {  	v38 =	vor.u32 s24, v47;
	v40 =	vor.u32 s24, v50;
	v50 =	vld.idx.msk [tilespmem:v57+s16+$0x0], $0xffff  }
0x478: {  	v47 =	vor.u32 s24, v53;
	v57 =	vld [tilespmem:$0x1FF20]  }
0x479: {  	v46 =	vld.idx.msk [tilespmem:v52+s16+$0x0], $0xffff  }
0x47a: {  	v39 =	vld.idx.msk [tilespmem:v49+s16+$0x0], $0xffff;
	v48 =	vor.u32 s24, v54  }
0x47b: {  	v41 =	vld.idx.msk [tilespmem:v41+s16+$0x0], $0xffff;
	v49 =	vor.u32 s24, v55  }
0x47c: {  	v38 =	vld.idx.msk [tilespmem:v38+s16+$0x0], $0xffff;
	v36 =	vor.u32 s24, v56  }
0x47d: {  	v52 =	vor.u32 v33, v17;
	v47 =	vld.idx.msk [tilespmem:v47+s16+$0x0], $0xffff;
	v51 =	vor.u32 s24, v57  }
0x47e: {  	v53 =	vor.u32 v33, v18;
	v40 =	vld.idx.msk [tilespmem:v40+s16+$0x0], $0xffff  }
0x47f: {  	v54 =	vor.u32 v33, v19;
	v48 =	vld.idx.msk [tilespmem:v48+s16+$0x0], $0xffff  }
0x480: {  	v55 =	vor.u32 v33, v20;
	v49 =	vld.idx.msk [tilespmem:v49+s16+$0x0], $0xffff  }
0x481: {  	v57 =	vor.u32 v33, v23;
	v56 =	vld.idx.msk [tilespmem:v36+s16+$0x0], $0xffff  }
0x482: {  	v36 =	vld.idx.msk [tilespmem:v51+s16+$0x0], $0xffff;
	[tilespmem:v52+s18+$0x0] =	vst.idx.msk $0xffff, v38;
	v51 =	vor.u32 v33, v24  }
0x483: {  	v52 =	vor.u32 v33, v28;
	[tilespmem:v53+s18+$0x0] =	vst.idx.msk $0xffff, v37  }
0x484: {  	v53 =	vor.u32 v33, v29;
	[tilespmem:v54+s18+$0x0] =	vst.idx.msk $0xffff, v39  }
0x485: {  	v54 =	vor.u32 v33, v30;
	[tilespmem:v55+s18+$0x0] =	vst.idx.msk $0xffff, v40  }
0x486: {  	v55 =	vor.u32 v33, v31;
	[tilespmem:v57+s18+$0x0] =	vst.idx.msk $0xffff, v45  }
0x487: {  	[tilespmem:v51+s18+$0x0] =	vst.idx.msk $0xffff, v41;
	v51 =	vor.u32 v33, v32  }
0x488: {  	[tilespmem:v52+s18+$0x0] =	vst.idx.msk $0xffff, v42;
	v52 =	vor.u32 v33, v27  }
0x489: {  	[tilespmem:v53+s18+$0x0] =	vst.idx.msk $0xffff, v43;
	v53 =	vor.u32 v33, v26  }
0x48a: {  	[tilespmem:v54+s18+$0x0] =	vst.idx.msk $0xffff, v44;
	v54 =	vor.u32 v33, v25  }
0x48b: {  	p2 =	sne.s32 s24, $0x70;
	[tilespmem:v55+s18+$0x0] =	vst.idx.msk $0xffff, v50;
	v55 =	vor.u32 v33, v21  }
.Ltmp7:
0x48c: {  	[tilespmem:v51+s18+$0x0] =	vst.idx.msk $0xffff, v46;
	(pc) =	sbr.rel @p2 .LBB2_8-.Ltmp7, $4  }
0x48d: {  	[tilespmem:v52+s18+$0x0] =	vst.idx.msk $0xffff, v47  }
0x48e: {  	s22 =	smov.u32 s24;
	[tilespmem:v53+s18+$0x0] =	vst.idx.msk $0xffff, v48  }
0x48f: {  	v38 =	vor.u32 s24, v0;
	v37 =	vor.u32 s22, v1;
	v57 =	vld [tilespmem:$0x1FD30];
	[tilespmem:v54+s18+$0x0] =	vst.idx.msk $0xffff, v49  }
0x490: {  	v39 =	vor.u32 s24, v2;
	v40 =	vor.u32 v33, v22;
	v41 =	vor.u32 s24, v35;
	s24 =	sadd.s32 $0x10, s24;
	[tilespmem:v55+s18+$0x0] =	vst.idx.msk $0xffff, v56;
	v56 =	vld [tilespmem:$0x1FD20]  }
0x491: {  	_ =	sdelay $0x3  }
0x492: {  	[tilespmem:v40+s18+$0x0] =	vst.idx.msk $0xffff, v36  }
0x493: {  	v33 =	vld [tilespmem:$0x1FDC0]  }
0x494: {  	v35 =	vld.idx.msk [tilespmem:v41+s16+$0x0], $0xffff  }
0x495: {  	v36 =	vld [tilespmem:$0x1FD70]  }
0x496: {  	v38 =	vld.idx.msk [tilespmem:v38+s16+$0x0], $0xffff  }
0x497: {  	v40 =	vld [tilespmem:$0x1FD80]  }
0x498: {  	v39 =	vld.idx.msk [tilespmem:v39+s16+$0x0], $0xffff  }
0x499: {  	v54 =	vld [tilespmem:$0x1FDD0]  }
0x49a: {  	v43 =	vor.u32 s22, v61;
	v37 =	vld.idx.msk [tilespmem:v37+s16+$0x0], $0xffff  }
0x49b: {  	v46 =	vor.u32 s22, v8;
	v53 =	vld [tilespmem:$0x1FD90]  }
0x49c: {  	v47 =	vor.u32 s22, v63;
	v52 =	vld [tilespmem:$0x1FDA0]  }
0x49d: {  	v48 =	vor.u32 s22, v7;
	v51 =	vld [tilespmem:$0x1FDB0]  }
0x49e: {  	v50 =	vld [tilespmem:$0x1FD40];
	v33 =	vor.u32 s22, v33  }
0x49f: {  	v43 =	vld.idx.msk [tilespmem:v43+s16+$0x0], $0xffff;
	v36 =	vor.u32 s22, v36  }
0x4a0: {  	v46 =	vld.idx.msk [tilespmem:v46+s16+$0x0], $0xffff;
	v40 =	vor.u32 s22, v40  }
0x4a1: {  	v47 =	vld.idx.msk [tilespmem:v47+s16+$0x0], $0xffff;
	v59 =	vor.u32 s22, v54  }
0x4a2: {  	v48 =	vld.idx.msk [tilespmem:v48+s16+$0x0], $0xffff;
	v42 =	vor.u32 s22, v53  }
0x4a3: {  	v44 =	vor.u32 s22, v52;
	v33 =	vld.idx.msk [tilespmem:v33+s16+$0x0], $0xffff  }
0x4a4: {  	v45 =	vor.u32 s22, v51;
	v36 =	vld.idx.msk [tilespmem:v36+s16+$0x0], $0xffff  }
0x4a5: {  	v17 =	vor.u32 v34, v17;
	v49 =	vor.u32 s22, v50;
	v40 =	vld.idx.msk [tilespmem:v40+s16+$0x0], $0xffff  }
0x4a6: {  	v18 =	vor.u32 v34, v18;
	v41 =	vld.idx.msk [tilespmem:v59+s16+$0x0], $0xffff  }
0x4a7: {  	v19 =	vor.u32 v34, v19;
	v42 =	vld.idx.msk [tilespmem:v42+s16+$0x0], $0xffff  }
0x4a8: {  	v20 =	vor.u32 v34, v20;
	v44 =	vld.idx.msk [tilespmem:v44+s16+$0x0], $0xffff  }
0x4a9: {  	v23 =	vor.u32 v34, v23;
	v45 =	vld.idx.msk [tilespmem:v45+s16+$0x0], $0xffff  }
0x4aa: {  	v49 =	vld.idx.msk [tilespmem:v49+s16+$0x0], $0xffff;
	[tilespmem:v17+s18+$0x0] =	vst.idx.msk $0xffff, v35;
	v17 =	vor.u32 v34, v24  }
0x4ab: {  	[tilespmem:v18+s18+$0x0] =	vst.idx.msk $0xffff, v38;
	v18 =	vor.u32 v34, v28  }
0x4ac: {  	[tilespmem:v19+s18+$0x0] =	vst.idx.msk $0xffff, v39;
	v19 =	vor.u32 v34, v29  }
0x4ad: {  	[tilespmem:v20+s18+$0x0] =	vst.idx.msk $0xffff, v37;
	v20 =	vor.u32 v34, v30  }
0x4ae: {  	[tilespmem:v23+s18+$0x0] =	vst.idx.msk $0xffff, v33;
	v23 =	vor.u32 v34, v31  }
0x4af: {  	[tilespmem:v17+s18+$0x0] =	vst.idx.msk $0xffff, v36;
	v17 =	vor.u32 v34, v32  }
0x4b0: {  	[tilespmem:v18+s18+$0x0] =	vst.idx.msk $0xffff, v40;
	v18 =	vor.u32 v34, v27  }
0x4b1: {  	[tilespmem:v19+s18+$0x0] =	vst.idx.msk $0xffff, v41;
	v19 =	vor.u32 v34, v26  }
0x4b2: {  	[tilespmem:v20+s18+$0x0] =	vst.idx.msk $0xffff, v42;
	v20 =	vor.u32 v34, v25  }
0x4b3: {  	v21 =	vor.u32 v34, v21;
	[tilespmem:v23+s18+$0x0] =	vst.idx.msk $0xffff, v43  }
0x4b4: {  	[tilespmem:v17+s18+$0x0] =	vst.idx.msk $0xffff, v44;
	v17 =	vor.u32 v34, v22  }
0x4b5: {  	[tilespmem:v18+s18+$0x0] =	vst.idx.msk $0xffff, v45  }
0x4b6: {  	[tilespmem:v19+s18+$0x0] =	vst.idx.msk $0xffff, v46  }
0x4b7: {  	[tilespmem:v20+s18+$0x0] =	vst.idx.msk $0xffff, v47  }
0x4b8: {  	[tilespmem:v21+s18+$0x0] =	vst.idx.msk $0xffff, v48  }
0x4b9: {  	[tilespmem:v17+s18+$0x0] =	vst.idx.msk $0xffff, v49  }
0x4ba: {  	v21 =	vld [tilespmem:$0x1FDE0]  }
0x4bb: {  	v23 =	vld [tilespmem:$0x1FDF0]  }
0x4bc: {  	v24 =	vld [tilespmem:$0x1FE00]  }
0x4bd: {  	v28 =	vld [tilespmem:$0x1FE10]  }
0x4be: {  	v29 =	vld [tilespmem:$0x1FE20]  }
0x4bf: {  	v30 =	vld [tilespmem:$0x1FE30]  }
0x4c0: {  	v31 =	vld [tilespmem:$0x1FE50]  }
0x4c1: {  	v32 =	vld [tilespmem:$0x1FE80]  }
0x4c2: {  	v36 =	vld [tilespmem:$0x1FE40]  }
0x4c3: {  	v37 =	vld [tilespmem:$0x1FE60]  }
0x4c4: {  	v39 =	vld [tilespmem:$0x1FE90]  }
0x4c5: {  	v40 =	vld [tilespmem:$0x1FEA0]  }
0x4c6: {  	v47 =	vld [tilespmem:$0x1FEC0]  }
0x4c7: {  	v59 =	vmov v62;
	v62 =	vld [tilespmem:$0x1FEB0]  }
0x4c8: {  	v49 =	vld [tilespmem:$0x1FE70]  }
0x4c9: {  	v5 =	vld [tilespmem:$0x1FF70]  }
0x4ca: {  	v45 =	vld [tilespmem:$0x1FF60]  }
0x4cb: {  	v42 =	vld [tilespmem:$0x1FF50]  }
0x4cc: {  	v6 =	vld [tilespmem:$0x1FF10]  }
0x4cd: {  	v13 =	vld [tilespmem:$0x1FED0]  }
0x4ce: {  	v58 =	vld [tilespmem:$0x1FF00]  }
0x4cf: {  	v8 =	vld [tilespmem:$0x1FF40]  }
0x4d0: {  	v22 =	vld [tilespmem:$0x1FF30]  }
.Ltmp8:
0x4d1: {  	v43 =	vld [tilespmem:$0x1FEE0];
	(pc) =	sbr.rel .LBB2_10-.Ltmp8, $4  }
0x4d2: {  	v63 =	vld [tilespmem:$0x1FF20]  }
0x4d3: {  	s31 =	sshll.u32 s23, $0xB;
	v4 =	vld [tilespmem:$0x1FEF0]  }
0x4d4: {  	s22 =	sadd.s32 s6, s31;
	v18 =	vld [tilespmem:$0x1FD50]  }
0x4d5: {  	v55 =	vmovc v60;
	v3 =	vmovc v14;
	v44 =	vmov v12;
	v48 =	vmov v2;
	v2 =	vmov v7;
	[hbm4b:s22+s3] =	stream.linear.scatter [tilespmem:s18], [sflag:$0x4], $0x4000, $0x38;
	v53 =	vld [tilespmem:$0x1FD60]  }
.LBB2_12:
0x4d6: {  	_ =	sfence.sel $0x180000  }
0x4d7: {  	[bflag:$0x0] =	sbarrier.arrive $0xFFFF  }
0x4d8: {  	p0 =	sne.s32 s2, $0x0;
	_ =	strace $0x90000047  }
0x4d9: {  	s0 =	sadd.s32 @!p0 $0x100000, s1;
	[bflag:$0x2] =	sbarrier.arrive $0xFFFF  }
0x4da: {  	[sflag:s0] =	ssyncadd.tile.s32 @!p0 $0x1;
	_ =	shalt  }
.Lfunc_end2:
_tile_overlayer_lowered:
.L_overlay_start_2:
0x4db: {  	(tag) =	ssettag $0x2  }
0x4dc: {  	s0 =	rddreg [dreg:$0x0];
	s2 =	stileid.u32  }
0x4dd: {  	s1 =	rddreg [dreg:$0x1];
	p0 =	sne.s32 s2, $0x0  }
0x4de: {  	s3 =	rddreg [dreg:$0x2];
	[bflag:$0x3] =	sbarrier.arrive $0xFFFF;
	s2 =	simm.s32 @!p0 $0x1C05  }
0x4df: {  	[timem:s3], [sflag:s2] =	dma.local @!p0 [hbm:s0], s1  }
0x4e0: {  	s0 =	simm.s32 @!p0 $0x5  }
0x4e1: {  	_ =	swait.ge @!p0 [sflag:s0], s1  }
0x4e2: {  	s1 =	ssub.s32 @!p0 $0x0, s1;
	[sflag:s0] =	ssyncset.done @!p0 $0x0  }
0x4e3: {  	[sflag:s0] =	ssyncadd.s32 @!p0 s1  }
0x4e4: {  	[bflag:$0x3] =	sbarrier.arrive $0xFFFF  }
0x4e5: {  	_ =	shalt  }

// kernel: kernel.7.cloned.1.call-start
scs
__scs_entry_jumppad:
0x0: {  	(pc) =	sbr.rel $0x88, $3  }
0x1: {  	(tag) =	ssettag $0x0;
	lr =	simm.s32 $0x1  }
0x2: {  	[smem:$0x3F9F] =	sst lr;
	_ =	strace $0xD0000000  }
0x3: {  	_ = 	snop  }
0x4: {  	_ = 	snop  }
0x5: {  	_ = 	snop  }
0x6: {  	_ = 	snop  }
0x7: {  	_ = 	snop  }
__scs_overlays_trampoline_lowered:
0x8: {  	[smem:$0x3FAE] =	sst s0  }
0x9: {  	[smem:$0x3FAF] =	sst s1  }
0xa: {  	[smem:$0x3FB0] =	sst s2  }
0xb: {  	[smem:$0x3FB1] =	sst s3  }
0xc: {  	[smem:$0x3FB2] =	sst s4  }
0xd: {  	[smem:$0x3FB3] =	sst s5  }
0xe: {  	[smem:$0x3FB4] =	sst s6  }
0xf: {  	[smem:$0x3FB5] =	sst s7  }
0x10: {  	[smem:$0x3FB6] =	sst s8  }
0x11: {  	[smem:$0x3FB7] =	sst s9;
	s0 =	simm.s32 @!p0 $0x0  }
0x12: {  	s1 =	sld [smem:$0x3F9D];
	s0 =	simm.s32 @p0 $0x1  }
0x13: {  	[smem:$0x3FB8] =	sst s0;
	s0 =	simm.s32 @!p1 $0x0  }
0x14: {  	s2 =	sld [smem:$0x3F9C];
	s0 =	simm.s32 @p1 $0x1  }
0x15: {  	[smem:$0x3FB9] =	sst s0;
	s0 =	simm.s32 @!p2 $0x0  }
0x16: {  	s3 =	sld [smem:$0x3FDB];
	s0 =	simm.s32 @p2 $0x1  }
0x17: {  	s4 =	simm.s32 $0x1BF5;
	[smem:$0x3FBB] =	sst s0  }
0x18: {  	s0 =	sld [smem:$0x3F9E];
	_ =	swait.ge [sflag:s4], $0x0  }
0x19: {  	s7 =	sld [smem:$0x3F9F]  }
0x1a: {  	s8 =	sadd.s32 $0xFFFFE003, lr  }
0x1b: {  	s9 =	sadd.s32 $0xFFFFFEF7, lr;
	s5 =	simm.s32 $0xFFFFFFFF;
	p2 =	slt.u32 s8, $0xFFFFF086  }
0x1c: {  	p1 =	slt.u32 s9, $0xF7A;
	s5 =	simm.s32 @!p2 $0x0  }
0x1d: {  	s5 =	simm.s32 @p1 $0x1;
	p0 =	seq.s32 s7, s2  }
0x1e: {  	s7 =	smul.u32 @!p0 $0xF7A, s2;
	p2 =	seq.s32 @!p0 s5, $0x0  }
0x1f: {  	s9 =	smul.u32 $0xF7A, s1;
	s8 =	simm.s32 @!p0 $0x1BF5;
	p2 =	por !p2, p0  }
0x20: {  	[sflag:s8] =	ssyncset.s32 @!p0 $0xFFFFF086;
	s6 =	sadd.s32 @!p0 s3, s7;
	s7 =	simm.s32 @!p0 $0x108  }
0x21: {  	s3 =	sadd.s32 s3, s9;
	s6 =	sadd.s32 @!p0 $0x88, s6;
	s7 =	simm.s32 @p2 $0x1082  }
0x22: {  	[simem:s7], [sflag:s8] =	dma.local @!p0 [hbm:s6], $0xF7A  }
0x23: {  	s9 =	sor.u32 $0xD0000000, s2;
	s6 =	simm.s32 $0x108;
	_ =	swait.ge @!p0 [sflag:s8], $0x0  }
0x24: {  	s3 =	sadd.s32 $0x88, s3;
	s6 =	simm.s32 @!p1 $0x1082;
	[sflag:s4] =	ssyncset.s32 $0xFFFFF086  }
0x25: {  	[simem:s6], [sflag:s4] =	dma.local [hbm:s3], $0xF7A  }
0x26: {  	[smem:$0x3F9F] =	sst s1;
	(tag) =	ssettag s2;
	_ =	strace s9  }
0x27: {  	s1 =	sld [smem:$0x3FAF]  }
0x28: {  	s2 =	sld [smem:$0x3FB0]  }
0x29: {  	s4 =	sld [smem:$0x3FB2]  }
0x2a: {  	p0 =	seq.s32 s5, $0x0;
	s5 =	sld [smem:$0x3FB3]  }
0x2b: {  	s6 =	sld [smem:$0x3FB4]  }
0x2c: {  	s7 =	sld [smem:$0x3FB5]  }
0x2d: {  	s3 =	simm.s32 $0x108;
	s8 =	sld [smem:$0x3FB6]  }
0x2e: {  	s3 =	simm.s32 @!p0 $0x1082;
	s9 =	sld [smem:$0x3FB7]  }
0x2f: {  	lr =	sadd.s32 s0, s3;
	s0 =	sld [smem:$0x3FAE]  }
0x30: {  	s3 =	sld [smem:$0x3FB1]  }
0x31: {  	[smem:$0x3FBA] =	sst s10  }
0x32: {  	s10 =	sld [smem:$0x3FB8];
	_ =	sdelay $0x3  }
0x33: {  	p0 =	seq.s32 s10, $0x1;
	s10 =	sld [smem:$0x3FBA];
	_ =	sdelay $0x3  }
0x34: {  	[smem:$0x3FBA] =	sst s10  }
0x35: {  	s10 =	sld [smem:$0x3FB9];
	_ =	sdelay $0x3  }
0x36: {  	p1 =	seq.s32 s10, $0x1;
	s10 =	sld [smem:$0x3FBA];
	_ =	sdelay $0x3  }
0x37: {  	[smem:$0x3FBA] =	sst s10  }
0x38: {  	s10 =	sld [smem:$0x3FBB]  }
0x39: {  	_ = 	snop;
	(pc) =	sbr.ind lr, $3  }
0x3a: {  	_ = 	snop  }
0x3b: {  	_ = 	snop  }
0x3c: {  	p2 =	seq.s32 s10, $0x1;
	s10 =	sld [smem:$0x3FBA]  }
0x3d: {  	_ =	shalt  }
0x3e: {  	_ =	shalt  }
0x3f: {  	_ =	shalt  }
0x40: {  	_ =	shalt  }
0x41: {  	_ =	shalt  }
0x42: {  	_ =	shalt  }
0x43: {  	_ =	shalt  }
0x44: {  	_ =	shalt  }
0x45: {  	_ =	shalt  }
0x46: {  	_ =	shalt  }
0x47: {  	_ =	shalt  }
0x48: {  	_ =	shalt  }
0x49: {  	_ =	shalt  }
0x4a: {  	_ =	shalt  }
0x4b: {  	_ =	shalt  }
0x4c: {  	_ =	shalt  }
0x4d: {  	_ =	shalt  }
0x4e: {  	_ =	shalt  }
0x4f: {  	_ =	shalt  }
0x50: {  	_ =	shalt  }
0x51: {  	_ =	shalt  }
0x52: {  	_ =	shalt  }
0x53: {  	_ =	shalt  }
0x54: {  	_ =	shalt  }
0x55: {  	_ =	shalt  }
0x56: {  	_ =	shalt  }
0x57: {  	_ =	shalt  }
0x58: {  	_ =	shalt  }
0x59: {  	_ =	shalt  }
0x5a: {  	_ =	shalt  }
0x5b: {  	_ =	shalt  }
0x5c: {  	_ =	shalt  }
0x5d: {  	_ =	shalt  }
0x5e: {  	_ =	shalt  }
0x5f: {  	_ =	shalt  }
0x60: {  	_ =	shalt  }
0x61: {  	_ =	shalt  }
0x62: {  	_ =	shalt  }
0x63: {  	_ =	shalt  }
0x64: {  	_ =	shalt  }
0x65: {  	_ =	shalt  }
0x66: {  	_ =	shalt  }
0x67: {  	_ =	shalt  }
0x68: {  	_ =	shalt  }
0x69: {  	_ =	shalt  }
0x6a: {  	_ =	shalt  }
0x6b: {  	_ =	shalt  }
0x6c: {  	_ =	shalt  }
0x6d: {  	_ =	shalt  }
0x6e: {  	_ =	shalt  }
0x6f: {  	_ =	shalt  }
0x70: {  	_ =	shalt  }
0x71: {  	_ =	shalt  }
0x72: {  	_ =	shalt  }
0x73: {  	_ =	shalt  }
0x74: {  	_ =	shalt  }
0x75: {  	_ =	shalt  }
0x76: {  	_ =	shalt  }
0x77: {  	_ =	shalt  }
0x78: {  	_ =	shalt  }
0x79: {  	_ =	shalt  }
0x7a: {  	_ =	shalt  }
0x7b: {  	_ =	shalt  }
0x7c: {  	_ =	shalt  }
0x7d: {  	_ =	shalt  }
0x7e: {  	_ =	shalt  }
0x7f: {  	_ =	shalt  }
0x80: {  	_ =	shalt  }
0x81: {  	_ =	shalt  }
0x82: {  	_ =	shalt  }
0x83: {  	_ =	shalt  }
0x84: {  	_ =	shalt  }
0x85: {  	_ =	shalt  }
0x86: {  	_ =	shalt  }
0x87: {  	_ =	shalt  }
.Lfunc_end0:
.L_simem_size_0:
called_computation.2_lowered:
.L_overlay_start_0:
0x88: {  	s2 =	sld [smem:$0x3FD9]  }
0x89: {  	s3 =	sld [smem:$0x3FFE];
	_ =	sdelay $0x1  }
0x8a: {  	s1 =	srdreg.scid  }
0x8b: {  	s0 =	sand.u32 $0x1, s1  }
0x8c: {  	s17 =	sshll.u32 s0, $0xA;
	s2 =	sadd.s32 s3, s2  }
0x8d: {  	s2 =	sadd.s32 s2, s17  }
0x8e: {  	[smem:$0x3FC6] =	sst s2  }
0x8f: {  	_ = 	snop  }
0x90: {  	s2 =	sld [smem:$0x3FD0];
	(tm) =	ssettm $0x1  }
0x91: {  	s18 =	sld [smem:$0x3FFB];
	_ =	sdelay $0x3  }
0x92: {  	_ =	strace s18  }
0x93: {  	s3 =	sld [smem:$0x3FFC];
	_ =	sdelay $0x3  }
0x94: {  	_ =	strace s3  }
0x95: {  	s3 =	sld [smem:$0x3FFD];
	_ =	sdelay $0x3  }
0x96: {  	_ =	strace s3  }
0x97: {  	_ =	strace $0x8FFFFFFF  }
0x98: {  	s19 =	sld [smem:$0x3FDB];
	_ =	sdelay $0x1  }
0x99: {  	s4 =	simm.s32 $_scs_section_size  }
0x9a: {  	s5 =	simm.s32 $_size__tile_overlayer_lowered;
	s6 =	simm.s32 $_tile_overlayer_lowered  }
0x9b: {  	s22 =	simm.s32 $0x1BFF;
	s21 =	sshll.u32 s6, $0x1;
	s3 =	sadd.s32 s4, s19  }
0x9c: {  	s7 =	simm.s32 $0x0;
	s20 =	sshll.u32 s5, $0x1;
	s5 =	sadd.s32 s21, s3  }
0x9d: {  	[timem:s7], [sflag:s22] =	dma.local [hbm:s5], s20  }
0x9e: {  	_ =	swait.ge [sflag:s22], s20  }
0x9f: {  	s4 =	ssub.s32 $0x0, s20;
	[sflag:s22] =	ssyncset.done $0x0  }
0xa0: {  	[sflag:s22] =	ssyncadd.s32 s4;
	_ =	sdelay $0x1  }
0xa1: {  	s23 =	simm.s32 $0x1B8B  }
0xa2: {  	_ =	swait.ge [sflag:s23], $0x1  }
0xa3: {  	[sflag:s23] =	ssyncset.done $0x0  }
0xa4: {  	s25 =	simm.s32 $0x1B8E;
	s24 =	sld [smem:$0x3FFE];
	[sflag:s23] =	ssyncadd.s32 $0xFFFFFFFF  }
0xa5: {  	s26 =	simm.s32 $execute0_lowered;
	[smem:$0x3FD2] =	sst s25  }
0xa6: {  	s5 =	sshll.u32 s26, $0x1;
	_ =	strace $0x80000049;
	[dreg:$0x1] =	wrdreg $0xFFFFFFFF  }
0xa7: {  	s28 =	simm.s32 $_size_execute0_lowered;
	s3 =	sadd.s32 s3, s5;
	[dreg:$0x0] =	wrdreg $0x0  }
0xa8: {  	s5 =	sshll.u32 s28, $0x1;
	[dreg:$0x2] =	wrdreg s3  }
0xa9: {  	[dreg:$0x3] =	wrdreg s5  }
0xaa: {  	[dreg:$0x4] =	wrdreg $0xC0  }
0xab: {  	_ =	task [dreg:s7], $0x5FFFF  }
0xac: {  	[dreg:$0x1] =	wrdreg $0xFFFFFFFF  }
0xad: {  	[dreg:$0x0] =	wrdreg $0x60  }
0xae: {  	[dreg:$0x2] =	wrdreg s24  }
0xaf: {  	[dreg:$0x3] =	wrdreg s2  }
0xb0: {  	[dreg:$0x4] =	wrdreg $0x9  }
0xb1: {  	_ =	task.clear_ibuf [dreg:s7], $0x5FFFF;
	_ =	strace $0x90000049  }
0xb2: {  	s29 =	simm.s32 $0x9;
	_ =	strace $0x8000004B  }
0xb3: {  	_ =	swait.ge [sflag:s29], $0x1  }
0xb4: {  	[sflag:s29] =	ssyncadd.s32 $0xFFFFFFFF  }
0xb5: {  	_ =	strace $0x9000004B  }
0xb6: {  	_ =	sfence  }
0xb7: {  	s30 =	sld [smem:$0x0];
	_ =	sdelay $0x2  }
0xb8: {  	s31 =	sshll.u32 s1, $0xD;
	s1 =	sshrl.u32 s1, $0x2  }
0xb9: {  	s3 =	sand.u32 $0x4000, s31;
	s1 =	sadd.s32 s1, s30  }
0xba: {  	s0 =	sor.u32 s3, s0;
	s1 =	sshll.u32 s1, $0x11  }
0xbb: {  	s0 =	sor.u32 s1, s0  }
0xbc: {  	s0 =	sadd.s32 $0x8F2B, s0  }
0xbd: {  	[sflag:s0] =	ssyncadd.remote.s32 $0x1  }
0xbe: {  	_ =	sfence.sel $0xFFFF  }
0xbf: {  	[dreg:$0x0] =	wrdreg $0xFFFFFFFF;
	(pc) =	sbr.abs _section_cstart, $3  }
0xc0: {  	[dreg:$0x1] =	wrdreg $0xFFFFFFFF  }
0xc1: {  	_ =	task.clear_ibuf [dreg:s7], $0x2FFFF;
	_ =	strace $0x9FFFFFFF  }
0xc2: {  	(tm) =	ssettm $0x7FFFFFFF  }
0xc3: {  	_ =	shalt  }
tec
execute0_lowered:
.L_overlay_start_1:
0x0: {  	(tag) =	ssettag $0x1  }
0x1: {  	s0 =	rddreg [dreg:$0x0]  }
0x2: {  	s1 =	srdreg.scid;
	s9 =	stileid.u32  }
0x3: {  	s4 =	rddreg [dreg:$0x1];
	s2 =	simm.s32 $0x0;
	s12 =	simm.s32 $0xB  }
0x4: {  	s13 =	simm.s32 $0x80;
	s14 =	simm.s32 $0x6400;
	s15 =	simm.s32 $0xA400  }
0x5: {  	s17 =	simm.s32 $0xE400;
	s19 =	simm.s32 $0x12400;
	s21 =	simm.s32 $0x16400  }
0x6: {  	s22 =	simm.s32 $0x1;
	s28 =	simm.s32 $0x8;
	s29 =	simm.s32 $0x4  }
0x7: {  	s1 =	sand.u32 $0x1, s1;
	s3 =	sshll.u32 s9, $0x1;
	s25 =	smul.u32 $0xC8000, s9  }
0x8: {  	s3 =	sor.u32 s1, s3;
	s5 =	ssub.s32 $0x2, s1;
	s1 =	smul.u32 $0x64000, s1  }
0x9: {  	s30 =	simm.s32 $0x9;
	[smem:$0x7FF] =	sst s2;
	s6 =	smul.u32 $0x6400, s3  }
0xa: {  	s31 =	simm.s32 $0x5;
	_ =	strace $0x8000004A;
	s8 =	smul.u32 $0x320000, s3  }
0xb: {  	s7 =	sshrl.u32 s5, $0x1;
	s3 =	sadd.s32 $0x1200, s0;
	s0 =	sadd.s32 $0xF43600, s0  }
0xc: {  	s10 =	ssub.s32 s5, s7;
	s23 =	sshrl.u32 s6, $0x3;
	s24 =	sshrl.u32 s8, $0x3  }
0xd: {  	s10 =	smax.u32 s10, $0x1;
	s4 =	sadd.s32 s4, s23;
	s26 =	sadd.s32 s0, s24  }
0xe: {  	s0 =	sadd.s32 s25, s0;
	s23 =	simm.s32 $0x6;
	s24 =	simm.s32 $0x2  }
0xf: {  	s25 =	simm.s32 $0x7;
	[dreg:$0x3] =	wrdreg s4;
	s5 =	sadd.s32 $0x61800, s26  }
0x10: {  	s6 =	sadd.s32 $0x62000, s26;
	s7 =	sadd.s32 $0x62800, s26;
	s8 =	sadd.s32 $0x63000, s26  }
0x11: {  	s0 =	sadd.s32 s1, s0;
	s9 =	sadd.s32 $0x63800, s26;
	s26 =	simm.s32 $0x3  }
0x12: {  	s1 =	simm.s32 $0xA;
	s11 =	sadd.s32 $0x2000, s0;
	s0 =	simm.s32 $0x0  }
.LBB2_1:
0x13: {  	s4 =	rddreg [dreg:$0x3]  }
0x14: {  	[tilespmem:s2], [sflag:$0xB] =	stream.linear.gather [hbm4b:s4+s2], $0x6400, $0x38;
	[tilespmem:$0x1A400] =	vst v63  }
0x15: {  	_ =	swait.ge [sflag:s12], $0x6400  }
0x16: {  	[sflag:s12] =	ssyncset.done $0x0  }
0x17: {  	[sflag:s12] =	ssyncadd.s32 $0xFFFF9C00  }
0x18: {  	[tilespmem:s14], [sflag:$0x1] =	stream.indirect.gather [hbm4b:s3+s13], $0x80, s2, s13, $0xb8;
	[tilespmem:$0x1A400] =	vst v63  }
0x19: {  	_ = 	snop  }
0x1a: {  	[tilespmem:s15], [sflag:$0x2] =	stream.indirect.gather [hbm4b:s3+s13], $0x80, s13, s13, $0xb8;
	[tilespmem:$0x1A400] =	vst v63  }
0x1b: {  	s20 =	simm.s32 $0x100  }
0x1c: {  	[tilespmem:s17], [sflag:$0x3] =	stream.indirect.gather [hbm4b:s3+s13], $0x80, s20, s13, $0xb8;
	[tilespmem:$0x1A400] =	vst v63  }
0x1d: {  	s16 =	simm.s32 $0x180  }
0x1e: {  	[tilespmem:s19], [sflag:$0x4] =	stream.indirect.gather [hbm4b:s3+s13], $0x80, s16, s13, $0xb8;
	[tilespmem:$0x1A400] =	vst v63  }
0x1f: {  	s18 =	simm.s32 $0x200  }
0x20: {  	[tilespmem:s21], [sflag:$0x5] =	stream.indirect.gather [hbm4b:s3+s13], $0x80, s18, s13, $0xb8;
	[tilespmem:$0x1A400] =	vst v63  }
0x21: {  	_ =	swait.ge [sflag:s22], $0x4000  }
0x22: {  	[sflag:s22] =	ssyncset.done $0x0  }
0x23: {  	s16 =	sadd.s32 $0xFFFFE000, s11;
	[sflag:s22] =	ssyncadd.s32 $0xFFFFC000  }
0x24: {  	[hbm4b:s16+s2] =	stream.linear.scatter [tilespmem:s14], [sflag:$0x6], $0x4000, $0x38;
	[tilespmem:$0x1A400] =	vst v63  }
0x25: {  	_ =	swait.ge [sflag:s23], $0x4000  }
0x26: {  	[sflag:s23] =	ssyncset.done $0x0  }
0x27: {  	s20 =	simm.s32 $0x280;
	[sflag:s23] =	ssyncadd.s32 $0xFFFFC000  }
0x28: {  	[tilespmem:s14], [sflag:$0x1] =	stream.indirect.gather [hbm4b:s3+s13], $0x80, s20, s13, $0xb8;
	[tilespmem:$0x1A400] =	vst v63  }
0x29: {  	_ =	swait.ge [sflag:s24], $0x4000  }
0x2a: {  	[sflag:s24] =	ssyncset.done $0x0  }
0x2b: {  	s4 =	sadd.s32 $0xFFFFE800, s11;
	[sflag:s24] =	ssyncadd.s32 $0xFFFFC000  }
0x2c: {  	[hbm4b:s4+s2] =	stream.linear.scatter [tilespmem:s15], [sflag:$0x7], $0x4000, $0x38;
	[tilespmem:$0x1A400] =	vst v63  }
0x2d: {  	_ =	swait.ge [sflag:s25], $0x4000  }
0x2e: {  	[sflag:s25] =	ssyncset.done $0x0  }
0x2f: {  	s18 =	simm.s32 $0x300;
	[sflag:s25] =	ssyncadd.s32 $0xFFFFC000  }
0x30: {  	[tilespmem:s15], [sflag:$0x2] =	stream.indirect.gather [hbm4b:s3+s13], $0x80, s18, s13, $0xb8;
	[tilespmem:$0x1A400] =	vst v63  }
0x31: {  	_ =	swait.ge [sflag:s26], $0x4000  }
0x32: {  	[sflag:s26] =	ssyncset.done $0x0  }
0x33: {  	s20 =	sadd.s32 $0xFFFFF000, s11;
	[sflag:s26] =	ssyncadd.s32 $0xFFFFC000  }
0x34: {  	[hbm4b:s20+s2] =	stream.linear.scatter [tilespmem:s17], [sflag:$0x8], $0x4000, $0x38;
	[tilespmem:$0x1A400] =	vst v63  }
0x35: {  	_ =	swait.ge [sflag:s28], $0x4000  }
0x36: {  	[sflag:s28] =	ssyncset.done $0x0  }
0x37: {  	s4 =	simm.s32 $0x380;
	[sflag:s28] =	ssyncadd.s32 $0xFFFFC000  }
0x38: {  	[tilespmem:s17], [sflag:$0x3] =	stream.indirect.gather [hbm4b:s3+s13], $0x80, s4, s13, $0xb8;
	[tilespmem:$0x1A400] =	vst v63  }
0x39: {  	_ =	swait.ge [sflag:s29], $0x4000  }
0x3a: {  	[sflag:s29] =	ssyncset.done $0x0  }
0x3b: {  	s18 =	sadd.s32 $0xFFFFF800, s11;
	[sflag:s29] =	ssyncadd.s32 $0xFFFFC000  }
0x3c: {  	[hbm4b:s18+s2] =	stream.linear.scatter [tilespmem:s19], [sflag:$0x9], $0x4000, $0x38;
	[tilespmem:$0x1A400] =	vst v63  }
0x3d: {  	_ =	swait.ge [sflag:s30], $0x4000  }
0x3e: {  	[sflag:s30] =	ssyncset.done $0x0  }
0x3f: {  	s20 =	simm.s32 $0x400;
	[sflag:s30] =	ssyncadd.s32 $0xFFFFC000  }
0x40: {  	[tilespmem:s19], [sflag:$0x4] =	stream.indirect.gather [hbm4b:s3+s13], $0x80, s20, s13, $0xb8;
	[tilespmem:$0x1A400] =	vst v63  }
0x41: {  	_ =	swait.ge [sflag:s31], $0x4000  }
0x42: {  	[sflag:s31] =	ssyncset.done $0x0  }
0x43: {  	[sflag:s31] =	ssyncadd.s32 $0xFFFFC000  }
0x44: {  	[hbm4b:s11+s2] =	stream.linear.scatter [tilespmem:s21], [sflag:$0xA], $0x4000, $0x38;
	[tilespmem:$0x1A400] =	vst v63  }
0x45: {  	_ =	swait.ge [sflag:s1], $0x4000  }
0x46: {  	s16 =	simm.s32 $0xA00;
	[sflag:s1] =	ssyncset.done $0x0  }
0x47: {  	s18 =	sadd.s32 $0x2800, s11;
	s20 =	simm.s32 $0x480;
	[sflag:s1] =	ssyncadd.s32 $0xFFFFC000  }
.LBB2_2:
0x48: {  	[tilespmem:s21], [sflag:$0x5] =	stream.indirect.gather [hbm4b:s3+s13], $0x80, s20, s13, $0xb8;
	[tilespmem:$0x1A400] =	vst v63  }
0x49: {  	s20 =	smov.u32 s16  }
0x4a: {  	p0 =	sne.s32 s16, $0x17C00;
	s16 =	sadd.s32 $0xA00, s16;
	_ =	swait.ge [sflag:s22], $0x4000  }
0x4b: {  	[sflag:s22] =	ssyncset.done $0x0  }
0x4c: {  	s4 =	sadd.s32 $0xFFFFE000, s18;
	[sflag:s22] =	ssyncadd.s32 $0xFFFFC000  }
0x4d: {  	[hbm4b:s4+s2] =	stream.linear.scatter [tilespmem:s14], [sflag:$0x6], $0x4000, $0x38;
	[tilespmem:$0x1A400] =	vst v63  }
0x4e: {  	_ =	swait.ge [sflag:s23], $0x4000  }
0x4f: {  	s20 =	sshra.s32 s20, $0x2;
	[sflag:s23] =	ssyncset.done $0x0  }
0x50: {  	s4 =	sadd.s32 $0x280, s20;
	[sflag:s23] =	ssyncadd.s32 $0xFFFFC000  }
0x51: {  	[tilespmem:s14], [sflag:$0x1] =	stream.indirect.gather [hbm4b:s3+s13], $0x80, s4, s13, $0xb8;
	[tilespmem:$0x1A400] =	vst v63  }
0x52: {  	_ =	swait.ge [sflag:s24], $0x4000  }
0x53: {  	[sflag:s24] =	ssyncset.done $0x0  }
0x54: {  	s4 =	sadd.s32 $0xFFFFE800, s18;
	[sflag:s24] =	ssyncadd.s32 $0xFFFFC000  }
0x55: {  	[hbm4b:s4+s2] =	stream.linear.scatter [tilespmem:s15], [sflag:$0x7], $0x4000, $0x38;
	[tilespmem:$0x1A400] =	vst v63  }
0x56: {  	_ =	swait.ge [sflag:s25], $0x4000  }
0x57: {  	[sflag:s25] =	ssyncset.done $0x0  }
0x58: {  	s4 =	sadd.s32 $0x300, s20;
	[sflag:s25] =	ssyncadd.s32 $0xFFFFC000  }
0x59: {  	[tilespmem:s15], [sflag:$0x2] =	stream.indirect.gather [hbm4b:s3+s13], $0x80, s4, s13, $0xb8;
	[tilespmem:$0x1A400] =	vst v63  }
0x5a: {  	_ =	swait.ge [sflag:s26], $0x4000  }
0x5b: {  	[sflag:s26] =	ssyncset.done $0x0  }
0x5c: {  	s4 =	sadd.s32 $0xFFFFF000, s18;
	[sflag:s26] =	ssyncadd.s32 $0xFFFFC000  }
0x5d: {  	[hbm4b:s4+s2] =	stream.linear.scatter [tilespmem:s17], [sflag:$0x8], $0x4000, $0x38;
	[tilespmem:$0x1A400] =	vst v63  }
0x5e: {  	_ =	swait.ge [sflag:s28], $0x4000  }
0x5f: {  	[sflag:s28] =	ssyncset.done $0x0  }
0x60: {  	s4 =	sadd.s32 $0x380, s20;
	[sflag:s28] =	ssyncadd.s32 $0xFFFFC000  }
0x61: {  	[tilespmem:s17], [sflag:$0x3] =	stream.indirect.gather [hbm4b:s3+s13], $0x80, s4, s13, $0xb8;
	[tilespmem:$0x1A400] =	vst v63  }
0x62: {  	_ =	swait.ge [sflag:s29], $0x4000  }
0x63: {  	[sflag:s29] =	ssyncset.done $0x0  }
0x64: {  	s4 =	sadd.s32 $0xFFFFF800, s18;
	[sflag:s29] =	ssyncadd.s32 $0xFFFFC000  }
0x65: {  	[hbm4b:s4+s2] =	stream.linear.scatter [tilespmem:s19], [sflag:$0x9], $0x4000, $0x38;
	[tilespmem:$0x1A400] =	vst v63  }
0x66: {  	_ =	swait.ge [sflag:s30], $0x4000  }
0x67: {  	[sflag:s30] =	ssyncset.done $0x0  }
0x68: {  	s4 =	sadd.s32 $0x400, s20;
	[sflag:s30] =	ssyncadd.s32 $0xFFFFC000  }
0x69: {  	[tilespmem:s19], [sflag:$0x4] =	stream.indirect.gather [hbm4b:s3+s13], $0x80, s4, s13, $0xb8;
	[tilespmem:$0x1A400] =	vst v63  }
0x6a: {  	_ =	swait.ge [sflag:s31], $0x4000  }
0x6b: {  	[sflag:s31] =	ssyncset.done $0x0  }
.Ltmp0:
0x6c: {  	[sflag:s31] =	ssyncadd.s32 $0xFFFFC000;
	(pc) =	sbr.rel @p0 .LBB2_2-.Ltmp0, $4  }
0x6d: {  	[hbm4b:s18+s2] =	stream.linear.scatter [tilespmem:s21], [sflag:$0xA], $0x4000, $0x38;
	[tilespmem:$0x1A400] =	vst v63  }
0x6e: {  	_ =	swait.ge [sflag:s1], $0x4000  }
0x6f: {  	[sflag:s1] =	ssyncset.done $0x0  }
0x70: {  	s20 =	sadd.s32 $0x480, s20;
	s18 =	sadd.s32 $0x2800, s18;
	[sflag:s1] =	ssyncadd.s32 $0xFFFFC000  }
0x71: {  	[tilespmem:s21], [sflag:$0x5] =	stream.indirect.gather [hbm4b:s3+s13], $0x80, s20, s13, $0xb8;
	[tilespmem:$0x1A400] =	vst v63  }
0x72: {  	_ =	swait.ge [sflag:s22], $0x4000  }
0x73: {  	[sflag:s22] =	ssyncset.done $0x0  }
0x74: {  	[sflag:s22] =	ssyncadd.s32 $0xFFFFC000  }
0x75: {  	[hbm4b:s5+s2] =	stream.linear.scatter [tilespmem:s14], [sflag:$0x6], $0x4000, $0x38;
	[tilespmem:$0x1A400] =	vst v63  }
0x76: {  	_ =	swait.ge [sflag:s24], $0x4000  }
0x77: {  	[sflag:s24] =	ssyncset.done $0x0  }
0x78: {  	[sflag:s24] =	ssyncadd.s32 $0xFFFFC000  }
0x79: {  	[hbm4b:s6+s2] =	stream.linear.scatter [tilespmem:s15], [sflag:$0x7], $0x4000, $0x38;
	[tilespmem:$0x1A400] =	vst v63  }
0x7a: {  	_ =	swait.ge [sflag:s26], $0x4000  }
0x7b: {  	[sflag:s26] =	ssyncset.done $0x0  }
0x7c: {  	[sflag:s26] =	ssyncadd.s32 $0xFFFFC000  }
0x7d: {  	[hbm4b:s7+s2] =	stream.linear.scatter [tilespmem:s17], [sflag:$0x8], $0x4000, $0x38;
	[tilespmem:$0x1A400] =	vst v63  }
0x7e: {  	_ =	swait.ge [sflag:s29], $0x4000  }
0x7f: {  	[sflag:s29] =	ssyncset.done $0x0  }
0x80: {  	[sflag:s29] =	ssyncadd.s32 $0xFFFFC000  }
0x81: {  	[hbm4b:s8+s2] =	stream.linear.scatter [tilespmem:s19], [sflag:$0x9], $0x4000, $0x38;
	[tilespmem:$0x1A400] =	vst v63  }
0x82: {  	_ =	swait.ge [sflag:s31], $0x4000  }
0x83: {  	[sflag:s31] =	ssyncset.done $0x0  }
0x84: {  	[sflag:s31] =	ssyncadd.s32 $0xFFFFC000  }
0x85: {  	[hbm4b:s9+s2] =	stream.linear.scatter [tilespmem:s21], [sflag:$0xA], $0x4000, $0x38;
	[tilespmem:$0x1A400] =	vst v63  }
0x86: {  	_ =	swait.ge [sflag:s23], $0x4000  }
0x87: {  	[sflag:s23] =	ssyncset.done $0x0  }
0x88: {  	[sflag:s23] =	ssyncadd.s32 $0xFFFFC000  }
0x89: {  	_ =	swait.ge [sflag:s25], $0x4000  }
0x8a: {  	[sflag:s25] =	ssyncset.done $0x0  }
0x8b: {  	[sflag:s25] =	ssyncadd.s32 $0xFFFFC000  }
0x8c: {  	_ =	swait.ge [sflag:s28], $0x4000  }
0x8d: {  	[sflag:s28] =	ssyncset.done $0x0  }
0x8e: {  	s0 =	sadd.s32 $0x1, s0;
	[sflag:s28] =	ssyncadd.s32 $0xFFFFC000  }
0x8f: {  	p0 =	sne.s32 s0, s10;
	_ =	swait.ge [sflag:s30], $0x4000  }
.Ltmp1:
0x90: {  	[sflag:s30] =	ssyncset.done $0x0;
	(pc) =	sbr.rel @p0 .LBB2_1-.Ltmp1, $4  }
0x91: {  	[sflag:s30] =	ssyncadd.s32 $0xFFFFC000  }
0x92: {  	_ =	swait.ge [sflag:s1], $0x4000  }
0x93: {  	[sflag:s1] =	ssyncset.done $0x0  }
0x94: {  	[sflag:s1] =	ssyncadd.s32 $0xFFFFC000  }
0x95: {  	_ =	sfence.sel $0x180000  }
0x96: {  	[bflag:$0x0] =	sbarrier.arrive $0xFFFF  }
0x97: {  	_ =	strace $0x9000004A  }
0x98: {  	s0 =	stileid.u32;
	[bflag:$0x2] =	sbarrier.arrive $0xFFFF  }
0x99: {  	p0 =	sne.s32 s0, $0x0;
	s0 =	rddreg [dreg:$0x2]  }
0x9a: {  	s0 =	sadd.s32 @!p0 $0x100000, s0  }
0x9b: {  	[sflag:s0] =	ssyncadd.tile.s32 @!p0 $0x1;
	_ =	shalt  }
.Lfunc_end2:
_tile_overlayer_lowered:
.L_overlay_start_2:
0x9c: {  	(tag) =	ssettag $0x2  }
0x9d: {  	s0 =	rddreg [dreg:$0x0];
	s2 =	stileid.u32  }
0x9e: {  	s1 =	rddreg [dreg:$0x1];
	p0 =	sne.s32 s2, $0x0  }
0x9f: {  	s3 =	rddreg [dreg:$0x2];
	[bflag:$0x3] =	sbarrier.arrive $0xFFFF;
	s2 =	simm.s32 @!p0 $0x1C0B  }
0xa0: {  	[timem:s3], [sflag:s2] =	dma.local @!p0 [hbm:s0], s1  }
0xa1: {  	s0 =	simm.s32 @!p0 $0xB  }
0xa2: {  	_ =	swait.ge @!p0 [sflag:s0], s1  }
0xa3: {  	s1 =	ssub.s32 @!p0 $0x0, s1;
	[sflag:s0] =	ssyncset.done @!p0 $0x0  }
0xa4: {  	[sflag:s0] =	ssyncadd.s32 @!p0 s1  }
0xa5: {  	[bflag:$0x3] =	sbarrier.arrive $0xFFFF  }
0xa6: {  	_ =	shalt  }

// kernel: sparse-core-data-format-call.cloned.1.call-start
scs
called_computation_lowered:
.L_overlay_start_0:
0x0: {  	s2 =	sld [smem:$0x3FD9]  }
0x1: {  	s3 =	sld [smem:$0x3FFE];
	_ =	sdelay $0x1  }
0x2: {  	s1 =	srdreg.scid  }
0x3: {  	s0 =	sand.u32 $0x1, s1  }
0x4: {  	s18 =	sshll.u32 s0, $0xA;
	s2 =	sadd.s32 s3, s2  }
0x5: {  	s2 =	sadd.s32 s2, s18  }
0x6: {  	[smem:$0x3FC6] =	sst s2  }
0x7: {  	_ = 	snop  }
0x8: {  	s2 =	sld [smem:$0x3FD0];
	(tm) =	ssettm $0x1  }
0x9: {  	s19 =	sld [smem:$0x3FFB];
	_ =	sdelay $0x3  }
0xa: {  	_ =	strace s19  }
0xb: {  	s3 =	sld [smem:$0x3FFC];
	_ =	sdelay $0x3  }
0xc: {  	_ =	strace s3  }
0xd: {  	s3 =	sld [smem:$0x3FFD];
	_ =	sdelay $0x3  }
0xe: {  	_ =	strace s3  }
0xf: {  	_ =	strace $0x8FFFFFFF  }
0x10: {  	s20 =	sld [smem:$0x3FDB];
	_ =	sdelay $0x1  }
0x11: {  	s4 =	simm.s32 $_scs_section_size  }
0x12: {  	s5 =	simm.s32 $_size__tile_overlayer_lowered;
	s6 =	simm.s32 $_tile_overlayer_lowered  }
0x13: {  	s23 =	simm.s32 $0x1BFF;
	s22 =	sshll.u32 s6, $0x1;
	s3 =	sadd.s32 s4, s20  }
0x14: {  	s7 =	simm.s32 $0x0;
	s21 =	sshll.u32 s5, $0x1;
	s5 =	sadd.s32 s22, s3  }
0x15: {  	[timem:s7], [sflag:s23] =	dma.local [hbm:s5], s21  }
0x16: {  	_ =	swait.ge [sflag:s23], s21  }
0x17: {  	s4 =	ssub.s32 $0x0, s21;
	[sflag:s23] =	ssyncset.done $0x0  }
0x18: {  	[sflag:s23] =	ssyncadd.s32 s4;
	_ =	sdelay $0x1  }
0x19: {  	s24 =	simm.s32 $0x1B8B  }
0x1a: {  	_ =	swait.ge [sflag:s24], $0x1  }
0x1b: {  	[sflag:s24] =	ssyncset.done $0x0  }
0x1c: {  	s26 =	simm.s32 $0x1B8E;
	s25 =	sld [smem:$0x3FFE];
	[sflag:s24] =	ssyncadd.s32 $0xFFFFFFFF  }
0x1d: {  	s27 =	simm.s32 $execute0_lowered;
	[smem:$0x3FD2] =	sst s26  }
0x1e: {  	s5 =	sshll.u32 s27, $0x1;
	_ =	strace $0x8000004C;
	[dreg:$0x1] =	wrdreg $0xFFFFFFFF  }
0x1f: {  	s28 =	simm.s32 $_size_execute0_lowered;
	s3 =	sadd.s32 s3, s5;
	[dreg:$0x0] =	wrdreg $0x0  }
0x20: {  	s5 =	sshll.u32 s28, $0x1;
	[dreg:$0x2] =	wrdreg s3  }
0x21: {  	[dreg:$0x3] =	wrdreg s5  }
0x22: {  	[dreg:$0x4] =	wrdreg $0xC0  }
0x23: {  	_ =	task [dreg:s7], $0x5FFFF  }
0x24: {  	[dreg:$0x1] =	wrdreg $0xFFFFFFFF  }
0x25: {  	[dreg:$0x0] =	wrdreg $0x60  }
0x26: {  	[dreg:$0x2] =	wrdreg s25  }
0x27: {  	[dreg:$0x3] =	wrdreg s2  }
0x28: {  	[dreg:$0x4] =	wrdreg $0x9  }
0x29: {  	_ =	task.clear_ibuf [dreg:s7], $0x5FFFF;
	_ =	strace $0x9000004C  }
0x2a: {  	s29 =	simm.s32 $0x9;
	_ =	strace $0x8000004E  }
0x2b: {  	_ =	swait.ge [sflag:s29], $0x1  }
0x2c: {  	[sflag:s29] =	ssyncadd.s32 $0xFFFFFFFF  }
0x2d: {  	_ =	strace $0x9000004E  }
0x2e: {  	_ =	sfence  }
0x2f: {  	s30 =	sld [smem:$0x0];
	_ =	sdelay $0x2  }
0x30: {  	s31 =	sshll.u32 s1, $0xD;
	s1 =	sshrl.u32 s1, $0x2  }
0x31: {  	s3 =	sand.u32 $0x4000, s31;
	s1 =	sadd.s32 s1, s30  }
0x32: {  	s0 =	sor.u32 s3, s0;
	s1 =	sshll.u32 s1, $0x11  }
0x33: {  	s0 =	sor.u32 s1, s0  }
0x34: {  	s0 =	sadd.s32 $0x8F2B, s0  }
0x35: {  	[sflag:s0] =	ssyncadd.remote.s32 $0x1  }
0x36: {  	_ =	sfence.sel $0xFFFF  }
0x37: {  	[dreg:$0x0] =	wrdreg $0xFFFFFFFF;
	(pc) =	sbr.abs _section_cstart, $3  }
0x38: {  	[dreg:$0x1] =	wrdreg $0xFFFFFFFF  }
0x39: {  	_ =	task.clear_ibuf [dreg:s7], $0x2FFFF;
	_ =	strace $0x9FFFFFFF  }
0x3a: {  	(tm) =	ssettm $0x7FFFFFFF  }
0x3b: {  	_ =	shalt  }
tec
execute0_lowered:
.L_overlay_start_1:
0x0: {  	(tag) =	ssettag $0x1  }
0x1: {  	s0 =	srdreg.scid  }
0x2: {  	s1 =	sshll.u32 s0, $0x4  }
0x3: {  	s0 =	stileid.u32;
	s1 =	sand.u32 $0x10, s1  }
0x4: {  	s1 =	sor.u32 s0, s1  }
0x5: {  	s6 =	rddreg [dreg:$0x0];
	s4 =	simm.s32 $0x1;
	s2 =	sshll.u32 s1, $0x7  }
0x6: {  	s7 =	simm.s32 $0x2;
	s12 =	simm.s32 $0x0;
	s1 =	ssub.s32 $0x1000, s2  }
0x7: {  	s8 =	simm.s32 $0x8000;
	s13 =	simm.s32 $0x0;
	s3 =	sand.u32 $0xF80, s1  }
0x8: {  	s9 =	simm.s32 $0x0;
	s5 =	sshrl.u32 s1, $0xC;
	p0 =	sne.s32 s3, $0x0  }
.Ltmp0:
0x9: {  	s1 =	rddreg [dreg:$0x2];
	s4 =	simm.s32 @!p0 $0x0;
	(pc) =	sbr.rel .LBB1_1-.Ltmp0, $4  }
0xa: {  	s11 =	simm.s32 $0x0;
	s3 =	rddreg [dreg:$0x1];
	s5 =	sadd.s32 s4, s5  }
0xb: {  	_ =	strace $0x8000004D;
	s4 =	simm.s32 $0x1;
	s5 =	smul.u32 $0xC8, s5  }
0xc: {  	s6 =	sadd.s32 $0xF43600, s6;
	s10 =	smov.u32 s2;
	[sflag:s4] =	ssyncpa.u1 $0x0  }
0xd: {  	p0 =	por $0x0, $0x0;
	[sflag:s7] =	ssyncpa.u1 $0x0;
	s7 =	sor.u32 $0x1, s5  }
.LBB1_4:
0xe: {  	s16 =	sshll.u32 s13, $0x3;
	s17 =	sand.u32 $0x78, s13  }
0xf: {  	s30 =	sand.u32 $0x7E00, s13;
	s12 =	sshll.u32 s12, $0xF;
	s16 =	sand.u32 $0xC00, s16  }
0x10: {  	[tilespmem:s15+$0x810 ss:$0x81] =	vst.msk $0xffff, v2;
	s31 =	sand.u32 $0x7, s13;
	s16 =	sor.u32 s17, s16;
	s17 =	sadd.s32 s3, s30  }
0x11: {  	[tilespmem:s15+$0x1020 ss:$0x81] =	vst.msk $0xffff, v0;
	s13 =	sshll.u32 s31, $0x12;
	s12 =	sadd.s32 s12, s17;
	s16 =	sshrl.u32 s16, $0x3  }
0x12: {  	[tilespmem:s15+$0x0 ss:$0x81] =	vst.msk $0xffff, v1;
	s13 =	sor.u32 $0x400, s13;
	s12 =	sadd.s32 s16, s12  }
0x13: {  	[hbm4b:s12+s13] =	stream.strided.scatter [tilespmem:s14], [sflag:$0x2], $0x2000, s8, s13, $0x20;
	[tilespmem:$0x8080] =	vst v63  }
.LBB1_5:
0x14: {  	s14 =	sadd.s32 $0x1, s9  }
0x15: {  	s12 =	sadd.s32 $0x1000, s10;
	s16 =	smov.u32 s10;
	p2 =	sgt.s32 s14, $0xC7  }
0x16: {  	s16 =	smov.u32 @p2 s12  }
0x17: {  	s14 =	simm.s32 @p2 $0x0;
	p2 =	sgt.s32 s16, $0xFFF  }
0x18: {  	s16 =	smov.u32 @p2 s2;
	p2 =	sne.s32 s11, s7  }
.Ltmp1:
0x19: {  	p1 =	slt.u32 s11, $0x2;
	(pc) =	sbr.rel @!p2 .LBB1_6-.Ltmp1, $4  }
0x1a: {  	s15 =	simm.s32 @!p1 $0x2  }
0x1b: {  	s13 =	smov.u32 s10;
	p0 =	por !p0, !p0;
	_ =	swait.ge @!p1 [sflag:s15], $0x2000  }
0x1c: {  	s12 =	smov.u32 s9;
	[sflag:s15] =	ssyncset.done @!p1 $0x0;
	s9 =	smov.u32 s14  }
0x1d: {  	s11 =	sadd.s32 $0x1, s11;
	[sflag:s15] =	ssyncadd.s32 @!p1 $0xFFFFE000;
	s10 =	smov.u32 s16  }
.LBB1_1:
0x1e: {  	p1 =	sge.u32 s11, s5  }
0x1f: {  	s14 =	sand.u32 @!p1 $0x1FFFFFF, s9  }
0x20: {  	s15 =	smulhi.u32 @!p1 $0x147AE15, s14;
	_ =	sdelay $0x1  }
0x21: {  	s15 =	smul.u32 @!p1 $0xC8, s15  }
0x22: {  	s16 =	sxor.u32 @!p1 $0xFFFFFFFF, s11;
	s17 =	smul.u32 @!p1 $0xC80, s10  }
0x23: {  	s31 =	sadd.s32 $0xFFFFFFFF, s11;
	s16 =	sshll.u32 @!p1 s16, $0xD;
	s14 =	ssub.s32 @!p1 s14, s15  }
0x24: {  	s15 =	sand.u32 @!p1 $0x2000, s16;
	s16 =	sadd.s32 @!p1 s6, s17;
	s14 =	sshll.u32 @!p1 s14, $0x4  }
0x25: {  	s17 =	simm.s32 @!p1 $0x6400;
	s14 =	sadd.s32 @!p1 s14, s16;
	s16 =	simm.s32 @!p1 $0x40  }
0x26: {  	[tilespmem:s15], [sflag:$0x1] =	stream.strided.gather @!p1 [hbm4b:s14+s16], $0x2000, s17, s16, $0x38;
	[tilespmem:$0x8080] =	vst v63  }
0x27: {  	p1 =	sge.u32 s31, s5  }
.Ltmp2:
0x28: {  	_ = 	snop;
	(pc) =	sbr.rel @p1 .LBB1_5-.Ltmp2, $1  }
0x29: {  	_ =	sdelay $0x3  }
0x2a: {  	s14 =	simm.s32 $0x1  }
0x2b: {  	_ =	swait.ge [sflag:s4], $0x2000;
	s14 =	simm.s32 @!p0 $0x0  }
0x2c: {  	[sflag:s4] =	ssyncset.done $0x0;
	s15 =	sshll.u32 s14, $0xD  }
0x2d: {  	[sflag:s4] =	ssyncadd.s32 $0xFFFFE000;
	s18 =	sor.u32 $0x20, s15  }
0x2e: {  	s14 =	smul.u32 $0x8100, s14;
	v3 =	vld [tilespmem:s18+$0x10]  }
0x2f: {  	s30 =	sand.u32 $0x1, s11;
	v2 =	vld [tilespmem:s18+$0xFFFFFFF0]  }
0x30: {  	s15 =	smul.u32 $0x8100, s30;
	s14 =	sshrl.u32 s14, $0x2;
	v0 =	vld [tilespmem:s18+$0x0]  }
0x31: {  	v1 =	vld [tilespmem:s18+$0xFFFFFFE0];
	s16 =	sor.u32 $0x4000, s14  }
0x32: {  	s31 =	sshrl.u32 s15, $0x2;
	s15 =	sadd.s32 $0x0, s16  }
0x33: {  	s17 =	simm.s32 $0x4;
	s18 =	sadd.s32 $0x40, s18;
	s14 =	sor.u32 $0x4000, s31;
	[tilespmem:s15+$0x1830 ss:$0x81] =	vst.msk $0xffff, v3  }
.LBB1_3:
0x34: {  	v3 =	vld [tilespmem:s18+$0x10];
	p1 =	sne.s32 s17, $0x1FC;
	[tilespmem:s15+$0x810 ss:$0x81] =	vst.msk $0xffff, v2;
	s19 =	smov.u32 s17;
	s17 =	sadd.s32 $0x4, s17  }
.Ltmp3:
0x35: {  	v2 =	vld [tilespmem:s18+$0xFFFFFFF0];
	[tilespmem:s15+$0x1020 ss:$0x81] =	vst.msk $0xffff, v0;
	(pc) =	sbr.rel @p1 .LBB1_3-.Ltmp3, $4  }
0x36: {  	v0 =	vld [tilespmem:s18+$0x0];
	[tilespmem:s15+$0x0 ss:$0x81] =	vst.msk $0xffff, v1  }
0x37: {  	s15 =	sshra.s32 s19, $0x2;
	v1 =	vld [tilespmem:s18+$0xFFFFFFE0]  }
0x38: {  	s15 =	sadd.s32 s15, s16  }
0x39: {  	s18 =	sadd.s32 $0x40, s18;
	[tilespmem:s15+$0x1830 ss:$0x81] =	vst.msk $0xffff, v3  }
.Ltmp4:
0x3a: {  	_ = 	snop;
	(pc) =	sbr.rel .LBB1_4-.Ltmp4, $1  }
0x3b: {  	_ =	sdelay $0x3  }
.LBB1_6:
0x3c: {  	_ =	sfence.sel $0x180000  }
0x3d: {  	s2 =	simm.s32 $0x1;
	[bflag:$0x0] =	sbarrier.arrive $0xFFFF  }
0x3e: {  	s31 =	simm.s32 $0x2;
	[sflag:s2] =	ssyncpa.u1 $0x1  }
0x3f: {  	[sflag:s31] =	ssyncpa.u1 $0x1  }
0x40: {  	p0 =	sne.s32 s0, $0x0;
	_ =	strace $0x9000004D  }
0x41: {  	s0 =	sadd.s32 @!p0 $0x100000, s1;
	[bflag:$0x2] =	sbarrier.arrive $0xFFFF  }
0x42: {  	[sflag:s0] =	ssyncadd.tile.s32 @!p0 $0x1;
	_ =	shalt  }
.Lfunc_end1:
_tile_overlayer_lowered:
.L_overlay_start_2:
0x43: {  	(tag) =	ssettag $0x2  }
0x44: {  	s0 =	rddreg [dreg:$0x0];
	s2 =	stileid.u32  }
0x45: {  	s1 =	rddreg [dreg:$0x1];
	p0 =	sne.s32 s2, $0x0  }
0x46: {  	s3 =	rddreg [dreg:$0x2];
	[bflag:$0x3] =	sbarrier.arrive $0xFFFF;
	s2 =	simm.s32 @!p0 $0x1C01  }
0x47: {  	[timem:s3], [sflag:s2] =	dma.local @!p0 [hbm:s0], s1  }
0x48: {  	s0 =	simm.s32 @!p0 $0x1  }
0x49: {  	_ =	swait.ge @!p0 [sflag:s0], s1  }
0x4a: {  	s1 =	ssub.s32 @!p0 $0x0, s1;
	[sflag:s0] =	ssyncset.done @!p0 $0x0  }
0x4b: {  	[sflag:s0] =	ssyncadd.s32 @!p0 s1  }
0x4c: {  	[bflag:$0x3] =	sbarrier.arrive $0xFFFF  }
0x4d: {  	_ =	shalt  }

</sc_bundles>
